<compile_context>
chip_gen: v7x
topology: tpu7x:2x2x1
jax: 0.10.2.dev20260603
libtpu: 0.0.44.dev20260713+nightly
codegen_flags: <defaults>
</compile_context>

<pallas_src>
import functools

import jax
import jax.numpy as jnp
from jax import lax
from jax.experimental import pallas as pl
from jax.experimental.pallas import tpu as pltpu
from jax.experimental.pallas import tpu_sc as plsc

ND = 10000
NE = 320000
D = 128
D2 = 256
NG = 128
NL = 5
FC1 = 512
TASKS = 128

BLK = 2000
NB = ND // BLK
EB = 4000
NEB = NE // EB

NTILES = 32
EPT = NE // NTILES
CH = 80
NCH = EPT // CH
NDP = 10240
RPT = NDP // 16


def _sc_msg_body(hcur_hbm, e_hbm, src_hbm, dst_hbm, zeros_hbm, out_hbm,
                 src_v, dst_v, rows_v, e_v, agg_sh, sem):
    cid = lax.axis_index("c")
    sid = lax.axis_index("s")
    wid = cid * 16 + sid
    pltpu.sync_copy(zeros_hbm.at[pl.ds(sid * RPT, RPT)],
                    agg_sh.at[pl.ds(sid * RPT, RPT)])
    plsc.subcore_barrier()
    ebase = wid * EPT

    def chunk(c, carry):
        base = ebase + c * CH
        pltpu.sync_copy(src_hbm.at[pl.ds(base, CH)], src_v)
        pltpu.sync_copy(dst_hbm.at[pl.ds(base, CH)], dst_v)
        gat = pltpu.async_copy(hcur_hbm.at[src_v], rows_v, sem)
        pltpu.sync_copy(e_hbm.at[pl.ds(base, CH)], e_v)
        gat.wait()

        def row(r, carry2):
            for k in range(8):
                sl = pl.ds(k * 16, 16)
                v = rows_v[r, sl] + e_v[r, sl]
                rows_v[r, sl] = jnp.maximum(v, 0.0)
            return carry2

        lax.fori_loop(0, CH, row, 0)
        pltpu.sync_copy(rows_v, agg_sh.at[dst_v], add=True)
        return carry

    lax.fori_loop(0, NCH, chunk, 0)
    plsc.subcore_barrier()
    pltpu.sync_copy(agg_sh.at[pl.ds(sid * RPT, RPT)],
                    out_hbm.at[cid, pl.ds(sid * RPT, RPT)])


_sc_msg = pl.kernel(
    _sc_msg_body,
    out_type=jax.ShapeDtypeStruct((2, NDP, D), jnp.float32),
    mesh=plsc.VectorSubcoreMesh(core_axis_name="c", subcore_axis_name="s"),
    scratch_types=[
        pltpu.VMEM((CH,), jnp.int32),
        pltpu.VMEM((CH,), jnp.int32),
        pltpu.VMEM((CH, D), jnp.float32),
        pltpu.VMEM((CH, D), jnp.float32),
        pltpu.VMEM_SHARED((NDP, D), jnp.float32),
        pltpu.SemaphoreType.DMA,
    ],
)


def _prep_body(x_ref, w_ref, b_ref, vn0_ref, batch_ref,
               h_ref, hcur_ref, oh_ref):
    h = jnp.dot(x_ref[...], w_ref[...],
                preferred_element_type=jnp.float32) + b_ref[...]
    h_ref[...] = h
    hcur_ref[...] = h + vn0_ref[...]
    gi = lax.broadcasted_iota(jnp.int32, (BLK, NG), 1)
    oh_ref[...] = (batch_ref[...] == gi).astype(jnp.float32)


_prep = pl.pallas_call(
    _prep_body,
    grid=(NB,),
    in_specs=[
        pl.BlockSpec((BLK, D), lambda i: (i, 0)),
        pl.BlockSpec((D, D), lambda i: (0, 0)),
        pl.BlockSpec((1, D), lambda i: (0, 0)),
        pl.BlockSpec((1, D), lambda i: (0, 0)),
        pl.BlockSpec((BLK, 1), lambda i: (i, 0)),
    ],
    out_specs=[
        pl.BlockSpec((BLK, D), lambda i: (i, 0)),
        pl.BlockSpec((BLK, D), lambda i: (i, 0)),
        pl.BlockSpec((BLK, NG), lambda i: (i, 0)),
    ],
    out_shape=[
        jax.ShapeDtypeStruct((ND, D), jnp.float32),
        jax.ShapeDtypeStruct((ND, D), jnp.float32),
        jax.ShapeDtypeStruct((ND, NG), jnp.float32),
    ],
)


def _edge_body(ea_ref, w_ref, b_ref, e_ref):
    e_ref[...] = jnp.dot(ea_ref[...], w_ref[...],
                         preferred_element_type=jnp.float32) + b_ref[...]


_edge_enc = pl.pallas_call(
    _edge_body,
    grid=(NEB,),
    in_specs=[
        pl.BlockSpec((EB, 16), lambda i: (i, 0)),
        pl.BlockSpec((16, D), lambda i: (0, 0)),
        pl.BlockSpec((1, D), lambda i: (0, 0)),
    ],
    out_specs=pl.BlockSpec((EB, D), lambda i: (i, 0)),
    out_shape=jax.ShapeDtypeStruct((NE, D), jnp.float32),
)


def _mlp_body(hcur_ref, agg_ref, sc_ref, w1_ref, b1_ref, w2_ref, b2_ref,
              z1_ref, st_ref):
    i = pl.program_id(0)
    z0 = sc_ref[...] * hcur_ref[...] + (agg_ref[0] + agg_ref[1])
    t = jnp.maximum(jnp.dot(z0, w1_ref[...],
                            preferred_element_type=jnp.float32) + b1_ref[...],
                    0.0)
    z1 = jnp.dot(t, w2_ref[...],
                 preferred_element_type=jnp.float32) + b2_ref[...]
    z1_ref[...] = z1
    s1 = jnp.sum(z1, axis=0, keepdims=True)
    st = jnp.concatenate([s1, jnp.zeros((7, D), jnp.float32)], axis=0)

    @pl.when(i == 0)
    def _():
        st_ref[...] = jnp.zeros_like(st_ref)

    st_ref[...] += st


_mlp = pl.pallas_call(
    _mlp_body,
    grid=(NB,),
    in_specs=[
        pl.BlockSpec((BLK, D), lambda i: (i, 0)),
        pl.BlockSpec((2, BLK, D), lambda i: (0, i, 0)),
        pl.BlockSpec((1, D), lambda i: (0, 0)),
        pl.BlockSpec((D, D2), lambda i: (0, 0)),
        pl.BlockSpec((1, D2), lambda i: (0, 0)),
        pl.BlockSpec((D2, D), lambda i: (0, 0)),
        pl.BlockSpec((1, D), lambda i: (0, 0)),
    ],
    out_specs=[
        pl.BlockSpec((BLK, D), lambda i: (i, 0)),
        pl.BlockSpec((8, D), lambda i: (0, 0)),
    ],
    out_shape=[
        jax.ShapeDtypeStruct((ND, D), jnp.float32),
        jax.ShapeDtypeStruct((8, D), jnp.float32),
    ],
)


def _tree8(acc):
    s4 = acc[0:4, :] + acc[4:8, :]
    s2 = s4[0:2, :] + s4[2:4, :]
    return s2[0:1, :] + s2[1:2, :]


def _stats_body(z1_ref, o_ref):
    half = ND // 16

    def stepA(k, acc):
        return acc + z1_ref[pl.ds(k * 8, 8), :]

    def stepB(k, acc):
        return acc + z1_ref[pl.ds(ND // 2 + k * 8, 8), :]

    def step1(k, acc):
        return acc + z1_ref[pl.ds(k * 8, 8), :]

    acc1 = lax.fori_loop(0, ND // 8, step1, jnp.zeros((8, D), jnp.float32))
    s1 = _tree8(acc1)
    mu = s1 * 0.0001

    def sqA(k, acc):
        d = z1_ref[pl.ds(k * 8, 8), :] - mu
        return acc + d * d

    def sqB(k, acc):
        d = z1_ref[pl.ds(ND // 2 + k * 8, 8), :] - mu
        return acc + d * d

    qA = lax.fori_loop(0, half, sqA, jnp.zeros((8, D), jnp.float32))
    qB = lax.fori_loop(0, half, sqB, jnp.zeros((8, D), jnp.float32))
    ssq = _tree8(qA) + _tree8(qB)
    o_ref[...] = jnp.concatenate(
        [s1, ssq, jnp.zeros((6, D), jnp.float32)], axis=0)


_stats = pl.pallas_call(
    _stats_body,
    out_shape=jax.ShapeDtypeStruct((8, D), jnp.float32),
)


def _post_body(z1_ref, st_ref, hprev_ref, jk_ref, oh_ref, g_ref, bta_ref,
               vn_ref, vw1_ref, vb1_ref, vw2_ref, vb2_ref,
               z_ref, jk_out_ref, vnnew_ref, seg_ref, *, last):
    i = pl.program_id(0)
    mu = st_ref[0:1, :] * 0.0001
    var = st_ref[1:2, :] * 0.0001
    zn = (g_ref[...] * (z1_ref[...] - mu) / jnp.sqrt(var + 1e-5)
          + bta_ref[...])
    if not last:
        zn = jnp.maximum(zn, 0.0)
    z = zn + hprev_ref[...]
    z_ref[...] = z
    jk_out_ref[...] = jk_ref[...] + z
    seg = lax.dot_general(oh_ref[...], z, (((0,), (0,)), ((), ())),
                          preferred_element_type=jnp.float32,
                          precision=lax.Precision.HIGHEST)

    @pl.when(i == 0)
    def _():
        seg_ref[...] = jnp.zeros_like(seg_ref)
        vnnew_ref[...] = jnp.zeros_like(vnnew_ref)

    seg_ref[...] += seg

    @pl.when(i == NB - 1)
    def _():
        vt = seg_ref[...] + vn_ref[...]
        t = jnp.maximum(
            jnp.dot(vt, vw1_ref[...],
                    preferred_element_type=jnp.float32) + vb1_ref[...],
            0.0)
        vnnew_ref[...] = vn_ref[...] + jnp.maximum(
            jnp.dot(t, vw2_ref[...],
                    preferred_element_type=jnp.float32) + vb2_ref[...],
            0.0)


def _make_post(last):
    return pl.pallas_call(
        functools.partial(_post_body, last=last),
        grid=(NB,),
        in_specs=[
            pl.BlockSpec((BLK, D), lambda i: (i, 0)),
            pl.BlockSpec((8, D), lambda i: (0, 0)),
            pl.BlockSpec((BLK, D), lambda i: (i, 0)),
            pl.BlockSpec((BLK, D), lambda i: (i, 0)),
            pl.BlockSpec((BLK, NG), lambda i: (i, 0)),
            pl.BlockSpec((1, D), lambda i: (0, 0)),
            pl.BlockSpec((1, D), lambda i: (0, 0)),
            pl.BlockSpec((NG, D), lambda i: (0, 0)),
            pl.BlockSpec((D, D2), lambda i: (0, 0)),
            pl.BlockSpec((1, D2), lambda i: (0, 0)),
            pl.BlockSpec((D2, D), lambda i: (0, 0)),
            pl.BlockSpec((1, D), lambda i: (0, 0)),
        ],
        out_specs=[
            pl.BlockSpec((BLK, D), lambda i: (i, 0)),
            pl.BlockSpec((BLK, D), lambda i: (i, 0)),
            pl.BlockSpec((NG, D), lambda i: (0, 0)),
        ],
        out_shape=[
            jax.ShapeDtypeStruct((ND, D), jnp.float32),
            jax.ShapeDtypeStruct((ND, D), jnp.float32),
            jax.ShapeDtypeStruct((NG, D), jnp.float32),
        ],
        scratch_shapes=[
            pltpu.VMEM((NG, D), jnp.float32),
        ],
    )


_post_mid = _make_post(last=False)
_post_last = _make_post(last=True)


def _next_body(z_ref, oh_ref, vn_ref, hcur_ref):
    hcur_ref[...] = z_ref[...] + jnp.dot(
        oh_ref[...], vn_ref[...], preferred_element_type=jnp.float32,
        precision=lax.Precision.HIGHEST)


_next_hcur = pl.pallas_call(
    _next_body,
    grid=(NB,),
    in_specs=[
        pl.BlockSpec((BLK, D), lambda i: (i, 0)),
        pl.BlockSpec((BLK, NG), lambda i: (i, 0)),
        pl.BlockSpec((NG, D), lambda i: (0, 0)),
    ],
    out_specs=pl.BlockSpec((BLK, D), lambda i: (i, 0)),
    out_shape=jax.ShapeDtypeStruct((ND, D), jnp.float32),
)


def _head_body(jk_ref, w1_ref, b1_ref, w2_ref, b2_ref, out_ref):
    t = jnp.dot(jk_ref[...], w1_ref[...],
                preferred_element_type=jnp.float32,
                            precision=lax.Precision.HIGHEST) + b1_ref[...]
    t = jnp.where(t > 0, t, 0.1 * t)
    out_ref[...] = jnp.dot(t, w2_ref[...],
                           preferred_element_type=jnp.float32) + b2_ref[...]


_head = pl.pallas_call(
    _head_body,
    grid=(NB,),
    in_specs=[
        pl.BlockSpec((BLK, D), lambda i: (i, 0)),
        pl.BlockSpec((D, FC1), lambda i: (0, 0)),
        pl.BlockSpec((1, FC1), lambda i: (0, 0)),
        pl.BlockSpec((FC1, TASKS), lambda i: (0, 0)),
        pl.BlockSpec((1, TASKS), lambda i: (0, 0)),
    ],
    out_specs=pl.BlockSpec((BLK, TASKS), lambda i: (i, 0)),
    out_shape=jax.ShapeDtypeStruct((ND, TASKS), jnp.float32),
)


def kernel(x, edge_attr, params, edge_index, batch):
    src = edge_index[0]
    dst = edge_index[1]
    batch2 = batch.reshape(ND, 1)
    zeros_nd = jnp.zeros((ND, D), jnp.float32)
    zeros_pad = jnp.zeros((NDP, D), jnp.float32)
    vn0_row = params["vn_emb0"].reshape(1, D)

    h0, hcur, onehot = _prep(x, params["node_enc_w"],
                             params["node_enc_b"].reshape(1, D),
                             vn0_row, batch2)

    es = [_edge_enc(edge_attr, params["edge_w"][l],
                    params["edge_b"][l].reshape(1, D)) for l in range(NL)]

    vn = jnp.broadcast_to(vn0_row, (NG, D))
    jk = zeros_nd
    hprev = h0
    for l in range(NL):
        agg2 = _sc_msg(hcur, es[l], src, dst, zeros_pad)
        scale = jnp.broadcast_to((1.0 + params["eps"][l]).reshape(1, 1),
                                 (1, D))
        z1, _ = _mlp(hcur, agg2, scale,
                     params["mlp_w1"][l], params["mlp_b1"][l].reshape(1, D2),
                     params["mlp_w2"][l], params["mlp_b2"][l].reshape(1, D))
        stats = _stats(z1)
        gamma = params["bn_gamma"][l].reshape(1, D)
        beta = params["bn_beta"][l].reshape(1, D)
        if l < NL - 1:
            z, jk, vn_new = _post_mid(
                z1, stats, hprev, jk, onehot, gamma, beta, vn,
                params["vn_w1"][l], params["vn_b1"][l].reshape(1, D2),
                params["vn_w2"][l], params["vn_b2"][l].reshape(1, D))
            hcur = _next_hcur(z, onehot, vn_new)
            vn = vn_new
        else:
            z, jk, _ = _post_last(
                z1, stats, hprev, jk, onehot, gamma, beta, vn,
                params["vn_w1"][0], params["vn_b1"][0].reshape(1, D2),
                params["vn_w2"][0], params["vn_b2"][0].reshape(1, D))
        hprev = z

    out = _head(jk, params["fc1_w"], params["fc1_b"].reshape(1, FC1),
                params["fc2_w"], params["fc2_b"].reshape(1, TASKS))
    return out

# --- scband reference (transcript-rebuilt; emitter-appended) ---
"""Pipeline reference for scband-gnn-60430189855389 (READ-ONLY COPY).

The authoritative reference and input builder live on the scoring server;
editing this copy changes nothing except your own understanding.
"""

import jax, jax.numpy as jnp
import numpy as np

N = 10000
E = 320000
NODE_DIM = 128
EDGE_DIM = 16
EMB = 128
L = 5
G = 128
TASKS = 128


def _init(k, shape):
    fan_in = shape[-2] if len(shape) > 1 else shape[-1]
    return jax.random.normal(k, shape, jnp.float32) / jnp.sqrt(float(fan_in))


def setup_inputs(seed: int = 0):
    key = jax.random.key(seed)
    ks = jax.random.split(key, 16)
    x = jax.random.normal(ks[0], (N, NODE_DIM), jnp.float32)
    edge_index = jax.random.randint(ks[1], (2, E), 0, N, dtype=jnp.int32)
    batch = jnp.sort(jax.random.randint(ks[2], (N,), 0, G, dtype=jnp.int32))
    edge_attr = jax.random.normal(ks[3], (E, EDGE_DIM), jnp.float32)
    params = {
        "node_enc_w": _init(ks[4], (NODE_DIM, EMB)),
        "node_enc_b": jnp.zeros((EMB,), jnp.float32),
        "edge_w": _init(ks[5], (L, EDGE_DIM, EMB)),
        "edge_b": jnp.zeros((L, EMB), jnp.float32),
        "eps": jnp.zeros((L,), jnp.float32),
        "mlp_w1": _init(ks[6], (L, EMB, 2 * EMB)),
        "mlp_b1": jnp.zeros((L, 2 * EMB), jnp.float32),
        "mlp_w2": _init(ks[7], (L, 2 * EMB, EMB)),
        "mlp_b2": jnp.zeros((L, EMB), jnp.float32),
        "bn_gamma": jnp.ones((L, EMB), jnp.float32),
        "bn_beta": jnp.zeros((L, EMB), jnp.float32),
        "vn_emb0": jnp.zeros((EMB,), jnp.float32),
        "vn_w1": _init(ks[8], (L - 1, EMB, 2 * EMB)),
        "vn_b1": jnp.zeros((L - 1, 2 * EMB), jnp.float32),
        "vn_w2": _init(ks[9], (L - 1, 2 * EMB, EMB)),
        "vn_b2": jnp.zeros((L - 1, EMB), jnp.float32),
        "fc1_w": _init(ks[10], (EMB, 512)),
        "fc1_b": jnp.zeros((512,), jnp.float32),
        "fc2_w": _init(ks[11], (512, TASKS)),
        "fc2_b": jnp.zeros((TASKS,), jnp.float32),
    }
    return {"x": x, "edge_attr": edge_attr, "params": params,
            "edge_index": edge_index, "batch": batch}


def _forward(x, edge_attr, params, edge_index, batch):
    src = edge_index[0]
    dst = edge_index[1]
    # node encoder
    h = x @ params["node_enc_w"] + params["node_enc_b"]
    # virtual node embedding (one per graph), initialized to learned zero embedding
    vn = jnp.zeros((G, EMB), jnp.float32) + params["vn_emb0"]
    h_list = [h]
    for l in range(L):
        # add message from virtual node (gather per node's graph id)
        hcur = h_list[l] + vn[batch]
        # edge encoder
        e = edge_attr @ params["edge_w"][l] + params["edge_b"][l]
        # GIN message passing: gather src node feats, add edge emb, relu, scatter-add to dst
        msg = jax.nn.relu(hcur[src] + e)
        agg = jax.ops.segment_sum(msg, dst, num_segments=N)
        z = (1.0 + params["eps"][l]) * hcur + agg
        # GIN MLP
        z = jax.nn.relu(z @ params["mlp_w1"][l] + params["mlp_b1"][l]) @ params["mlp_w2"][l] + params["mlp_b2"][l]
        # batch norm (training statistics over nodes)
        mu = jnp.mean(z, axis=0)
        var = jnp.var(z, axis=0)
        z = params["bn_gamma"][l] * (z - mu) / jnp.sqrt(var + 1e-5) + params["bn_beta"][l]
        if l < L - 1:
            z = jax.nn.relu(z)
        # residual
        z = z + h_list[l]
        h_list.append(z)
        # virtual node update (segment-sum node feats into each graph's vn)
        if l < L - 1:
            vn_tmp = jax.ops.segment_sum(z, batch, num_segments=G) + vn
            t = jax.nn.relu(vn_tmp @ params["vn_w1"][l] + params["vn_b1"][l])
            vn = vn + jax.nn.relu(t @ params["vn_w2"][l] + params["vn_b2"][l])
    # JK = sum over layer outputs
    h_node = h_list[1]
    for l in range(2, L + 1):
        h_node = h_node + h_list[l]
    # prediction head
    out = jax.nn.leaky_relu(h_node @ params["fc1_w"] + params["fc1_b"], negative_slope=0.1)
    out = out @ params["fc2_w"] + params["fc2_b"]
    return out


def reference(x, edge_attr, params, edge_index, batch):
    return _forward(x, edge_attr, params, edge_index, batch)

if __name__ == "__main__":
    import jax
    _d = setup_inputs()
    print(jax.jit(kernel)(*tuple(_d.values())))

</pallas_src>

<mosaic_0001>
#map = affine_map<(d0, d1) -> (0, 0)>
#map1 = affine_map<(d0, d1) -> (0)>
#map2 = affine_map<(d0, d1) -> (0, 0, 0)>
module attributes {stable_mosaic.version = 14 : i64} {
  func.func @_sc_msg_body(%arg0: i32, %arg1: i32, %arg2: memref<10000x128xf32, #tpu.memory_space<hbm>>, %arg3: memref<320000x128xf32, #tpu.memory_space<hbm>>, %arg4: memref<320000xi32, #tpu.memory_space<hbm>>, %arg5: memref<320000xi32, #tpu.memory_space<hbm>>, %arg6: memref<10240x128xf32, #tpu.memory_space<hbm>>, %arg7: memref<2x10240x128xf32, #tpu.memory_space<hbm>>, %arg8: memref<80xi32, #tpu.memory_space<vmem>>, %arg9: memref<80xi32, #tpu.memory_space<vmem>>, %arg10: memref<80x128xf32, #tpu.memory_space<vmem>>, %arg11: memref<80x128xf32, #tpu.memory_space<vmem>>, %arg12: memref<10240x128xf32, #tpu.memory_space<vmem_shared>>, %arg13: memref<!tpu.dma_semaphore, #tpu.memory_space<semaphore_mem>>) attributes {dimension_semantics = [#tpu.dimension_semantics<core_parallel>, #tpu.dimension_semantics<subcore_parallel>], iteration_bounds = array<i64: 2, 16>, scalar_prefetch = 0 : i64, scratch_operands = 6 : i64, tpu.core_type = #tpu.core_type<sc_vector_subcore>, window_params = [{transform_indices = #map}, {transform_indices = #map}, {transform_indices = #map1}, {transform_indices = #map1}, {transform_indices = #map}, {transform_indices = #map2}]} {
    %mul3A = arith.constant 16 : i32
    %mul3A_0 = arith.muli %arg0, %mul3A : i32
    %add3A = arith.addi %mul3A_0, %arg1 : i32
    %mul3A_1 = arith.constant 640 : i32
    %mul3A_2 = arith.muli %arg1, %mul3A_1 : i32
    %mul3A_3 = arith.constant 640 : i32
    %mul3A_4 = arith.muli %arg1, %mul3A_3 : i32
    "tpu.region"() ({
      %run_scoped3A = tpu.sem_alloc : memref<!tpu.dma_semaphore, #tpu.memory_space<semaphore_mem>>
      %dma_start3A = arith.constant 0 : i32
      %dma_start3A_17 = tpu.memref_slice %arg12[%mul3A_4, %dma_start3A] : memref<10240x128xf32, #tpu.memory_space<vmem_shared>> -> memref<640x128xf32, #tpu.memory_space<vmem_shared>>
      %dma_start3A_18 = arith.constant 0 : i32
      %dma_start3A_19 = tpu.memref_slice %arg6[%mul3A_2, %dma_start3A_18] : memref<10240x128xf32, #tpu.memory_space<hbm>> -> memref<640x128xf32, #tpu.memory_space<hbm>>
      tpu.enqueue_dma source(%dma_start3A_19 : memref<640x128xf32, #tpu.memory_space<hbm>>) target(%dma_start3A_17 : memref<640x128xf32, #tpu.memory_space<vmem_shared>>) target_semaphore(%run_scoped3A : memref<!tpu.dma_semaphore, #tpu.memory_space<semaphore_mem>>)
      %dma_wait3A = arith.constant 0 : i32
      %dma_wait3A_20 = tpu.memref_slice %arg12[%mul3A_4, %dma_wait3A] : memref<10240x128xf32, #tpu.memory_space<vmem_shared>> -> memref<640x128xf32, #tpu.memory_space<vmem_shared>>
      %dma_wait3A_21 = arith.constant 0 : i32
      %dma_wait3A_22 = tpu.memref_slice %arg6[%mul3A_2, %dma_wait3A_21] : memref<10240x128xf32, #tpu.memory_space<hbm>> -> memref<640x128xf32, #tpu.memory_space<hbm>>
      tpu.wait_dma2 semaphore(%run_scoped3A : memref<!tpu.dma_semaphore, #tpu.memory_space<semaphore_mem>>) src(%dma_wait3A_22 : memref<640x128xf32, #tpu.memory_space<hbm>>) dst(%dma_wait3A_20 : memref<640x128xf32, #tpu.memory_space<vmem_shared>>)
      tpu.yield
    }) : () -> ()
    %barrier3A = arith.constant 0 : index
    tpu.barrier barrier_id(%barrier3A)
    %mul3A_5 = arith.constant 10000 : i32
    %mul3A_6 = arith.muli %add3A, %mul3A_5 : i32
    %scan3A = arith.constant 0 : i32
    %scan3A_7 = arith.constant 0 : i32
    %scan3A_8 = arith.constant 125 : i32
    %scan3A_9 = arith.addi %scan3A_7, %scan3A_8 : i32
    %scan3A_10 = arith.constant 1 : i32
    scf.for %scan3A_17 = %scan3A_7 to %scan3A_9 step %scan3A_10  : i32 {
      %mul3A_18 = arith.constant 80 : i32
      %mul3A_19 = arith.muli %scan3A_17, %mul3A_18 : i32
      %add3A_20 = arith.addi %mul3A_6, %mul3A_19 : i32
      "tpu.region"() ({
        %run_scoped3A = tpu.sem_alloc : memref<!tpu.dma_semaphore, #tpu.memory_space<semaphore_mem>>
        %dma_start3A_31 = tpu.memref_slice %arg4[%add3A_20] : memref<320000xi32, #tpu.memory_space<hbm>> -> memref<80xi32, #tpu.memory_space<hbm>>
        %dma_start3A_32 = tpu.memref_slice %arg4[%add3A_20] : memref<320000xi32, #tpu.memory_space<hbm>> -> memref<80xi32, #tpu.memory_space<hbm>>
        tpu.enqueue_dma source(%dma_start3A_32 : memref<80xi32, #tpu.memory_space<hbm>>) target(%arg8 : memref<80xi32, #tpu.memory_space<vmem>>) target_semaphore(%run_scoped3A : memref<!tpu.dma_semaphore, #tpu.memory_space<semaphore_mem>>)
        %dma_wait3A_33 = tpu.memref_slice %arg4[%add3A_20] : memref<320000xi32, #tpu.memory_space<hbm>> -> memref<80xi32, #tpu.memory_space<hbm>>
        %dma_wait3A_34 = tpu.memref_slice %arg4[%add3A_20] : memref<320000xi32, #tpu.memory_space<hbm>> -> memref<80xi32, #tpu.memory_space<hbm>>
        tpu.wait_dma2 semaphore(%run_scoped3A : memref<!tpu.dma_semaphore, #tpu.memory_space<semaphore_mem>>) src(%dma_wait3A_34 : memref<80xi32, #tpu.memory_space<hbm>>) dst(%arg8 : memref<80xi32, #tpu.memory_space<vmem>>)
        tpu.yield
      }) : () -> ()
      "tpu.region"() ({
        %run_scoped3A = tpu.sem_alloc : memref<!tpu.dma_semaphore, #tpu.memory_space<semaphore_mem>>
        %dma_start3A_31 = tpu.memref_slice %arg5[%add3A_20] : memref<320000xi32, #tpu.memory_space<hbm>> -> memref<80xi32, #tpu.memory_space<hbm>>
        %dma_start3A_32 = tpu.memref_slice %arg5[%add3A_20] : memref<320000xi32, #tpu.memory_space<hbm>> -> memref<80xi32, #tpu.memory_space<hbm>>
        tpu.enqueue_dma source(%dma_start3A_32 : memref<80xi32, #tpu.memory_space<hbm>>) target(%arg9 : memref<80xi32, #tpu.memory_space<vmem>>) target_semaphore(%run_scoped3A : memref<!tpu.dma_semaphore, #tpu.memory_space<semaphore_mem>>)
        %dma_wait3A_33 = tpu.memref_slice %arg5[%add3A_20] : memref<320000xi32, #tpu.memory_space<hbm>> -> memref<80xi32, #tpu.memory_space<hbm>>
        %dma_wait3A_34 = tpu.memref_slice %arg5[%add3A_20] : memref<320000xi32, #tpu.memory_space<hbm>> -> memref<80xi32, #tpu.memory_space<hbm>>
        tpu.wait_dma2 semaphore(%run_scoped3A : memref<!tpu.dma_semaphore, #tpu.memory_space<semaphore_mem>>) src(%dma_wait3A_34 : memref<80xi32, #tpu.memory_space<hbm>>) dst(%arg9 : memref<80xi32, #tpu.memory_space<vmem>>)
        tpu.yield
      }) : () -> ()
      %dma_start3A = arith.constant 0 : i32
      %dma_start3A_21 = arith.constant 0 : i32
      %dma_start3A_22 = tpu.memref_slice %arg2[%dma_start3A, %dma_start3A_21] : memref<10000x128xf32, #tpu.memory_space<hbm>> -> memref<10000x128xf32, #tpu.memory_space<hbm>>
      tpu.enqueue_indirect_dma source(%dma_start3A_22 : memref<10000x128xf32, #tpu.memory_space<hbm>>) target(%arg10 : memref<80x128xf32, #tpu.memory_space<vmem>>) offsets(%arg8 : memref<80xi32, #tpu.memory_space<vmem>>) semaphore(%arg13 : memref<!tpu.dma_semaphore, #tpu.memory_space<semaphore_mem>>)
      "tpu.region"() ({
        %run_scoped3A = tpu.sem_alloc : memref<!tpu.dma_semaphore, #tpu.memory_space<semaphore_mem>>
        %dma_start3A_31 = arith.constant 0 : i32
        %dma_start3A_32 = tpu.memref_slice %arg3[%add3A_20, %dma_start3A_31] : memref<320000x128xf32, #tpu.memory_space<hbm>> -> memref<80x128xf32, #tpu.memory_space<hbm>>
        %dma_start3A_33 = arith.constant 0 : i32
        %dma_start3A_34 = tpu.memref_slice %arg3[%add3A_20, %dma_start3A_33] : memref<320000x128xf32, #tpu.memory_space<hbm>> -> memref<80x128xf32, #tpu.memory_space<hbm>>
        tpu.enqueue_dma source(%dma_start3A_34 : memref<80x128xf32, #tpu.memory_space<hbm>>) target(%arg11 : memref<80x128xf32, #tpu.memory_space<vmem>>) target_semaphore(%run_scoped3A : memref<!tpu.dma_semaphore, #tpu.memory_space<semaphore_mem>>)
        %dma_wait3A_35 = arith.constant 0 : i32
        %dma_wait3A_36 = tpu.memref_slice %arg3[%add3A_20, %dma_wait3A_35] : memref<320000x128xf32, #tpu.memory_space<hbm>> -> memref<80x128xf32, #tpu.memory_space<hbm>>
        %dma_wait3A_37 = arith.constant 0 : i32
        %dma_wait3A_38 = tpu.memref_slice %arg3[%add3A_20, %dma_wait3A_37] : memref<320000x128xf32, #tpu.memory_space<hbm>> -> memref<80x128xf32, #tpu.memory_space<hbm>>
        tpu.wait_dma2 semaphore(%run_scoped3A : memref<!tpu.dma_semaphore, #tpu.memory_space<semaphore_mem>>) src(%dma_wait3A_38 : memref<80x128xf32, #tpu.memory_space<hbm>>) dst(%arg11 : memref<80x128xf32, #tpu.memory_space<vmem>>)
        tpu.yield
      }) : () -> ()
      %dma_wait3A = arith.constant 0 : i32
      %dma_wait3A_23 = arith.constant 0 : i32
      %dma_wait3A_24 = tpu.memref_slice %arg2[%dma_wait3A, %dma_wait3A_23] : memref<10000x128xf32, #tpu.memory_space<hbm>> -> memref<10000x128xf32, #tpu.memory_space<hbm>>
      tpu.wait_indirect_dma semaphore(%arg13 : memref<!tpu.dma_semaphore, #tpu.memory_space<semaphore_mem>>) src(%dma_wait3A_24 : memref<10000x128xf32, #tpu.memory_space<hbm>>) dst(%arg10 : memref<80x128xf32, #tpu.memory_space<vmem>>)
      %scan3A_25 = arith.constant 0 : i32
      %scan3A_26 = arith.constant 0 : i32
      %scan3A_27 = arith.constant 80 : i32
      %scan3A_28 = arith.addi %scan3A_26, %scan3A_27 : i32
      %scan3A_29 = arith.constant 1 : i32
      scf.for %scan3A_31 = %scan3A_26 to %scan3A_28 step %scan3A_29  : i32 {
        %get3A = arith.index_cast %scan3A_31 : i32 to index
        %get3A_32 = arith.constant 0 : index
        %get3A_33 = tpu.vector_load %arg10[%get3A, %get3A_32] {strides = array<i32>} : memref<80x128xf32, #tpu.memory_space<vmem>>, vector<1x16xf32>,
        %get3A_34 = vector.shape_cast %get3A_33 : vector<1x16xf32> to vector<16xf32>
        %get3A_35 = arith.index_cast %scan3A_31 : i32 to index
        %get3A_36 = arith.constant 0 : index
        %get3A_37 = tpu.vector_load %arg11[%get3A_35, %get3A_36] {strides = array<i32>} : memref<80x128xf32, #tpu.memory_space<vmem>>, vector<1x16xf32>,
        %get3A_38 = vector.shape_cast %get3A_37 : vector<1x16xf32> to vector<16xf32>
        %add3A_39 = arith.addf %get3A_34, %get3A_38 : vector<16xf32>
        %max3A = arith.constant 0.000000e+00 : f32
        %max3A_40 = vector.broadcast %max3A : f32 to vector<16xf32>
        %max3A_41 = arith.maximumf %add3A_39, %max3A_40 : vector<16xf32>
        %swap3A = arith.index_cast %scan3A_31 : i32 to index
        %swap3A_42 = arith.constant 0 : index
        %swap3A_43 = tpu.vector_load %arg10[%swap3A, %swap3A_42] {strides = array<i32>} : memref<80x128xf32, #tpu.memory_space<vmem>>, vector<1x16xf32>,
        %swap3A_44 = vector.shape_cast %swap3A_43 : vector<1x16xf32> to vector<16xf32>
        %swap3A_45 = vector.shape_cast %max3A_41 : vector<16xf32> to vector<1x16xf32>
        tpu.vector_store %arg10[%swap3A, %swap3A_42], %swap3A_45 {strides = array<i32>} : memref<80x128xf32, #tpu.memory_space<vmem>>, vector<1x16xf32>,
        %get3A_46 = arith.index_cast %scan3A_31 : i32 to index
        %get3A_47 = arith.constant 16 : index
        %get3A_48 = tpu.vector_load %arg10[%get3A_46, %get3A_47] {strides = array<i32>} : memref<80x128xf32, #tpu.memory_space<vmem>>, vector<1x16xf32>,
        %get3A_49 = vector.shape_cast %get3A_48 : vector<1x16xf32> to vector<16xf32>
        %get3A_50 = arith.index_cast %scan3A_31 : i32 to index
        %get3A_51 = arith.constant 16 : index
        %get3A_52 = tpu.vector_load %arg11[%get3A_50, %get3A_51] {strides = array<i32>} : memref<80x128xf32, #tpu.memory_space<vmem>>, vector<1x16xf32>,
        %get3A_53 = vector.shape_cast %get3A_52 : vector<1x16xf32> to vector<16xf32>
        %add3A_54 = arith.addf %get3A_49, %get3A_53 : vector<16xf32>
        %max3A_55 = arith.constant 0.000000e+00 : f32
        %max3A_56 = vector.broadcast %max3A_55 : f32 to vector<16xf32>
        %max3A_57 = arith.maximumf %add3A_54, %max3A_56 : vector<16xf32>
        %swap3A_58 = arith.index_cast %scan3A_31 : i32 to index
        %swap3A_59 = arith.constant 16 : index
        %swap3A_60 = tpu.vector_load %arg10[%swap3A_58, %swap3A_59] {strides = array<i32>} : memref<80x128xf32, #tpu.memory_space<vmem>>, vector<1x16xf32>,
        %swap3A_61 = vector.shape_cast %swap3A_60 : vector<1x16xf32> to vector<16xf32>
        %swap3A_62 = vector.shape_cast %max3A_57 : vector<16xf32> to vector<1x16xf32>
        tpu.vector_store %arg10[%swap3A_58, %swap3A_59], %swap3A_62 {strides = array<i32>} : memref<80x128xf32, #tpu.memory_space<vmem>>, vector<1x16xf32>,
        %get3A_63 = arith.index_cast %scan3A_31 : i32 to index
        %get3A_64 = arith.constant 32 : index
        %get3A_65 = tpu.vector_load %arg10[%get3A_63, %get3A_64] {strides = array<i32>} : memref<80x128xf32, #tpu.memory_space<vmem>>, vector<1x16xf32>,
        %get3A_66 = vector.shape_cast %get3A_65 : vector<1x16xf32> to vector<16xf32>
        %get3A_67 = arith.index_cast %scan3A_31 : i32 to index
        %get3A_68 = arith.constant 32 : index
        %get3A_69 = tpu.vector_load %arg11[%get3A_67, %get3A_68] {strides = array<i32>} : memref<80x128xf32, #tpu.memory_space<vmem>>, vector<1x16xf32>,
        %get3A_70 = vector.shape_cast %get3A_69 : vector<1x16xf32> to vector<16xf32>
        %add3A_71 = arith.addf %get3A_66, %get3A_70 : vector<16xf32>
        %max3A_72 = arith.constant 0.000000e+00 : f32
        %max3A_73 = vector.broadcast %max3A_72 : f32 to vector<16xf32>
        %max3A_74 = arith.maximumf %add3A_71, %max3A_73 : vector<16xf32>
        %swap3A_75 = arith.index_cast %scan3A_31 : i32 to index
        %swap3A_76 = arith.constant 32 : index
        %swap3A_77 = tpu.vector_load %arg10[%swap3A_75, %swap3A_76] {strides = array<i32>} : memref<80x128xf32, #tpu.memory_space<vmem>>, vector<1x16xf32>,
        %swap3A_78 = vector.shape_cast %swap3A_77 : vector<1x16xf32> to vector<16xf32>
        %swap3A_79 = vector.shape_cast %max3A_74 : vector<16xf32> to vector<1x16xf32>
        tpu.vector_store %arg10[%swap3A_75, %swap3A_76], %swap3A_79 {strides = array<i32>} : memref<80x128xf32, #tpu.memory_space<vmem>>, vector<1x16xf32>,
        %get3A_80 = arith.index_cast %scan3A_31 : i32 to index
        %get3A_81 = arith.constant 48 : index
        %get3A_82 = tpu.vector_load %arg10[%get3A_80, %get3A_81] {strides = array<i32>} : memref<80x128xf32, #tpu.memory_space<vmem>>, vector<1x16xf32>,
        %get3A_83 = vector.shape_cast %get3A_82 : vector<1x16xf32> to vector<16xf32>
        %get3A_84 = arith.index_cast %scan3A_31 : i32 to index
        %get3A_85 = arith.constant 48 : index
        %get3A_86 = tpu.vector_load %arg11[%get3A_84, %get3A_85] {strides = array<i32>} : memref<80x128xf32, #tpu.memory_space<vmem>>, vector<1x16xf32>,
        %get3A_87 = vector.shape_cast %get3A_86 : vector<1x16xf32> to vector<16xf32>
        %add3A_88 = arith.addf %get3A_83, %get3A_87 : vector<16xf32>
        %max3A_89 = arith.constant 0.000000e+00 : f32
        %max3A_90 = vector.broadcast %max3A_89 : f32 to vector<16xf32>
        %max3A_91 = arith.maximumf %add3A_88, %max3A_90 : vector<16xf32>
        %swap3A_92 = arith.index_cast %scan3A_31 : i32 to index
        %swap3A_93 = arith.constant 48 : index
        %swap3A_94 = tpu.vector_load %arg10[%swap3A_92, %swap3A_93] {strides = array<i32>} : memref<80x128xf32, #tpu.memory_space<vmem>>, vector<1x16xf32>,
        %swap3A_95 = vector.shape_cast %swap3A_94 : vector<1x16xf32> to vector<16xf32>
        %swap3A_96 = vector.shape_cast %max3A_91 : vector<16xf32> to vector<1x16xf32>
        tpu.vector_store %arg10[%swap3A_92, %swap3A_93], %swap3A_96 {strides = array<i32>} : memref<80x128xf32, #tpu.memory_space<vmem>>, vector<1x16xf32>,
        %get3A_97 = arith.index_cast %scan3A_31 : i32 to index
        %get3A_98 = arith.constant 64 : index
        %get3A_99 = tpu.vector_load %arg10[%get3A_97, %get3A_98] {strides = array<i32>} : memref<80x128xf32, #tpu.memory_space<vmem>>, vector<1x16xf32>,
        %get3A_100 = vector.shape_cast %get3A_99 : vector<1x16xf32> to vector<16xf32>
        %get3A_101 = arith.index_cast %scan3A_31 : i32 to index
        %get3A_102 = arith.constant 64 : index
        %get3A_103 = tpu.vector_load %arg11[%get3A_101, %get3A_102] {strides = array<i32>} : memref<80x128xf32, #tpu.memory_space<vmem>>, vector<1x16xf32>,
        %get3A_104 = vector.shape_cast %get3A_103 : vector<1x16xf32> to vector<16xf32>
        %add3A_105 = arith.addf %get3A_100, %get3A_104 : vector<16xf32>
        %max3A_106 = arith.constant 0.000000e+00 : f32
        %max3A_107 = vector.broadcast %max3A_106 : f32 to vector<16xf32>
        %max3A_108 = arith.maximumf %add3A_105, %max3A_107 : vector<16xf32>
        %swap3A_109 = arith.index_cast %scan3A_31 : i32 to index
        %swap3A_110 = arith.constant 64 : index
        %swap3A_111 = tpu.vector_load %arg10[%swap3A_109, %swap3A_110] {strides = array<i32>} : memref<80x128xf32, #tpu.memory_space<vmem>>, vector<1x16xf32>,
        %swap3A_112 = vector.shape_cast %swap3A_111 : vector<1x16xf32> to vector<16xf32>
        %swap3A_113 = vector.shape_cast %max3A_108 : vector<16xf32> to vector<1x16xf32>
        tpu.vector_store %arg10[%swap3A_109, %swap3A_110], %swap3A_113 {strides = array<i32>} : memref<80x128xf32, #tpu.memory_space<vmem>>, vector<1x16xf32>,
        %get3A_114 = arith.index_cast %scan3A_31 : i32 to index
        %get3A_115 = arith.constant 80 : index
        %get3A_116 = tpu.vector_load %arg10[%get3A_114, %get3A_115] {strides = array<i32>} : memref<80x128xf32, #tpu.memory_space<vmem>>, vector<1x16xf32>,
        %get3A_117 = vector.shape_cast %get3A_116 : vector<1x16xf32> to vector<16xf32>
        %get3A_118 = arith.index_cast %scan3A_31 : i32 to index
        %get3A_119 = arith.constant 80 : index
        %get3A_120 = tpu.vector_load %arg11[%get3A_118, %get3A_119] {strides = array<i32>} : memref<80x128xf32, #tpu.memory_space<vmem>>, vector<1x16xf32>,
        %get3A_121 = vector.shape_cast %get3A_120 : vector<1x16xf32> to vector<16xf32>
        %add3A_122 = arith.addf %get3A_117, %get3A_121 : vector<16xf32>
        %max3A_123 = arith.constant 0.000000e+00 : f32
        %max3A_124 = vector.broadcast %max3A_123 : f32 to vector<16xf32>
        %max3A_125 = arith.maximumf %add3A_122, %max3A_124 : vector<16xf32>
        %swap3A_126 = arith.index_cast %scan3A_31 : i32 to index
        %swap3A_127 = arith.constant 80 : index
        %swap3A_128 = tpu.vector_load %arg10[%swap3A_126, %swap3A_127] {strides = array<i32>} : memref<80x128xf32, #tpu.memory_space<vmem>>, vector<1x16xf32>,
        %swap3A_129 = vector.shape_cast %swap3A_128 : vector<1x16xf32> to vector<16xf32>
        %swap3A_130 = vector.shape_cast %max3A_125 : vector<16xf32> to vector<1x16xf32>
        tpu.vector_store %arg10[%swap3A_126, %swap3A_127], %swap3A_130 {strides = array<i32>} : memref<80x128xf32, #tpu.memory_space<vmem>>, vector<1x16xf32>,
        %get3A_131 = arith.index_cast %scan3A_31 : i32 to index
        %get3A_132 = arith.constant 96 : index
        %get3A_133 = tpu.vector_load %arg10[%get3A_131, %get3A_132] {strides = array<i32>} : memref<80x128xf32, #tpu.memory_space<vmem>>, vector<1x16xf32>,
        %get3A_134 = vector.shape_cast %get3A_133 : vector<1x16xf32> to vector<16xf32>
        %get3A_135 = arith.index_cast %scan3A_31 : i32 to index
        %get3A_136 = arith.constant 96 : index
        %get3A_137 = tpu.vector_load %arg11[%get3A_135, %get3A_136] {strides = array<i32>} : memref<80x128xf32, #tpu.memory_space<vmem>>, vector<1x16xf32>,
        %get3A_138 = vector.shape_cast %get3A_137 : vector<1x16xf32> to vector<16xf32>
        %add3A_139 = arith.addf %get3A_134, %get3A_138 : vector<16xf32>
        %max3A_140 = arith.constant 0.000000e+00 : f32
        %max3A_141 = vector.broadcast %max3A_140 : f32 to vector<16xf32>
        %max3A_142 = arith.maximumf %add3A_139, %max3A_141 : vector<16xf32>
        %swap3A_143 = arith.index_cast %scan3A_31 : i32 to index
        %swap3A_144 = arith.constant 96 : index
        %swap3A_145 = tpu.vector_load %arg10[%swap3A_143, %swap3A_144] {strides = array<i32>} : memref<80x128xf32, #tpu.memory_space<vmem>>, vector<1x16xf32>,
        %swap3A_146 = vector.shape_cast %swap3A_145 : vector<1x16xf32> to vector<16xf32>
        %swap3A_147 = vector.shape_cast %max3A_142 : vector<16xf32> to vector<1x16xf32>
        tpu.vector_store %arg10[%swap3A_143, %swap3A_144], %swap3A_147 {strides = array<i32>} : memref<80x128xf32, #tpu.memory_space<vmem>>, vector<1x16xf32>,
        %get3A_148 = arith.index_cast %scan3A_31 : i32 to index
        %get3A_149 = arith.constant 112 : index
        %get3A_150 = tpu.vector_load %arg10[%get3A_148, %get3A_149] {strides = array<i32>} : memref<80x128xf32, #tpu.memory_space<vmem>>, vector<1x16xf32>,
        %get3A_151 = vector.shape_cast %get3A_150 : vector<1x16xf32> to vector<16xf32>
        %get3A_152 = arith.index_cast %scan3A_31 : i32 to index
        %get3A_153 = arith.constant 112 : index
        %get3A_154 = tpu.vector_load %arg11[%get3A_152, %get3A_153] {strides = array<i32>} : memref<80x128xf32, #tpu.memory_space<vmem>>, vector<1x16xf32>,
        %get3A_155 = vector.shape_cast %get3A_154 : vector<1x16xf32> to vector<16xf32>
        %add3A_156 = arith.addf %get3A_151, %get3A_155 : vector<16xf32>
        %max3A_157 = arith.constant 0.000000e+00 : f32
        %max3A_158 = vector.broadcast %max3A_157 : f32 to vector<16xf32>
        %max3A_159 = arith.maximumf %add3A_156, %max3A_158 : vector<16xf32>
        %swap3A_160 = arith.index_cast %scan3A_31 : i32 to index
        %swap3A_161 = arith.constant 112 : index
        %swap3A_162 = tpu.vector_load %arg10[%swap3A_160, %swap3A_161] {strides = array<i32>} : memref<80x128xf32, #tpu.memory_space<vmem>>, vector<1x16xf32>,
        %swap3A_163 = vector.shape_cast %swap3A_162 : vector<1x16xf32> to vector<16xf32>
        %swap3A_164 = vector.shape_cast %max3A_159 : vector<16xf32> to vector<1x16xf32>
        tpu.vector_store %arg10[%swap3A_160, %swap3A_161], %swap3A_164 {strides = array<i32>} : memref<80x128xf32, #tpu.memory_space<vmem>>, vector<1x16xf32>,
      }
      %scan3A_30 = arith.constant 80 : i32
      "tpu.region"() ({
        %run_scoped3A = tpu.sem_alloc : memref<!tpu.dma_semaphore, #tpu.memory_space<semaphore_mem>>
        %dma_start3A_31 = arith.constant 0 : i32
        %dma_start3A_32 = arith.constant 0 : i32
        %dma_start3A_33 = tpu.memref_slice %arg12[%dma_start3A_31, %dma_start3A_32] : memref<10240x128xf32, #tpu.memory_space<vmem_shared>> -> memref<10240x128xf32, #tpu.memory_space<vmem_shared>>
        tpu.enqueue_indirect_dma source(%arg10 : memref<80x128xf32, #tpu.memory_space<vmem>>) target(%dma_start3A_33 : memref<10240x128xf32, #tpu.memory_space<vmem_shared>>) offsets(%arg9 : memref<80xi32, #tpu.memory_space<vmem>>) semaphore(%run_scoped3A : memref<!tpu.dma_semaphore, #tpu.memory_space<semaphore_mem>>) {add = true}
        %dma_wait3A_34 = arith.constant 0 : i32
        %dma_wait3A_35 = arith.constant 0 : i32
        %dma_wait3A_36 = tpu.memref_slice %arg12[%dma_wait3A_34, %dma_wait3A_35] : memref<10240x128xf32, #tpu.memory_space<vmem_shared>> -> memref<10240x128xf32, #tpu.memory_space<vmem_shared>>
        tpu.wait_indirect_dma semaphore(%run_scoped3A : memref<!tpu.dma_semaphore, #tpu.memory_space<semaphore_mem>>) src(%arg10 : memref<80x128xf32, #tpu.memory_space<vmem>>) dst(%dma_wait3A_36 : memref<10240x128xf32, #tpu.memory_space<vmem_shared>>)
        tpu.yield
      }) : () -> ()
    }
    %scan3A_11 = arith.constant 125 : i32
    %barrier3A_12 = arith.constant 0 : index
    tpu.barrier barrier_id(%barrier3A_12)
    %mul3A_13 = arith.constant 640 : i32
    %mul3A_14 = arith.muli %arg1, %mul3A_13 : i32
    %mul3A_15 = arith.constant 640 : i32
    %mul3A_16 = arith.muli %arg1, %mul3A_15 : i32
    "tpu.region"() ({
      %run_scoped3A = tpu.sem_alloc : memref<!tpu.dma_semaphore, #tpu.memory_space<semaphore_mem>>
      %dma_start3A = arith.constant 0 : i32
      %dma_start3A_17 = tpu.memref_slice %arg7[%arg0, %mul3A_16, %dma_start3A] : memref<2x10240x128xf32, #tpu.memory_space<hbm>> -> memref<1x640x128xf32, #tpu.memory_space<hbm>>
      %dma_start3A_18 = tpu.memref_squeeze %dma_start3A_17 : memref<1x640x128xf32, #tpu.memory_space<hbm>> -> memref<640x128xf32, #tpu.memory_space<hbm>>
      %dma_start3A_19 = arith.constant 0 : i32
      %dma_start3A_20 = tpu.memref_slice %arg12[%mul3A_14, %dma_start3A_19] : memref<10240x128xf32, #tpu.memory_space<vmem_shared>> -> memref<640x128xf32, #tpu.memory_space<vmem_shared>>
      tpu.enqueue_dma source(%dma_start3A_20 : memref<640x128xf32, #tpu.memory_space<vmem_shared>>) target(%dma_start3A_18 : memref<640x128xf32, #tpu.memory_space<hbm>>) target_semaphore(%run_scoped3A : memref<!tpu.dma_semaphore, #tpu.memory_space<semaphore_mem>>)
      %dma_wait3A = arith.constant 0 : i32
      %dma_wait3A_21 = tpu.memref_slice %arg7[%arg0, %mul3A_16, %dma_wait3A] : memref<2x10240x128xf32, #tpu.memory_space<hbm>> -> memref<1x640x128xf32, #tpu.memory_space<hbm>>
      %dma_wait3A_22 = tpu.memref_squeeze %dma_wait3A_21 : memref<1x640x128xf32, #tpu.memory_space<hbm>> -> memref<640x128xf32, #tpu.memory_space<hbm>>
      %dma_wait3A_23 = arith.constant 0 : i32
      %dma_wait3A_24 = tpu.memref_slice %arg12[%mul3A_14, %dma_wait3A_23] : memref<10240x128xf32, #tpu.memory_space<vmem_shared>> -> memref<640x128xf32, #tpu.memory_space<vmem_shared>>
      tpu.wait_dma2 semaphore(%run_scoped3A : memref<!tpu.dma_semaphore, #tpu.memory_space<semaphore_mem>>) src(%dma_wait3A_24 : memref<640x128xf32, #tpu.memory_space<vmem_shared>>) dst(%dma_wait3A_22 : memref<640x128xf32, #tpu.memory_space<hbm>>)
      tpu.yield
    }) : () -> ()
    return
  }
}

#map = affine_map<(d0, d1) -> (0, 0)>
#map1 = affine_map<(d0, d1) -> (0)>
#map2 = affine_map<(d0, d1) -> (0, 0, 0)>
module attributes {stable_mosaic.version = 14 : i64} {
  func.func @_sc_msg_body(%arg0: i32, %arg1: i32, %arg2: memref<10000x128xf32, #tpu.memory_space<hbm>>, %arg3: memref<320000x128xf32, #tpu.memory_space<hbm>>, %arg4: memref<320000xi32, #tpu.memory_space<hbm>>, %arg5: memref<320000xi32, #tpu.memory_space<hbm>>, %arg6: memref<10240x128xf32, #tpu.memory_space<hbm>>, %arg7: memref<2x10240x128xf32, #tpu.memory_space<hbm>>, %arg8: memref<80xi32, #tpu.memory_space<vmem>>, %arg9: memref<80xi32, #tpu.memory_space<vmem>>, %arg10: memref<80x128xf32, #tpu.memory_space<vmem>>, %arg11: memref<80x128xf32, #tpu.memory_space<vmem>>, %arg12: memref<10240x128xf32, #tpu.memory_space<vmem_shared>>, %arg13: memref<!tpu.dma_semaphore, #tpu.memory_space<semaphore_mem>>) attributes {dimension_semantics = [#tpu.dimension_semantics<core_parallel>, #tpu.dimension_semantics<subcore_parallel>], iteration_bounds = array<i64: 2, 16>, scalar_prefetch = 0 : i64, scratch_operands = 6 : i64, tpu.core_type = #tpu.core_type<sc_vector_subcore>, window_params = [{transform_indices = #map}, {transform_indices = #map}, {transform_indices = #map1}, {transform_indices = #map1}, {transform_indices = #map}, {transform_indices = #map2}]} {
    %mul3A = arith.constant 16 : i32
    %mul3A_0 = arith.muli %arg0, %mul3A : i32
    %add3A = arith.addi %mul3A_0, %arg1 : i32
    %mul3A_1 = arith.constant 640 : i32
    %mul3A_2 = arith.muli %arg1, %mul3A_1 : i32
    %mul3A_3 = arith.constant 640 : i32
    %mul3A_4 = arith.muli %arg1, %mul3A_3 : i32
    "tpu.region"() ({
      %run_scoped3A = tpu.sem_alloc : memref<!tpu.dma_semaphore, #tpu.memory_space<semaphore_mem>>
      %dma_start3A = arith.constant 0 : i32
      %dma_start3A_17 = tpu.memref_slice %arg12[%mul3A_4, %dma_start3A] : memref<10240x128xf32, #tpu.memory_space<vmem_shared>> -> memref<640x128xf32, #tpu.memory_space<vmem_shared>>
      %dma_start3A_18 = arith.constant 0 : i32
      %dma_start3A_19 = tpu.memref_slice %arg6[%mul3A_2, %dma_start3A_18] : memref<10240x128xf32, #tpu.memory_space<hbm>> -> memref<640x128xf32, #tpu.memory_space<hbm>>
      tpu.enqueue_dma source(%dma_start3A_19 : memref<640x128xf32, #tpu.memory_space<hbm>>) target(%dma_start3A_17 : memref<640x128xf32, #tpu.memory_space<vmem_shared>>) target_semaphore(%run_scoped3A : memref<!tpu.dma_semaphore, #tpu.memory_space<semaphore_mem>>)
      %dma_wait3A = arith.constant 0 : i32
      %dma_wait3A_20 = tpu.memref_slice %arg12[%mul3A_4, %dma_wait3A] : memref<10240x128xf32, #tpu.memory_space<vmem_shared>> -> memref<640x128xf32, #tpu.memory_space<vmem_shared>>
      %dma_wait3A_21 = arith.constant 0 : i32
      %dma_wait3A_22 = tpu.memref_slice %arg6[%mul3A_2, %dma_wait3A_21] : memref<10240x128xf32, #tpu.memory_space<hbm>> -> memref<640x128xf32, #tpu.memory_space<hbm>>
      tpu.wait_dma2 semaphore(%run_scoped3A : memref<!tpu.dma_semaphore, #tpu.memory_space<semaphore_mem>>) src(%dma_wait3A_22 : memref<640x128xf32, #tpu.memory_space<hbm>>) dst(%dma_wait3A_20 : memref<640x128xf32, #tpu.memory_space<vmem_shared>>)
      tpu.yield
    }) : () -> ()
    %barrier3A = arith.constant 0 : index
    tpu.barrier barrier_id(%barrier3A)
    %mul3A_5 = arith.constant 10000 : i32
    %mul3A_6 = arith.muli %add3A, %mul3A_5 : i32
    %scan3A = arith.constant 0 : i32
    %scan3A_7 = arith.constant 0 : i32
    %scan3A_8 = arith.constant 125 : i32
    %scan3A_9 = arith.addi %scan3A_7, %scan3A_8 : i32
    %scan3A_10 = arith.constant 1 : i32
    scf.for %scan3A_17 = %scan3A_7 to %scan3A_9 step %scan3A_10  : i32 {
      %mul3A_18 = arith.constant 80 : i32
      %mul3A_19 = arith.muli %scan3A_17, %mul3A_18 : i32
      %add3A_20 = arith.addi %mul3A_6, %mul3A_19 : i32
      "tpu.region"() ({
        %run_scoped3A = tpu.sem_alloc : memref<!tpu.dma_semaphore, #tpu.memory_space<semaphore_mem>>
        %dma_start3A_31 = tpu.memref_slice %arg4[%add3A_20] : memref<320000xi32, #tpu.memory_space<hbm>> -> memref<80xi32, #tpu.memory_space<hbm>>
        %dma_start3A_32 = tpu.memref_slice %arg4[%add3A_20] : memref<320000xi32, #tpu.memory_space<hbm>> -> memref<80xi32, #tpu.memory_space<hbm>>
        tpu.enqueue_dma source(%dma_start3A_32 : memref<80xi32, #tpu.memory_space<hbm>>) target(%arg8 : memref<80xi32, #tpu.memory_space<vmem>>) target_semaphore(%run_scoped3A : memref<!tpu.dma_semaphore, #tpu.memory_space<semaphore_mem>>)
        %dma_wait3A_33 = tpu.memref_slice %arg4[%add3A_20] : memref<320000xi32, #tpu.memory_space<hbm>> -> memref<80xi32, #tpu.memory_space<hbm>>
        %dma_wait3A_34 = tpu.memref_slice %arg4[%add3A_20] : memref<320000xi32, #tpu.memory_space<hbm>> -> memref<80xi32, #tpu.memory_space<hbm>>
        tpu.wait_dma2 semaphore(%run_scoped3A : memref<!tpu.dma_semaphore, #tpu.memory_space<semaphore_mem>>) src(%dma_wait3A_34 : memref<80xi32, #tpu.memory_space<hbm>>) dst(%arg8 : memref<80xi32, #tpu.memory_space<vmem>>)
        tpu.yield
      }) : () -> ()
      "tpu.region"() ({
        %run_scoped3A = tpu.sem_alloc : memref<!tpu.dma_semaphore, #tpu.memory_space<semaphore_mem>>
        %dma_start3A_31 = tpu.memref_slice %arg5[%add3A_20] : memref<320000xi32, #tpu.memory_space<hbm>> -> memref<80xi32, #tpu.memory_space<hbm>>
        %dma_start3A_32 = tpu.memref_slice %arg5[%add3A_20] : memref<320000xi32, #tpu.memory_space<hbm>> -> memref<80xi32, #tpu.memory_space<hbm>>
        tpu.enqueue_dma source(%dma_start3A_32 : memref<80xi32, #tpu.memory_space<hbm>>) target(%arg9 : memref<80xi32, #tpu.memory_space<vmem>>) target_semaphore(%run_scoped3A : memref<!tpu.dma_semaphore, #tpu.memory_space<semaphore_mem>>)
        %dma_wait3A_33 = tpu.memref_slice %arg5[%add3A_20] : memref<320000xi32, #tpu.memory_space<hbm>> -> memref<80xi32, #tpu.memory_space<hbm>>
        %dma_wait3A_34 = tpu.memref_slice %arg5[%add3A_20] : memref<320000xi32, #tpu.memory_space<hbm>> -> memref<80xi32, #tpu.memory_space<hbm>>
        tpu.wait_dma2 semaphore(%run_scoped3A : memref<!tpu.dma_semaphore, #tpu.memory_space<semaphore_mem>>) src(%dma_wait3A_34 : memref<80xi32, #tpu.memory_space<hbm>>) dst(%arg9 : memref<80xi32, #tpu.memory_space<vmem>>)
        tpu.yield
      }) : () -> ()
      %dma_start3A = arith.constant 0 : i32
      %dma_start3A_21 = arith.constant 0 : i32
      %dma_start3A_22 = tpu.memref_slice %arg2[%dma_start3A, %dma_start3A_21] : memref<10000x128xf32, #tpu.memory_space<hbm>> -> memref<10000x128xf32, #tpu.memory_space<hbm>>
      tpu.enqueue_indirect_dma source(%dma_start3A_22 : memref<10000x128xf32, #tpu.memory_space<hbm>>) target(%arg10 : memref<80x128xf32, #tpu.memory_space<vmem>>) offsets(%arg8 : memref<80xi32, #tpu.memory_space<vmem>>) semaphore(%arg13 : memref<!tpu.dma_semaphore, #tpu.memory_space<semaphore_mem>>)
      "tpu.region"() ({
        %run_scoped3A = tpu.sem_alloc : memref<!tpu.dma_semaphore, #tpu.memory_space<semaphore_mem>>
        %dma_start3A_31 = arith.constant 0 : i32
        %dma_start3A_32 = tpu.memref_slice %arg3[%add3A_20, %dma_start3A_31] : memref<320000x128xf32, #tpu.memory_space<hbm>> -> memref<80x128xf32, #tpu.memory_space<hbm>>
        %dma_start3A_33 = arith.constant 0 : i32
        %dma_start3A_34 = tpu.memref_slice %arg3[%add3A_20, %dma_start3A_33] : memref<320000x128xf32, #tpu.memory_space<hbm>> -> memref<80x128xf32, #tpu.memory_space<hbm>>
        tpu.enqueue_dma source(%dma_start3A_34 : memref<80x128xf32, #tpu.memory_space<hbm>>) target(%arg11 : memref<80x128xf32, #tpu.memory_space<vmem>>) target_semaphore(%run_scoped3A : memref<!tpu.dma_semaphore, #tpu.memory_space<semaphore_mem>>)
        %dma_wait3A_35 = arith.constant 0 : i32
        %dma_wait3A_36 = tpu.memref_slice %arg3[%add3A_20, %dma_wait3A_35] : memref<320000x128xf32, #tpu.memory_space<hbm>> -> memref<80x128xf32, #tpu.memory_space<hbm>>
        %dma_wait3A_37 = arith.constant 0 : i32
        %dma_wait3A_38 = tpu.memref_slice %arg3[%add3A_20, %dma_wait3A_37] : memref<320000x128xf32, #tpu.memory_space<hbm>> -> memref<80x128xf32, #tpu.memory_space<hbm>>
        tpu.wait_dma2 semaphore(%run_scoped3A : memref<!tpu.dma_semaphore, #tpu.memory_space<semaphore_mem>>) src(%dma_wait3A_38 : memref<80x128xf32, #tpu.memory_space<hbm>>) dst(%arg11 : memref<80x128xf32, #tpu.memory_space<vmem>>)
        tpu.yield
      }) : () -> ()
      %dma_wait3A = arith.constant 0 : i32
      %dma_wait3A_23 = arith.constant 0 : i32
      %dma_wait3A_24 = tpu.memref_slice %arg2[%dma_wait3A, %dma_wait3A_23] : memref<10000x128xf32, #tpu.memory_space<hbm>> -> memref<10000x128xf32, #tpu.memory_space<hbm>>
      tpu.wait_indirect_dma semaphore(%arg13 : memref<!tpu.dma_semaphore, #tpu.memory_space<semaphore_mem>>) src(%dma_wait3A_24 : memref<10000x128xf32, #tpu.memory_space<hbm>>) dst(%arg10 : memref<80x128xf32, #tpu.memory_space<vmem>>)
      %scan3A_25 = arith.constant 0 : i32
      %scan3A_26 = arith.constant 0 : i32
      %scan3A_27 = arith.constant 80 : i32
      %scan3A_28 = arith.addi %scan3A_26, %scan3A_27 : i32
      %scan3A_29 = arith.constant 1 : i32
      scf.for %scan3A_31 = %scan3A_26 to %scan3A_28 step %scan3A_29  : i32 {
        %get3A = arith.index_cast %scan3A_31 : i32 to index
        %get3A_32 = arith.constant 0 : index
        %get3A_33 = tpu.vector_load %arg10[%get3A, %get3A_32] {strides = array<i32>} : memref<80x128xf32, #tpu.memory_space<vmem>>, vector<1x16xf32>,
        %get3A_34 = vector.shape_cast %get3A_33 : vector<1x16xf32> to vector<16xf32>
        %get3A_35 = arith.index_cast %scan3A_31 : i32 to index
        %get3A_36 = arith.constant 0 : index
        %get3A_37 = tpu.vector_load %arg11[%get3A_35, %get3A_36] {strides = array<i32>} : memref<80x128xf32, #tpu.memory_space<vmem>>, vector<1x16xf32>,
        %get3A_38 = vector.shape_cast %get3A_37 : vector<1x16xf32> to vector<16xf32>
        %add3A_39 = arith.addf %get3A_34, %get3A_38 : vector<16xf32>
        %max3A = arith.constant 0.000000e+00 : f32
        %max3A_40 = vector.broadcast %max3A : f32 to vector<16xf32>
        %max3A_41 = arith.maximumf %add3A_39, %max3A_40 : vector<16xf32>
        %swap3A = arith.index_cast %scan3A_31 : i32 to index
        %swap3A_42 = arith.constant 0 : index
        %swap3A_43 = tpu.vector_load %arg10[%swap3A, %swap3A_42] {strides = array<i32>} : memref<80x128xf32, #tpu.memory_space<vmem>>, vector<1x16xf32>,
        %swap3A_44 = vector.shape_cast %swap3A_43 : vector<1x16xf32> to vector<16xf32>
        %swap3A_45 = vector.shape_cast %max3A_41 : vector<16xf32> to vector<1x16xf32>
        tpu.vector_store %arg10[%swap3A, %swap3A_42], %swap3A_45 {strides = array<i32>} : memref<80x128xf32, #tpu.memory_space<vmem>>, vector<1x16xf32>,
        %get3A_46 = arith.index_cast %scan3A_31 : i32 to index
        %get3A_47 = arith.constant 16 : index
        %get3A_48 = tpu.vector_load %arg10[%get3A_46, %get3A_47] {strides = array<i32>} : memref<80x128xf32, #tpu.memory_space<vmem>>, vector<1x16xf32>,
        %get3A_49 = vector.shape_cast %get3A_48 : vector<1x16xf32> to vector<16xf32>
        %get3A_50 = arith.index_cast %scan3A_31 : i32 to index
        %get3A_51 = arith.constant 16 : index
        %get3A_52 = tpu.vector_load %arg11[%get3A_50, %get3A_51] {strides = array<i32>} : memref<80x128xf32, #tpu.memory_space<vmem>>, vector<1x16xf32>,
        %get3A_53 = vector.shape_cast %get3A_52 : vector<1x16xf32> to vector<16xf32>
        %add3A_54 = arith.addf %get3A_49, %get3A_53 : vector<16xf32>
        %max3A_55 = arith.constant 0.000000e+00 : f32
        %max3A_56 = vector.broadcast %max3A_55 : f32 to vector<16xf32>
        %max3A_57 = arith.maximumf %add3A_54, %max3A_56 : vector<16xf32>
        %swap3A_58 = arith.index_cast %scan3A_31 : i32 to index
        %swap3A_59 = arith.constant 16 : index
        %swap3A_60 = tpu.vector_load %arg10[%swap3A_58, %swap3A_59] {strides = array<i32>} : memref<80x128xf32, #tpu.memory_space<vmem>>, vector<1x16xf32>,
        %swap3A_61 = vector.shape_cast %swap3A_60 : vector<1x16xf32> to vector<16xf32>
        %swap3A_62 = vector.shape_cast %max3A_57 : vector<16xf32> to vector<1x16xf32>
        tpu.vector_store %arg10[%swap3A_58, %swap3A_59], %swap3A_62 {strides = array<i32>} : memref<80x128xf32, #tpu.memory_space<vmem>>, vector<1x16xf32>,
        %get3A_63 = arith.index_cast %scan3A_31 : i32 to index
        %get3A_64 = arith.constant 32 : index
        %get3A_65 = tpu.vector_load %arg10[%get3A_63, %get3A_64] {strides = array<i32>} : memref<80x128xf32, #tpu.memory_space<vmem>>, vector<1x16xf32>,
        %get3A_66 = vector.shape_cast %get3A_65 : vector<1x16xf32> to vector<16xf32>
        %get3A_67 = arith.index_cast %scan3A_31 : i32 to index
        %get3A_68 = arith.constant 32 : index
        %get3A_69 = tpu.vector_load %arg11[%get3A_67, %get3A_68] {strides = array<i32>} : memref<80x128xf32, #tpu.memory_space<vmem>>, vector<1x16xf32>,
        %get3A_70 = vector.shape_cast %get3A_69 : vector<1x16xf32> to vector<16xf32>
        %add3A_71 = arith.addf %get3A_66, %get3A_70 : vector<16xf32>
        %max3A_72 = arith.constant 0.000000e+00 : f32
        %max3A_73 = vector.broadcast %max3A_72 : f32 to vector<16xf32>
        %max3A_74 = arith.maximumf %add3A_71, %max3A_73 : vector<16xf32>
        %swap3A_75 = arith.index_cast %scan3A_31 : i32 to index
        %swap3A_76 = arith.constant 32 : index
        %swap3A_77 = tpu.vector_load %arg10[%swap3A_75, %swap3A_76] {strides = array<i32>} : memref<80x128xf32, #tpu.memory_space<vmem>>, vector<1x16xf32>,
        %swap3A_78 = vector.shape_cast %swap3A_77 : vector<1x16xf32> to vector<16xf32>
        %swap3A_79 = vector.shape_cast %max3A_74 : vector<16xf32> to vector<1x16xf32>
        tpu.vector_store %arg10[%swap3A_75, %swap3A_76], %swap3A_79 {strides = array<i32>} : memref<80x128xf32, #tpu.memory_space<vmem>>, vector<1x16xf32>,
        %get3A_80 = arith.index_cast %scan3A_31 : i32 to index
        %get3A_81 = arith.constant 48 : index
        %get3A_82 = tpu.vector_load %arg10[%get3A_80, %get3A_81] {strides = array<i32>} : memref<80x128xf32, #tpu.memory_space<vmem>>, vector<1x16xf32>,
        %get3A_83 = vector.shape_cast %get3A_82 : vector<1x16xf32> to vector<16xf32>
        %get3A_84 = arith.index_cast %scan3A_31 : i32 to index
        %get3A_85 = arith.constant 48 : index
        %get3A_86 = tpu.vector_load %arg11[%get3A_84, %get3A_85] {strides = array<i32>} : memref<80x128xf32, #tpu.memory_space<vmem>>, vector<1x16xf32>,
        %get3A_87 = vector.shape_cast %get3A_86 : vector<1x16xf32> to vector<16xf32>
        %add3A_88 = arith.addf %get3A_83, %get3A_87 : vector<16xf32>
        %max3A_89 = arith.constant 0.000000e+00 : f32
        %max3A_90 = vector.broadcast %max3A_89 : f32 to vector<16xf32>
        %max3A_91 = arith.maximumf %add3A_88, %max3A_90 : vector<16xf32>
        %swap3A_92 = arith.index_cast %scan3A_31 : i32 to index
        %swap3A_93 = arith.constant 48 : index
        %swap3A_94 = tpu.vector_load %arg10[%swap3A_92, %swap3A_93] {strides = array<i32>} : memref<80x128xf32, #tpu.memory_space<vmem>>, vector<1x16xf32>,
        %swap3A_95 = vector.shape_cast %swap3A_94 : vector<1x16xf32> to vector<16xf32>
        %swap3A_96 = vector.shape_cast %max3A_91 : vector<16xf32> to vector<1x16xf32>
        tpu.vector_store %arg10[%swap3A_92, %swap3A_93], %swap3A_96 {strides = array<i32>} : memref<80x128xf32, #tpu.memory_space<vmem>>, vector<1x16xf32>,
        %get3A_97 = arith.index_cast %scan3A_31 : i32 to index
        %get3A_98 = arith.constant 64 : index
        %get3A_99 = tpu.vector_load %arg10[%get3A_97, %get3A_98] {strides = array<i32>} : memref<80x128xf32, #tpu.memory_space<vmem>>, vector<1x16xf32>,
        %get3A_100 = vector.shape_cast %get3A_99 : vector<1x16xf32> to vector<16xf32>
        %get3A_101 = arith.index_cast %scan3A_31 : i32 to index
        %get3A_102 = arith.constant 64 : index
        %get3A_103 = tpu.vector_load %arg11[%get3A_101, %get3A_102] {strides = array<i32>} : memref<80x128xf32, #tpu.memory_space<vmem>>, vector<1x16xf32>,
        %get3A_104 = vector.shape_cast %get3A_103 : vector<1x16xf32> to vector<16xf32>
        %add3A_105 = arith.addf %get3A_100, %get3A_104 : vector<16xf32>
        %max3A_106 = arith.constant 0.000000e+00 : f32
        %max3A_107 = vector.broadcast %max3A_106 : f32 to vector<16xf32>
        %max3A_108 = arith.maximumf %add3A_105, %max3A_107 : vector<16xf32>
        %swap3A_109 = arith.index_cast %scan3A_31 : i32 to index
        %swap3A_110 = arith.constant 64 : index
        %swap3A_111 = tpu.vector_load %arg10[%swap3A_109, %swap3A_110] {strides = array<i32>} : memref<80x128xf32, #tpu.memory_space<vmem>>, vector<1x16xf32>,
        %swap3A_112 = vector.shape_cast %swap3A_111 : vector<1x16xf32> to vector<16xf32>
        %swap3A_113 = vector.shape_cast %max3A_108 : vector<16xf32> to vector<1x16xf32>
        tpu.vector_store %arg10[%swap3A_109, %swap3A_110], %swap3A_113 {strides = array<i32>} : memref<80x128xf32, #tpu.memory_space<vmem>>, vector<1x16xf32>,
        %get3A_114 = arith.index_cast %scan3A_31 : i32 to index
        %get3A_115 = arith.constant 80 : index
        %get3A_116 = tpu.vector_load %arg10[%get3A_114, %get3A_115] {strides = array<i32>} : memref<80x128xf32, #tpu.memory_space<vmem>>, vector<1x16xf32>,
        %get3A_117 = vector.shape_cast %get3A_116 : vector<1x16xf32> to vector<16xf32>
        %get3A_118 = arith.index_cast %scan3A_31 : i32 to index
        %get3A_119 = arith.constant 80 : index
        %get3A_120 = tpu.vector_load %arg11[%get3A_118, %get3A_119] {strides = array<i32>} : memref<80x128xf32, #tpu.memory_space<vmem>>, vector<1x16xf32>,
        %get3A_121 = vector.shape_cast %get3A_120 : vector<1x16xf32> to vector<16xf32>
        %add3A_122 = arith.addf %get3A_117, %get3A_121 : vector<16xf32>
        %max3A_123 = arith.constant 0.000000e+00 : f32
        %max3A_124 = vector.broadcast %max3A_123 : f32 to vector<16xf32>
        %max3A_125 = arith.maximumf %add3A_122, %max3A_124 : vector<16xf32>
        %swap3A_126 = arith.index_cast %scan3A_31 : i32 to index
        %swap3A_127 = arith.constant 80 : index
        %swap3A_128 = tpu.vector_load %arg10[%swap3A_126, %swap3A_127] {strides = array<i32>} : memref<80x128xf32, #tpu.memory_space<vmem>>, vector<1x16xf32>,
        %swap3A_129 = vector.shape_cast %swap3A_128 : vector<1x16xf32> to vector<16xf32>
        %swap3A_130 = vector.shape_cast %max3A_125 : vector<16xf32> to vector<1x16xf32>
        tpu.vector_store %arg10[%swap3A_126, %swap3A_127], %swap3A_130 {strides = array<i32>} : memref<80x128xf32, #tpu.memory_space<vmem>>, vector<1x16xf32>,
        %get3A_131 = arith.index_cast %scan3A_31 : i32 to index
        %get3A_132 = arith.constant 96 : index
        %get3A_133 = tpu.vector_load %arg10[%get3A_131, %get3A_132] {strides = array<i32>} : memref<80x128xf32, #tpu.memory_space<vmem>>, vector<1x16xf32>,
        %get3A_134 = vector.shape_cast %get3A_133 : vector<1x16xf32> to vector<16xf32>
        %get3A_135 = arith.index_cast %scan3A_31 : i32 to index
        %get3A_136 = arith.constant 96 : index
        %get3A_137 = tpu.vector_load %arg11[%get3A_135, %get3A_136] {strides = array<i32>} : memref<80x128xf32, #tpu.memory_space<vmem>>, vector<1x16xf32>,
        %get3A_138 = vector.shape_cast %get3A_137 : vector<1x16xf32> to vector<16xf32>
        %add3A_139 = arith.addf %get3A_134, %get3A_138 : vector<16xf32>
        %max3A_140 = arith.constant 0.000000e+00 : f32
        %max3A_141 = vector.broadcast %max3A_140 : f32 to vector<16xf32>
        %max3A_142 = arith.maximumf %add3A_139, %max3A_141 : vector<16xf32>
        %swap3A_143 = arith.index_cast %scan3A_31 : i32 to index
        %swap3A_144 = arith.constant 96 : index
        %swap3A_145 = tpu.vector_load %arg10[%swap3A_143, %swap3A_144] {strides = array<i32>} : memref<80x128xf32, #tpu.memory_space<vmem>>, vector<1x16xf32>,
        %swap3A_146 = vector.shape_cast %swap3A_145 : vector<1x16xf32> to vector<16xf32>
        %swap3A_147 = vector.shape_cast %max3A_142 : vector<16xf32> to vector<1x16xf32>
        tpu.vector_store %arg10[%swap3A_143, %swap3A_144], %swap3A_147 {strides = array<i32>} : memref<80x128xf32, #tpu.memory_space<vmem>>, vector<1x16xf32>,
        %get3A_148 = arith.index_cast %scan3A_31 : i32 to index
        %get3A_149 = arith.constant 112 : index
        %get3A_150 = tpu.vector_load %arg10[%get3A_148, %get3A_149] {strides = array<i32>} : memref<80x128xf32, #tpu.memory_space<vmem>>, vector<1x16xf32>,
        %get3A_151 = vector.shape_cast %get3A_150 : vector<1x16xf32> to vector<16xf32>
        %get3A_152 = arith.index_cast %scan3A_31 : i32 to index
        %get3A_153 = arith.constant 112 : index
        %get3A_154 = tpu.vector_load %arg11[%get3A_152, %get3A_153] {strides = array<i32>} : memref<80x128xf32, #tpu.memory_space<vmem>>, vector<1x16xf32>,
        %get3A_155 = vector.shape_cast %get3A_154 : vector<1x16xf32> to vector<16xf32>
        %add3A_156 = arith.addf %get3A_151, %get3A_155 : vector<16xf32>
        %max3A_157 = arith.constant 0.000000e+00 : f32
        %max3A_158 = vector.broadcast %max3A_157 : f32 to vector<16xf32>
        %max3A_159 = arith.maximumf %add3A_156, %max3A_158 : vector<16xf32>
        %swap3A_160 = arith.index_cast %scan3A_31 : i32 to index
        %swap3A_161 = arith.constant 112 : index
        %swap3A_162 = tpu.vector_load %arg10[%swap3A_160, %swap3A_161] {strides = array<i32>} : memref<80x128xf32, #tpu.memory_space<vmem>>, vector<1x16xf32>,
        %swap3A_163 = vector.shape_cast %swap3A_162 : vector<1x16xf32> to vector<16xf32>
        %swap3A_164 = vector.shape_cast %max3A_159 : vector<16xf32> to vector<1x16xf32>
        tpu.vector_store %arg10[%swap3A_160, %swap3A_161], %swap3A_164 {strides = array<i32>} : memref<80x128xf32, #tpu.memory_space<vmem>>, vector<1x16xf32>,
      }
      %scan3A_30 = arith.constant 80 : i32
      "tpu.region"() ({
        %run_scoped3A = tpu.sem_alloc : memref<!tpu.dma_semaphore, #tpu.memory_space<semaphore_mem>>
        %dma_start3A_31 = arith.constant 0 : i32
        %dma_start3A_32 = arith.constant 0 : i32
        %dma_start3A_33 = tpu.memref_slice %arg12[%dma_start3A_31, %dma_start3A_32] : memref<10240x128xf32, #tpu.memory_space<vmem_shared>> -> memref<10240x128xf32, #tpu.memory_space<vmem_shared>>
        tpu.enqueue_indirect_dma source(%arg10 : memref<80x128xf32, #tpu.memory_space<vmem>>) target(%dma_start3A_33 : memref<10240x128xf32, #tpu.memory_space<vmem_shared>>) offsets(%arg9 : memref<80xi32, #tpu.memory_space<vmem>>) semaphore(%run_scoped3A : memref<!tpu.dma_semaphore, #tpu.memory_space<semaphore_mem>>) {add = true}
        %dma_wait3A_34 = arith.constant 0 : i32
        %dma_wait3A_35 = arith.constant 0 : i32
        %dma_wait3A_36 = tpu.memref_slice %arg12[%dma_wait3A_34, %dma_wait3A_35] : memref<10240x128xf32, #tpu.memory_space<vmem_shared>> -> memref<10240x128xf32, #tpu.memory_space<vmem_shared>>
        tpu.wait_indirect_dma semaphore(%run_scoped3A : memref<!tpu.dma_semaphore, #tpu.memory_space<semaphore_mem>>) src(%arg10 : memref<80x128xf32, #tpu.memory_space<vmem>>) dst(%dma_wait3A_36 : memref<10240x128xf32, #tpu.memory_space<vmem_shared>>)
        tpu.yield
      }) : () -> ()
    }
    %scan3A_11 = arith.constant 125 : i32
    %barrier3A_12 = arith.constant 0 : index
    tpu.barrier barrier_id(%barrier3A_12)
    %mul3A_13 = arith.constant 640 : i32
    %mul3A_14 = arith.muli %arg1, %mul3A_13 : i32
    %mul3A_15 = arith.constant 640 : i32
    %mul3A_16 = arith.muli %arg1, %mul3A_15 : i32
    "tpu.region"() ({
      %run_scoped3A = tpu.sem_alloc : memref<!tpu.dma_semaphore, #tpu.memory_space<semaphore_mem>>
      %dma_start3A = arith.constant 0 : i32
      %dma_start3A_17 = tpu.memref_slice %arg7[%arg0, %mul3A_16, %dma_start3A] : memref<2x10240x128xf32, #tpu.memory_space<hbm>> -> memref<1x640x128xf32, #tpu.memory_space<hbm>>
      %dma_start3A_18 = tpu.memref_squeeze %dma_start3A_17 : memref<1x640x128xf32, #tpu.memory_space<hbm>> -> memref<640x128xf32, #tpu.memory_space<hbm>>
      %dma_start3A_19 = arith.constant 0 : i32
      %dma_start3A_20 = tpu.memref_slice %arg12[%mul3A_14, %dma_start3A_19] : memref<10240x128xf32, #tpu.memory_space<vmem_shared>> -> memref<640x128xf32, #tpu.memory_space<vmem_shared>>
      tpu.enqueue_dma source(%dma_start3A_20 : memref<640x128xf32, #tpu.memory_space<vmem_shared>>) target(%dma_start3A_18 : memref<640x128xf32, #tpu.memory_space<hbm>>) target_semaphore(%run_scoped3A : memref<!tpu.dma_semaphore, #tpu.memory_space<semaphore_mem>>)
      %dma_wait3A = arith.constant 0 : i32
      %dma_wait3A_21 = tpu.memref_slice %arg7[%arg0, %mul3A_16, %dma_wait3A] : memref<2x10240x128xf32, #tpu.memory_space<hbm>> -> memref<1x640x128xf32, #tpu.memory_space<hbm>>
      %dma_wait3A_22 = tpu.memref_squeeze %dma_wait3A_21 : memref<1x640x128xf32, #tpu.memory_space<hbm>> -> memref<640x128xf32, #tpu.memory_space<hbm>>
      %dma_wait3A_23 = arith.constant 0 : i32
      %dma_wait3A_24 = tpu.memref_slice %arg12[%mul3A_14, %dma_wait3A_23] : memref<10240x128xf32, #tpu.memory_space<vmem_shared>> -> memref<640x128xf32, #tpu.memory_space<vmem_shared>>
      tpu.wait_dma2 semaphore(%run_scoped3A : memref<!tpu.dma_semaphore, #tpu.memory_space<semaphore_mem>>) src(%dma_wait3A_24 : memref<640x128xf32, #tpu.memory_space<vmem_shared>>) dst(%dma_wait3A_22 : memref<640x128xf32, #tpu.memory_space<hbm>>)
      tpu.yield
    }) : () -> ()
    return
  }
}

#map = affine_map<(d0, d1) -> (0, 0)>
#map1 = affine_map<(d0, d1) -> (0)>
#map2 = affine_map<(d0, d1) -> (0, 0, 0)>
module attributes {stable_mosaic.version = 14 : i64} {
  func.func @_sc_msg_body(%arg0: i32, %arg1: i32, %arg2: memref<10000x128xf32, #tpu.memory_space<hbm>>, %arg3: memref<320000x128xf32, #tpu.memory_space<hbm>>, %arg4: memref<320000xi32, #tpu.memory_space<hbm>>, %arg5: memref<320000xi32, #tpu.memory_space<hbm>>, %arg6: memref<10240x128xf32, #tpu.memory_space<hbm>>, %arg7: memref<2x10240x128xf32, #tpu.memory_space<hbm>>, %arg8: memref<80xi32, #tpu.memory_space<vmem>>, %arg9: memref<80xi32, #tpu.memory_space<vmem>>, %arg10: memref<80x128xf32, #tpu.memory_space<vmem>>, %arg11: memref<80x128xf32, #tpu.memory_space<vmem>>, %arg12: memref<10240x128xf32, #tpu.memory_space<vmem_shared>>, %arg13: memref<!tpu.dma_semaphore, #tpu.memory_space<semaphore_mem>>) attributes {dimension_semantics = [#tpu.dimension_semantics<core_parallel>, #tpu.dimension_semantics<subcore_parallel>], iteration_bounds = array<i64: 2, 16>, scalar_prefetch = 0 : i64, scratch_operands = 6 : i64, tpu.core_type = #tpu.core_type<sc_vector_subcore>, window_params = [{transform_indices = #map}, {transform_indices = #map}, {transform_indices = #map1}, {transform_indices = #map1}, {transform_indices = #map}, {transform_indices = #map2}]} {
    %mul3A = arith.constant 16 : i32
    %mul3A_0 = arith.muli %arg0, %mul3A : i32
    %add3A = arith.addi %mul3A_0, %arg1 : i32
    %mul3A_1 = arith.constant 640 : i32
    %mul3A_2 = arith.muli %arg1, %mul3A_1 : i32
    %mul3A_3 = arith.constant 640 : i32
    %mul3A_4 = arith.muli %arg1, %mul3A_3 : i32
    "tpu.region"() ({
      %run_scoped3A = tpu.sem_alloc : memref<!tpu.dma_semaphore, #tpu.memory_space<semaphore_mem>>
      %dma_start3A = arith.constant 0 : i32
      %dma_start3A_17 = tpu.memref_slice %arg12[%mul3A_4, %dma_start3A] : memref<10240x128xf32, #tpu.memory_space<vmem_shared>> -> memref<640x128xf32, #tpu.memory_space<vmem_shared>>
      %dma_start3A_18 = arith.constant 0 : i32
      %dma_start3A_19 = tpu.memref_slice %arg6[%mul3A_2, %dma_start3A_18] : memref<10240x128xf32, #tpu.memory_space<hbm>> -> memref<640x128xf32, #tpu.memory_space<hbm>>
      tpu.enqueue_dma source(%dma_start3A_19 : memref<640x128xf32, #tpu.memory_space<hbm>>) target(%dma_start3A_17 : memref<640x128xf32, #tpu.memory_space<vmem_shared>>) target_semaphore(%run_scoped3A : memref<!tpu.dma_semaphore, #tpu.memory_space<semaphore_mem>>)
      %dma_wait3A = arith.constant 0 : i32
      %dma_wait3A_20 = tpu.memref_slice %arg12[%mul3A_4, %dma_wait3A] : memref<10240x128xf32, #tpu.memory_space<vmem_shared>> -> memref<640x128xf32, #tpu.memory_space<vmem_shared>>
      %dma_wait3A_21 = arith.constant 0 : i32
      %dma_wait3A_22 = tpu.memref_slice %arg6[%mul3A_2, %dma_wait3A_21] : memref<10240x128xf32, #tpu.memory_space<hbm>> -> memref<640x128xf32, #tpu.memory_space<hbm>>
      tpu.wait_dma2 semaphore(%run_scoped3A : memref<!tpu.dma_semaphore, #tpu.memory_space<semaphore_mem>>) src(%dma_wait3A_22 : memref<640x128xf32, #tpu.memory_space<hbm>>) dst(%dma_wait3A_20 : memref<640x128xf32, #tpu.memory_space<vmem_shared>>)
      tpu.yield
    }) : () -> ()
    %barrier3A = arith.constant 0 : index
    tpu.barrier barrier_id(%barrier3A)
    %mul3A_5 = arith.constant 10000 : i32
    %mul3A_6 = arith.muli %add3A, %mul3A_5 : i32
    %scan3A = arith.constant 0 : i32
    %scan3A_7 = arith.constant 0 : i32
    %scan3A_8 = arith.constant 125 : i32
    %scan3A_9 = arith.addi %scan3A_7, %scan3A_8 : i32
    %scan3A_10 = arith.constant 1 : i32
    scf.for %scan3A_17 = %scan3A_7 to %scan3A_9 step %scan3A_10  : i32 {
      %mul3A_18 = arith.constant 80 : i32
      %mul3A_19 = arith.muli %scan3A_17, %mul3A_18 : i32
      %add3A_20 = arith.addi %mul3A_6, %mul3A_19 : i32
      "tpu.region"() ({
        %run_scoped3A = tpu.sem_alloc : memref<!tpu.dma_semaphore, #tpu.memory_space<semaphore_mem>>
        %dma_start3A_31 = tpu.memref_slice %arg4[%add3A_20] : memref<320000xi32, #tpu.memory_space<hbm>> -> memref<80xi32, #tpu.memory_space<hbm>>
        %dma_start3A_32 = tpu.memref_slice %arg4[%add3A_20] : memref<320000xi32, #tpu.memory_space<hbm>> -> memref<80xi32, #tpu.memory_space<hbm>>
        tpu.enqueue_dma source(%dma_start3A_32 : memref<80xi32, #tpu.memory_space<hbm>>) target(%arg8 : memref<80xi32, #tpu.memory_space<vmem>>) target_semaphore(%run_scoped3A : memref<!tpu.dma_semaphore, #tpu.memory_space<semaphore_mem>>)
        %dma_wait3A_33 = tpu.memref_slice %arg4[%add3A_20] : memref<320000xi32, #tpu.memory_space<hbm>> -> memref<80xi32, #tpu.memory_space<hbm>>
        %dma_wait3A_34 = tpu.memref_slice %arg4[%add3A_20] : memref<320000xi32, #tpu.memory_space<hbm>> -> memref<80xi32, #tpu.memory_space<hbm>>
        tpu.wait_dma2 semaphore(%run_scoped3A : memref<!tpu.dma_semaphore, #tpu.memory_space<semaphore_mem>>) src(%dma_wait3A_34 : memref<80xi32, #tpu.memory_space<hbm>>) dst(%arg8 : memref<80xi32, #tpu.memory_space<vmem>>)
        tpu.yield
      }) : () -> ()
      "tpu.region"() ({
        %run_scoped3A = tpu.sem_alloc : memref<!tpu.dma_semaphore, #tpu.memory_space<semaphore_mem>>
        %dma_start3A_31 = tpu.memref_slice %arg5[%add3A_20] : memref<320000xi32, #tpu.memory_space<hbm>> -> memref<80xi32, #tpu.memory_space<hbm>>
        %dma_start3A_32 = tpu.memref_slice %arg5[%add3A_20] : memref<320000xi32, #tpu.memory_space<hbm>> -> memref<80xi32, #tpu.memory_space<hbm>>
        tpu.enqueue_dma source(%dma_start3A_32 : memref<80xi32, #tpu.memory_space<hbm>>) target(%arg9 : memref<80xi32, #tpu.memory_space<vmem>>) target_semaphore(%run_scoped3A : memref<!tpu.dma_semaphore, #tpu.memory_space<semaphore_mem>>)
        %dma_wait3A_33 = tpu.memref_slice %arg5[%add3A_20] : memref<320000xi32, #tpu.memory_space<hbm>> -> memref<80xi32, #tpu.memory_space<hbm>>
        %dma_wait3A_34 = tpu.memref_slice %arg5[%add3A_20] : memref<320000xi32, #tpu.memory_space<hbm>> -> memref<80xi32, #tpu.memory_space<hbm>>
        tpu.wait_dma2 semaphore(%run_scoped3A : memref<!tpu.dma_semaphore, #tpu.memory_space<semaphore_mem>>) src(%dma_wait3A_34 : memref<80xi32, #tpu.memory_space<hbm>>) dst(%arg9 : memref<80xi32, #tpu.memory_space<vmem>>)
        tpu.yield
      }) : () -> ()
      %dma_start3A = arith.constant 0 : i32
      %dma_start3A_21 = arith.constant 0 : i32
      %dma_start3A_22 = tpu.memref_slice %arg2[%dma_start3A, %dma_start3A_21] : memref<10000x128xf32, #tpu.memory_space<hbm>> -> memref<10000x128xf32, #tpu.memory_space<hbm>>
      tpu.enqueue_indirect_dma source(%dma_start3A_22 : memref<10000x128xf32, #tpu.memory_space<hbm>>) target(%arg10 : memref<80x128xf32, #tpu.memory_space<vmem>>) offsets(%arg8 : memref<80xi32, #tpu.memory_space<vmem>>) semaphore(%arg13 : memref<!tpu.dma_semaphore, #tpu.memory_space<semaphore_mem>>)
      "tpu.region"() ({
        %run_scoped3A = tpu.sem_alloc : memref<!tpu.dma_semaphore, #tpu.memory_space<semaphore_mem>>
        %dma_start3A_31 = arith.constant 0 : i32
        %dma_start3A_32 = tpu.memref_slice %arg3[%add3A_20, %dma_start3A_31] : memref<320000x128xf32, #tpu.memory_space<hbm>> -> memref<80x128xf32, #tpu.memory_space<hbm>>
        %dma_start3A_33 = arith.constant 0 : i32
        %dma_start3A_34 = tpu.memref_slice %arg3[%add3A_20, %dma_start3A_33] : memref<320000x128xf32, #tpu.memory_space<hbm>> -> memref<80x128xf32, #tpu.memory_space<hbm>>
        tpu.enqueue_dma source(%dma_start3A_34 : memref<80x128xf32, #tpu.memory_space<hbm>>) target(%arg11 : memref<80x128xf32, #tpu.memory_space<vmem>>) target_semaphore(%run_scoped3A : memref<!tpu.dma_semaphore, #tpu.memory_space<semaphore_mem>>)
        %dma_wait3A_35 = arith.constant 0 : i32
        %dma_wait3A_36 = tpu.memref_slice %arg3[%add3A_20, %dma_wait3A_35] : memref<320000x128xf32, #tpu.memory_space<hbm>> -> memref<80x128xf32, #tpu.memory_space<hbm>>
        %dma_wait3A_37 = arith.constant 0 : i32
        %dma_wait3A_38 = tpu.memref_slice %arg3[%add3A_20, %dma_wait3A_37] : memref<320000x128xf32, #tpu.memory_space<hbm>> -> memref<80x128xf32, #tpu.memory_space<hbm>>
        tpu.wait_dma2 semaphore(%run_scoped3A : memref<!tpu.dma_semaphore, #tpu.memory_space<semaphore_mem>>) src(%dma_wait3A_38 : memref<80x128xf32, #tpu.memory_space<hbm>>) dst(%arg11 : memref<80x128xf32, #tpu.memory_space<vmem>>)
        tpu.yield
      }) : () -> ()
      %dma_wait3A = arith.constant 0 : i32
      %dma_wait3A_23 = arith.constant 0 : i32
      %dma_wait3A_24 = tpu.memref_slice %arg2[%dma_wait3A, %dma_wait3A_23] : memref<10000x128xf32, #tpu.memory_space<hbm>> -> memref<10000x128xf32, #tpu.memory_space<hbm>>
      tpu.wait_indirect_dma semaphore(%arg13 : memref<!tpu.dma_semaphore, #tpu.memory_space<semaphore_mem>>) src(%dma_wait3A_24 : memref<10000x128xf32, #tpu.memory_space<hbm>>) dst(%arg10 : memref<80x128xf32, #tpu.memory_space<vmem>>)
      %scan3A_25 = arith.constant 0 : i32
      %scan3A_26 = arith.constant 0 : i32
      %scan3A_27 = arith.constant 80 : i32
      %scan3A_28 = arith.addi %scan3A_26, %scan3A_27 : i32
      %scan3A_29 = arith.constant 1 : i32
      scf.for %scan3A_31 = %scan3A_26 to %scan3A_28 step %scan3A_29  : i32 {
        %get3A = arith.index_cast %scan3A_31 : i32 to index
        %get3A_32 = arith.constant 0 : index
        %get3A_33 = tpu.vector_load %arg10[%get3A, %get3A_32] {strides = array<i32>} : memref<80x128xf32, #tpu.memory_space<vmem>>, vector<1x16xf32>,
        %get3A_34 = vector.shape_cast %get3A_33 : vector<1x16xf32> to vector<16xf32>
        %get3A_35 = arith.index_cast %scan3A_31 : i32 to index
        %get3A_36 = arith.constant 0 : index
        %get3A_37 = tpu.vector_load %arg11[%get3A_35, %get3A_36] {strides = array<i32>} : memref<80x128xf32, #tpu.memory_space<vmem>>, vector<1x16xf32>,
        %get3A_38 = vector.shape_cast %get3A_37 : vector<1x16xf32> to vector<16xf32>
        %add3A_39 = arith.addf %get3A_34, %get3A_38 : vector<16xf32>
        %max3A = arith.constant 0.000000e+00 : f32
        %max3A_40 = vector.broadcast %max3A : f32 to vector<16xf32>
        %max3A_41 = arith.maximumf %add3A_39, %max3A_40 : vector<16xf32>
        %swap3A = arith.index_cast %scan3A_31 : i32 to index
        %swap3A_42 = arith.constant 0 : index
        %swap3A_43 = tpu.vector_load %arg10[%swap3A, %swap3A_42] {strides = array<i32>} : memref<80x128xf32, #tpu.memory_space<vmem>>, vector<1x16xf32>,
        %swap3A_44 = vector.shape_cast %swap3A_43 : vector<1x16xf32> to vector<16xf32>
        %swap3A_45 = vector.shape_cast %max3A_41 : vector<16xf32> to vector<1x16xf32>
        tpu.vector_store %arg10[%swap3A, %swap3A_42], %swap3A_45 {strides = array<i32>} : memref<80x128xf32, #tpu.memory_space<vmem>>, vector<1x16xf32>,
        %get3A_46 = arith.index_cast %scan3A_31 : i32 to index
        %get3A_47 = arith.constant 16 : index
        %get3A_48 = tpu.vector_load %arg10[%get3A_46, %get3A_47] {strides = array<i32>} : memref<80x128xf32, #tpu.memory_space<vmem>>, vector<1x16xf32>,
        %get3A_49 = vector.shape_cast %get3A_48 : vector<1x16xf32> to vector<16xf32>
        %get3A_50 = arith.index_cast %scan3A_31 : i32 to index
        %get3A_51 = arith.constant 16 : index
        %get3A_52 = tpu.vector_load %arg11[%get3A_50, %get3A_51] {strides = array<i32>} : memref<80x128xf32, #tpu.memory_space<vmem>>, vector<1x16xf32>,
        %get3A_53 = vector.shape_cast %get3A_52 : vector<1x16xf32> to vector<16xf32>
        %add3A_54 = arith.addf %get3A_49, %get3A_53 : vector<16xf32>
        %max3A_55 = arith.constant 0.000000e+00 : f32
        %max3A_56 = vector.broadcast %max3A_55 : f32 to vector<16xf32>
        %max3A_57 = arith.maximumf %add3A_54, %max3A_56 : vector<16xf32>
        %swap3A_58 = arith.index_cast %scan3A_31 : i32 to index
        %swap3A_59 = arith.constant 16 : index
        %swap3A_60 = tpu.vector_load %arg10[%swap3A_58, %swap3A_59] {strides = array<i32>} : memref<80x128xf32, #tpu.memory_space<vmem>>, vector<1x16xf32>,
        %swap3A_61 = vector.shape_cast %swap3A_60 : vector<1x16xf32> to vector<16xf32>
        %swap3A_62 = vector.shape_cast %max3A_57 : vector<16xf32> to vector<1x16xf32>
        tpu.vector_store %arg10[%swap3A_58, %swap3A_59], %swap3A_62 {strides = array<i32>} : memref<80x128xf32, #tpu.memory_space<vmem>>, vector<1x16xf32>,
        %get3A_63 = arith.index_cast %scan3A_31 : i32 to index
        %get3A_64 = arith.constant 32 : index
        %get3A_65 = tpu.vector_load %arg10[%get3A_63, %get3A_64] {strides = array<i32>} : memref<80x128xf32, #tpu.memory_space<vmem>>, vector<1x16xf32>,
        %get3A_66 = vector.shape_cast %get3A_65 : vector<1x16xf32> to vector<16xf32>
        %get3A_67 = arith.index_cast %scan3A_31 : i32 to index
        %get3A_68 = arith.constant 32 : index
        %get3A_69 = tpu.vector_load %arg11[%get3A_67, %get3A_68] {strides = array<i32>} : memref<80x128xf32, #tpu.memory_space<vmem>>, vector<1x16xf32>,
        %get3A_70 = vector.shape_cast %get3A_69 : vector<1x16xf32> to vector<16xf32>
        %add3A_71 = arith.addf %get3A_66, %get3A_70 : vector<16xf32>
        %max3A_72 = arith.constant 0.000000e+00 : f32
        %max3A_73 = vector.broadcast %max3A_72 : f32 to vector<16xf32>
        %max3A_74 = arith.maximumf %add3A_71, %max3A_73 : vector<16xf32>
        %swap3A_75 = arith.index_cast %scan3A_31 : i32 to index
        %swap3A_76 = arith.constant 32 : index
        %swap3A_77 = tpu.vector_load %arg10[%swap3A_75, %swap3A_76] {strides = array<i32>} : memref<80x128xf32, #tpu.memory_space<vmem>>, vector<1x16xf32>,
        %swap3A_78 = vector.shape_cast %swap3A_77 : vector<1x16xf32> to vector<16xf32>
        %swap3A_79 = vector.shape_cast %max3A_74 : vector<16xf32> to vector<1x16xf32>
        tpu.vector_store %arg10[%swap3A_75, %swap3A_76], %swap3A_79 {strides = array<i32>} : memref<80x128xf32, #tpu.memory_space<vmem>>, vector<1x16xf32>,
        %get3A_80 = arith.index_cast %scan3A_31 : i32 to index
        %get3A_81 = arith.constant 48 : index
        %get3A_82 = tpu.vector_load %arg10[%get3A_80, %get3A_81] {strides = array<i32>} : memref<80x128xf32, #tpu.memory_space<vmem>>, vector<1x16xf32>,
        %get3A_83 = vector.shape_cast %get3A_82 : vector<1x16xf32> to vector<16xf32>
        %get3A_84 = arith.index_cast %scan3A_31 : i32 to index
        %get3A_85 = arith.constant 48 : index
        %get3A_86 = tpu.vector_load %arg11[%get3A_84, %get3A_85] {strides = array<i32>} : memref<80x128xf32, #tpu.memory_space<vmem>>, vector<1x16xf32>,
        %get3A_87 = vector.shape_cast %get3A_86 : vector<1x16xf32> to vector<16xf32>
        %add3A_88 = arith.addf %get3A_83, %get3A_87 : vector<16xf32>
        %max3A_89 = arith.constant 0.000000e+00 : f32
        %max3A_90 = vector.broadcast %max3A_89 : f32 to vector<16xf32>
        %max3A_91 = arith.maximumf %add3A_88, %max3A_90 : vector<16xf32>
        %swap3A_92 = arith.index_cast %scan3A_31 : i32 to index
        %swap3A_93 = arith.constant 48 : index
        %swap3A_94 = tpu.vector_load %arg10[%swap3A_92, %swap3A_93] {strides = array<i32>} : memref<80x128xf32, #tpu.memory_space<vmem>>, vector<1x16xf32>,
        %swap3A_95 = vector.shape_cast %swap3A_94 : vector<1x16xf32> to vector<16xf32>
        %swap3A_96 = vector.shape_cast %max3A_91 : vector<16xf32> to vector<1x16xf32>
        tpu.vector_store %arg10[%swap3A_92, %swap3A_93], %swap3A_96 {strides = array<i32>} : memref<80x128xf32, #tpu.memory_space<vmem>>, vector<1x16xf32>,
        %get3A_97 = arith.index_cast %scan3A_31 : i32 to index
        %get3A_98 = arith.constant 64 : index
        %get3A_99 = tpu.vector_load %arg10[%get3A_97, %get3A_98] {strides = array<i32>} : memref<80x128xf32, #tpu.memory_space<vmem>>, vector<1x16xf32>,
        %get3A_100 = vector.shape_cast %get3A_99 : vector<1x16xf32> to vector<16xf32>
        %get3A_101 = arith.index_cast %scan3A_31 : i32 to index
        %get3A_102 = arith.constant 64 : index
        %get3A_103 = tpu.vector_load %arg11[%get3A_101, %get3A_102] {strides = array<i32>} : memref<80x128xf32, #tpu.memory_space<vmem>>, vector<1x16xf32>,
        %get3A_104 = vector.shape_cast %get3A_103 : vector<1x16xf32> to vector<16xf32>
        %add3A_105 = arith.addf %get3A_100, %get3A_104 : vector<16xf32>
        %max3A_106 = arith.constant 0.000000e+00 : f32
        %max3A_107 = vector.broadcast %max3A_106 : f32 to vector<16xf32>
        %max3A_108 = arith.maximumf %add3A_105, %max3A_107 : vector<16xf32>
        %swap3A_109 = arith.index_cast %scan3A_31 : i32 to index
        %swap3A_110 = arith.constant 64 : index
        %swap3A_111 = tpu.vector_load %arg10[%swap3A_109, %swap3A_110] {strides = array<i32>} : memref<80x128xf32, #tpu.memory_space<vmem>>, vector<1x16xf32>,
        %swap3A_112 = vector.shape_cast %swap3A_111 : vector<1x16xf32> to vector<16xf32>
        %swap3A_113 = vector.shape_cast %max3A_108 : vector<16xf32> to vector<1x16xf32>
        tpu.vector_store %arg10[%swap3A_109, %swap3A_110], %swap3A_113 {strides = array<i32>} : memref<80x128xf32, #tpu.memory_space<vmem>>, vector<1x16xf32>,
        %get3A_114 = arith.index_cast %scan3A_31 : i32 to index
        %get3A_115 = arith.constant 80 : index
        %get3A_116 = tpu.vector_load %arg10[%get3A_114, %get3A_115] {strides = array<i32>} : memref<80x128xf32, #tpu.memory_space<vmem>>, vector<1x16xf32>,
        %get3A_117 = vector.shape_cast %get3A_116 : vector<1x16xf32> to vector<16xf32>
        %get3A_118 = arith.index_cast %scan3A_31 : i32 to index
        %get3A_119 = arith.constant 80 : index
        %get3A_120 = tpu.vector_load %arg11[%get3A_118, %get3A_119] {strides = array<i32>} : memref<80x128xf32, #tpu.memory_space<vmem>>, vector<1x16xf32>,
        %get3A_121 = vector.shape_cast %get3A_120 : vector<1x16xf32> to vector<16xf32>
        %add3A_122 = arith.addf %get3A_117, %get3A_121 : vector<16xf32>
        %max3A_123 = arith.constant 0.000000e+00 : f32
        %max3A_124 = vector.broadcast %max3A_123 : f32 to vector<16xf32>
        %max3A_125 = arith.maximumf %add3A_122, %max3A_124 : vector<16xf32>
        %swap3A_126 = arith.index_cast %scan3A_31 : i32 to index
        %swap3A_127 = arith.constant 80 : index
        %swap3A_128 = tpu.vector_load %arg10[%swap3A_126, %swap3A_127] {strides = array<i32>} : memref<80x128xf32, #tpu.memory_space<vmem>>, vector<1x16xf32>,
        %swap3A_129 = vector.shape_cast %swap3A_128 : vector<1x16xf32> to vector<16xf32>
        %swap3A_130 = vector.shape_cast %max3A_125 : vector<16xf32> to vector<1x16xf32>
        tpu.vector_store %arg10[%swap3A_126, %swap3A_127], %swap3A_130 {strides = array<i32>} : memref<80x128xf32, #tpu.memory_space<vmem>>, vector<1x16xf32>,
        %get3A_131 = arith.index_cast %scan3A_31 : i32 to index
        %get3A_132 = arith.constant 96 : index
        %get3A_133 = tpu.vector_load %arg10[%get3A_131, %get3A_132] {strides = array<i32>} : memref<80x128xf32, #tpu.memory_space<vmem>>, vector<1x16xf32>,
        %get3A_134 = vector.shape_cast %get3A_133 : vector<1x16xf32> to vector<16xf32>
        %get3A_135 = arith.index_cast %scan3A_31 : i32 to index
        %get3A_136 = arith.constant 96 : index
        %get3A_137 = tpu.vector_load %arg11[%get3A_135, %get3A_136] {strides = array<i32>} : memref<80x128xf32, #tpu.memory_space<vmem>>, vector<1x16xf32>,
        %get3A_138 = vector.shape_cast %get3A_137 : vector<1x16xf32> to vector<16xf32>
        %add3A_139 = arith.addf %get3A_134, %get3A_138 : vector<16xf32>
        %max3A_140 = arith.constant 0.000000e+00 : f32
        %max3A_141 = vector.broadcast %max3A_140 : f32 to vector<16xf32>
        %max3A_142 = arith.maximumf %add3A_139, %max3A_141 : vector<16xf32>
        %swap3A_143 = arith.index_cast %scan3A_31 : i32 to index
        %swap3A_144 = arith.constant 96 : index
        %swap3A_145 = tpu.vector_load %arg10[%swap3A_143, %swap3A_144] {strides = array<i32>} : memref<80x128xf32, #tpu.memory_space<vmem>>, vector<1x16xf32>,
        %swap3A_146 = vector.shape_cast %swap3A_145 : vector<1x16xf32> to vector<16xf32>
        %swap3A_147 = vector.shape_cast %max3A_142 : vector<16xf32> to vector<1x16xf32>
        tpu.vector_store %arg10[%swap3A_143, %swap3A_144], %swap3A_147 {strides = array<i32>} : memref<80x128xf32, #tpu.memory_space<vmem>>, vector<1x16xf32>,
        %get3A_148 = arith.index_cast %scan3A_31 : i32 to index
        %get3A_149 = arith.constant 112 : index
        %get3A_150 = tpu.vector_load %arg10[%get3A_148, %get3A_149] {strides = array<i32>} : memref<80x128xf32, #tpu.memory_space<vmem>>, vector<1x16xf32>,
        %get3A_151 = vector.shape_cast %get3A_150 : vector<1x16xf32> to vector<16xf32>
        %get3A_152 = arith.index_cast %scan3A_31 : i32 to index
        %get3A_153 = arith.constant 112 : index
        %get3A_154 = tpu.vector_load %arg11[%get3A_152, %get3A_153] {strides = array<i32>} : memref<80x128xf32, #tpu.memory_space<vmem>>, vector<1x16xf32>,
        %get3A_155 = vector.shape_cast %get3A_154 : vector<1x16xf32> to vector<16xf32>
        %add3A_156 = arith.addf %get3A_151, %get3A_155 : vector<16xf32>
        %max3A_157 = arith.constant 0.000000e+00 : f32
        %max3A_158 = vector.broadcast %max3A_157 : f32 to vector<16xf32>
        %max3A_159 = arith.maximumf %add3A_156, %max3A_158 : vector<16xf32>
        %swap3A_160 = arith.index_cast %scan3A_31 : i32 to index
        %swap3A_161 = arith.constant 112 : index
        %swap3A_162 = tpu.vector_load %arg10[%swap3A_160, %swap3A_161] {strides = array<i32>} : memref<80x128xf32, #tpu.memory_space<vmem>>, vector<1x16xf32>,
        %swap3A_163 = vector.shape_cast %swap3A_162 : vector<1x16xf32> to vector<16xf32>
        %swap3A_164 = vector.shape_cast %max3A_159 : vector<16xf32> to vector<1x16xf32>
        tpu.vector_store %arg10[%swap3A_160, %swap3A_161], %swap3A_164 {strides = array<i32>} : memref<80x128xf32, #tpu.memory_space<vmem>>, vector<1x16xf32>,
      }
      %scan3A_30 = arith.constant 80 : i32
      "tpu.region"() ({
        %run_scoped3A = tpu.sem_alloc : memref<!tpu.dma_semaphore, #tpu.memory_space<semaphore_mem>>
        %dma_start3A_31 = arith.constant 0 : i32
        %dma_start3A_32 = arith.constant 0 : i32
        %dma_start3A_33 = tpu.memref_slice %arg12[%dma_start3A_31, %dma_start3A_32] : memref<10240x128xf32, #tpu.memory_space<vmem_shared>> -> memref<10240x128xf32, #tpu.memory_space<vmem_shared>>
        tpu.enqueue_indirect_dma source(%arg10 : memref<80x128xf32, #tpu.memory_space<vmem>>) target(%dma_start3A_33 : memref<10240x128xf32, #tpu.memory_space<vmem_shared>>) offsets(%arg9 : memref<80xi32, #tpu.memory_space<vmem>>) semaphore(%run_scoped3A : memref<!tpu.dma_semaphore, #tpu.memory_space<semaphore_mem>>) {add = true}
        %dma_wait3A_34 = arith.constant 0 : i32
        %dma_wait3A_35 = arith.constant 0 : i32
        %dma_wait3A_36 = tpu.memref_slice %arg12[%dma_wait3A_34, %dma_wait3A_35] : memref<10240x128xf32, #tpu.memory_space<vmem_shared>> -> memref<10240x128xf32, #tpu.memory_space<vmem_shared>>
        tpu.wait_indirect_dma semaphore(%run_scoped3A : memref<!tpu.dma_semaphore, #tpu.memory_space<semaphore_mem>>) src(%arg10 : memref<80x128xf32, #tpu.memory_space<vmem>>) dst(%dma_wait3A_36 : memref<10240x128xf32, #tpu.memory_space<vmem_shared>>)
        tpu.yield
      }) : () -> ()
    }
    %scan3A_11 = arith.constant 125 : i32
    %barrier3A_12 = arith.constant 0 : index
    tpu.barrier barrier_id(%barrier3A_12)
    %mul3A_13 = arith.constant 640 : i32
    %mul3A_14 = arith.muli %arg1, %mul3A_13 : i32
    %mul3A_15 = arith.constant 640 : i32
    %mul3A_16 = arith.muli %arg1, %mul3A_15 : i32
    "tpu.region"() ({
      %run_scoped3A = tpu.sem_alloc : memref<!tpu.dma_semaphore, #tpu.memory_space<semaphore_mem>>
      %dma_start3A = arith.constant 0 : i32
      %dma_start3A_17 = tpu.memref_slice %arg7[%arg0, %mul3A_16, %dma_start3A] : memref<2x10240x128xf32, #tpu.memory_space<hbm>> -> memref<1x640x128xf32, #tpu.memory_space<hbm>>
      %dma_start3A_18 = tpu.memref_squeeze %dma_start3A_17 : memref<1x640x128xf32, #tpu.memory_space<hbm>> -> memref<640x128xf32, #tpu.memory_space<hbm>>
      %dma_start3A_19 = arith.constant 0 : i32
      %dma_start3A_20 = tpu.memref_slice %arg12[%mul3A_14, %dma_start3A_19] : memref<10240x128xf32, #tpu.memory_space<vmem_shared>> -> memref<640x128xf32, #tpu.memory_space<vmem_shared>>
      tpu.enqueue_dma source(%dma_start3A_20 : memref<640x128xf32, #tpu.memory_space<vmem_shared>>) target(%dma_start3A_18 : memref<640x128xf32, #tpu.memory_space<hbm>>) target_semaphore(%run_scoped3A : memref<!tpu.dma_semaphore, #tpu.memory_space<semaphore_mem>>)
      %dma_wait3A = arith.constant 0 : i32
      %dma_wait3A_21 = tpu.memref_slice %arg7[%arg0, %mul3A_16, %dma_wait3A] : memref<2x10240x128xf32, #tpu.memory_space<hbm>> -> memref<1x640x128xf32, #tpu.memory_space<hbm>>
      %dma_wait3A_22 = tpu.memref_squeeze %dma_wait3A_21 : memref<1x640x128xf32, #tpu.memory_space<hbm>> -> memref<640x128xf32, #tpu.memory_space<hbm>>
      %dma_wait3A_23 = arith.constant 0 : i32
      %dma_wait3A_24 = tpu.memref_slice %arg12[%mul3A_14, %dma_wait3A_23] : memref<10240x128xf32, #tpu.memory_space<vmem_shared>> -> memref<640x128xf32, #tpu.memory_space<vmem_shared>>
      tpu.wait_dma2 semaphore(%run_scoped3A : memref<!tpu.dma_semaphore, #tpu.memory_space<semaphore_mem>>) src(%dma_wait3A_24 : memref<640x128xf32, #tpu.memory_space<vmem_shared>>) dst(%dma_wait3A_22 : memref<640x128xf32, #tpu.memory_space<hbm>>)
      tpu.yield
    }) : () -> ()
    return
  }
}

#map = affine_map<(d0, d1) -> (0, 0)>
#map1 = affine_map<(d0, d1) -> (0)>
#map2 = affine_map<(d0, d1) -> (0, 0, 0)>
module attributes {stable_mosaic.version = 14 : i64} {
  func.func @_sc_msg_body(%arg0: i32, %arg1: i32, %arg2: memref<10000x128xf32, #tpu.memory_space<hbm>>, %arg3: memref<320000x128xf32, #tpu.memory_space<hbm>>, %arg4: memref<320000xi32, #tpu.memory_space<hbm>>, %arg5: memref<320000xi32, #tpu.memory_space<hbm>>, %arg6: memref<10240x128xf32, #tpu.memory_space<hbm>>, %arg7: memref<2x10240x128xf32, #tpu.memory_space<hbm>>, %arg8: memref<80xi32, #tpu.memory_space<vmem>>, %arg9: memref<80xi32, #tpu.memory_space<vmem>>, %arg10: memref<80x128xf32, #tpu.memory_space<vmem>>, %arg11: memref<80x128xf32, #tpu.memory_space<vmem>>, %arg12: memref<10240x128xf32, #tpu.memory_space<vmem_shared>>, %arg13: memref<!tpu.dma_semaphore, #tpu.memory_space<semaphore_mem>>) attributes {dimension_semantics = [#tpu.dimension_semantics<core_parallel>, #tpu.dimension_semantics<subcore_parallel>], iteration_bounds = array<i64: 2, 16>, scalar_prefetch = 0 : i64, scratch_operands = 6 : i64, tpu.core_type = #tpu.core_type<sc_vector_subcore>, window_params = [{transform_indices = #map}, {transform_indices = #map}, {transform_indices = #map1}, {transform_indices = #map1}, {transform_indices = #map}, {transform_indices = #map2}]} {
    %mul3A = arith.constant 16 : i32
    %mul3A_0 = arith.muli %arg0, %mul3A : i32
    %add3A = arith.addi %mul3A_0, %arg1 : i32
    %mul3A_1 = arith.constant 640 : i32
    %mul3A_2 = arith.muli %arg1, %mul3A_1 : i32
    %mul3A_3 = arith.constant 640 : i32
    %mul3A_4 = arith.muli %arg1, %mul3A_3 : i32
    "tpu.region"() ({
      %run_scoped3A = tpu.sem_alloc : memref<!tpu.dma_semaphore, #tpu.memory_space<semaphore_mem>>
      %dma_start3A = arith.constant 0 : i32
      %dma_start3A_17 = tpu.memref_slice %arg12[%mul3A_4, %dma_start3A] : memref<10240x128xf32, #tpu.memory_space<vmem_shared>> -> memref<640x128xf32, #tpu.memory_space<vmem_shared>>
      %dma_start3A_18 = arith.constant 0 : i32
      %dma_start3A_19 = tpu.memref_slice %arg6[%mul3A_2, %dma_start3A_18] : memref<10240x128xf32, #tpu.memory_space<hbm>> -> memref<640x128xf32, #tpu.memory_space<hbm>>
      tpu.enqueue_dma source(%dma_start3A_19 : memref<640x128xf32, #tpu.memory_space<hbm>>) target(%dma_start3A_17 : memref<640x128xf32, #tpu.memory_space<vmem_shared>>) target_semaphore(%run_scoped3A : memref<!tpu.dma_semaphore, #tpu.memory_space<semaphore_mem>>)
      %dma_wait3A = arith.constant 0 : i32
      %dma_wait3A_20 = tpu.memref_slice %arg12[%mul3A_4, %dma_wait3A] : memref<10240x128xf32, #tpu.memory_space<vmem_shared>> -> memref<640x128xf32, #tpu.memory_space<vmem_shared>>
      %dma_wait3A_21 = arith.constant 0 : i32
      %dma_wait3A_22 = tpu.memref_slice %arg6[%mul3A_2, %dma_wait3A_21] : memref<10240x128xf32, #tpu.memory_space<hbm>> -> memref<640x128xf32, #tpu.memory_space<hbm>>
      tpu.wait_dma2 semaphore(%run_scoped3A : memref<!tpu.dma_semaphore, #tpu.memory_space<semaphore_mem>>) src(%dma_wait3A_22 : memref<640x128xf32, #tpu.memory_space<hbm>>) dst(%dma_wait3A_20 : memref<640x128xf32, #tpu.memory_space<vmem_shared>>)
      tpu.yield
    }) : () -> ()
    %barrier3A = arith.constant 0 : index
    tpu.barrier barrier_id(%barrier3A)
    %mul3A_5 = arith.constant 10000 : i32
    %mul3A_6 = arith.muli %add3A, %mul3A_5 : i32
    %scan3A = arith.constant 0 : i32
    %scan3A_7 = arith.constant 0 : i32
    %scan3A_8 = arith.constant 125 : i32
    %scan3A_9 = arith.addi %scan3A_7, %scan3A_8 : i32
    %scan3A_10 = arith.constant 1 : i32
    scf.for %scan3A_17 = %scan3A_7 to %scan3A_9 step %scan3A_10  : i32 {
      %mul3A_18 = arith.constant 80 : i32
      %mul3A_19 = arith.muli %scan3A_17, %mul3A_18 : i32
      %add3A_20 = arith.addi %mul3A_6, %mul3A_19 : i32
      "tpu.region"() ({
        %run_scoped3A = tpu.sem_alloc : memref<!tpu.dma_semaphore, #tpu.memory_space<semaphore_mem>>
        %dma_start3A_31 = tpu.memref_slice %arg4[%add3A_20] : memref<320000xi32, #tpu.memory_space<hbm>> -> memref<80xi32, #tpu.memory_space<hbm>>
        %dma_start3A_32 = tpu.memref_slice %arg4[%add3A_20] : memref<320000xi32, #tpu.memory_space<hbm>> -> memref<80xi32, #tpu.memory_space<hbm>>
        tpu.enqueue_dma source(%dma_start3A_32 : memref<80xi32, #tpu.memory_space<hbm>>) target(%arg8 : memref<80xi32, #tpu.memory_space<vmem>>) target_semaphore(%run_scoped3A : memref<!tpu.dma_semaphore, #tpu.memory_space<semaphore_mem>>)
        %dma_wait3A_33 = tpu.memref_slice %arg4[%add3A_20] : memref<320000xi32, #tpu.memory_space<hbm>> -> memref<80xi32, #tpu.memory_space<hbm>>
        %dma_wait3A_34 = tpu.memref_slice %arg4[%add3A_20] : memref<320000xi32, #tpu.memory_space<hbm>> -> memref<80xi32, #tpu.memory_space<hbm>>
        tpu.wait_dma2 semaphore(%run_scoped3A : memref<!tpu.dma_semaphore, #tpu.memory_space<semaphore_mem>>) src(%dma_wait3A_34 : memref<80xi32, #tpu.memory_space<hbm>>) dst(%arg8 : memref<80xi32, #tpu.memory_space<vmem>>)
        tpu.yield
      }) : () -> ()
      "tpu.region"() ({
        %run_scoped3A = tpu.sem_alloc : memref<!tpu.dma_semaphore, #tpu.memory_space<semaphore_mem>>
        %dma_start3A_31 = tpu.memref_slice %arg5[%add3A_20] : memref<320000xi32, #tpu.memory_space<hbm>> -> memref<80xi32, #tpu.memory_space<hbm>>
        %dma_start3A_32 = tpu.memref_slice %arg5[%add3A_20] : memref<320000xi32, #tpu.memory_space<hbm>> -> memref<80xi32, #tpu.memory_space<hbm>>
        tpu.enqueue_dma source(%dma_start3A_32 : memref<80xi32, #tpu.memory_space<hbm>>) target(%arg9 : memref<80xi32, #tpu.memory_space<vmem>>) target_semaphore(%run_scoped3A : memref<!tpu.dma_semaphore, #tpu.memory_space<semaphore_mem>>)
        %dma_wait3A_33 = tpu.memref_slice %arg5[%add3A_20] : memref<320000xi32, #tpu.memory_space<hbm>> -> memref<80xi32, #tpu.memory_space<hbm>>
        %dma_wait3A_34 = tpu.memref_slice %arg5[%add3A_20] : memref<320000xi32, #tpu.memory_space<hbm>> -> memref<80xi32, #tpu.memory_space<hbm>>
        tpu.wait_dma2 semaphore(%run_scoped3A : memref<!tpu.dma_semaphore, #tpu.memory_space<semaphore_mem>>) src(%dma_wait3A_34 : memref<80xi32, #tpu.memory_space<hbm>>) dst(%arg9 : memref<80xi32, #tpu.memory_space<vmem>>)
        tpu.yield
      }) : () -> ()
      %dma_start3A = arith.constant 0 : i32
      %dma_start3A_21 = arith.constant 0 : i32
      %dma_start3A_22 = tpu.memref_slice %arg2[%dma_start3A, %dma_start3A_21] : memref<10000x128xf32, #tpu.memory_space<hbm>> -> memref<10000x128xf32, #tpu.memory_space<hbm>>
      tpu.enqueue_indirect_dma source(%dma_start3A_22 : memref<10000x128xf32, #tpu.memory_space<hbm>>) target(%arg10 : memref<80x128xf32, #tpu.memory_space<vmem>>) offsets(%arg8 : memref<80xi32, #tpu.memory_space<vmem>>) semaphore(%arg13 : memref<!tpu.dma_semaphore, #tpu.memory_space<semaphore_mem>>)
      "tpu.region"() ({
        %run_scoped3A = tpu.sem_alloc : memref<!tpu.dma_semaphore, #tpu.memory_space<semaphore_mem>>
        %dma_start3A_31 = arith.constant 0 : i32
        %dma_start3A_32 = tpu.memref_slice %arg3[%add3A_20, %dma_start3A_31] : memref<320000x128xf32, #tpu.memory_space<hbm>> -> memref<80x128xf32, #tpu.memory_space<hbm>>
        %dma_start3A_33 = arith.constant 0 : i32
        %dma_start3A_34 = tpu.memref_slice %arg3[%add3A_20, %dma_start3A_33] : memref<320000x128xf32, #tpu.memory_space<hbm>> -> memref<80x128xf32, #tpu.memory_space<hbm>>
        tpu.enqueue_dma source(%dma_start3A_34 : memref<80x128xf32, #tpu.memory_space<hbm>>) target(%arg11 : memref<80x128xf32, #tpu.memory_space<vmem>>) target_semaphore(%run_scoped3A : memref<!tpu.dma_semaphore, #tpu.memory_space<semaphore_mem>>)
        %dma_wait3A_35 = arith.constant 0 : i32
        %dma_wait3A_36 = tpu.memref_slice %arg3[%add3A_20, %dma_wait3A_35] : memref<320000x128xf32, #tpu.memory_space<hbm>> -> memref<80x128xf32, #tpu.memory_space<hbm>>
        %dma_wait3A_37 = arith.constant 0 : i32
        %dma_wait3A_38 = tpu.memref_slice %arg3[%add3A_20, %dma_wait3A_37] : memref<320000x128xf32, #tpu.memory_space<hbm>> -> memref<80x128xf32, #tpu.memory_space<hbm>>
        tpu.wait_dma2 semaphore(%run_scoped3A : memref<!tpu.dma_semaphore, #tpu.memory_space<semaphore_mem>>) src(%dma_wait3A_38 : memref<80x128xf32, #tpu.memory_space<hbm>>) dst(%arg11 : memref<80x128xf32, #tpu.memory_space<vmem>>)
        tpu.yield
      }) : () -> ()
      %dma_wait3A = arith.constant 0 : i32
      %dma_wait3A_23 = arith.constant 0 : i32
      %dma_wait3A_24 = tpu.memref_slice %arg2[%dma_wait3A, %dma_wait3A_23] : memref<10000x128xf32, #tpu.memory_space<hbm>> -> memref<10000x128xf32, #tpu.memory_space<hbm>>
      tpu.wait_indirect_dma semaphore(%arg13 : memref<!tpu.dma_semaphore, #tpu.memory_space<semaphore_mem>>) src(%dma_wait3A_24 : memref<10000x128xf32, #tpu.memory_space<hbm>>) dst(%arg10 : memref<80x128xf32, #tpu.memory_space<vmem>>)
      %scan3A_25 = arith.constant 0 : i32
      %scan3A_26 = arith.constant 0 : i32
      %scan3A_27 = arith.constant 80 : i32
      %scan3A_28 = arith.addi %scan3A_26, %scan3A_27 : i32
      %scan3A_29 = arith.constant 1 : i32
      scf.for %scan3A_31 = %scan3A_26 to %scan3A_28 step %scan3A_29  : i32 {
        %get3A = arith.index_cast %scan3A_31 : i32 to index
        %get3A_32 = arith.constant 0 : index
        %get3A_33 = tpu.vector_load %arg10[%get3A, %get3A_32] {strides = array<i32>} : memref<80x128xf32, #tpu.memory_space<vmem>>, vector<1x16xf32>,
        %get3A_34 = vector.shape_cast %get3A_33 : vector<1x16xf32> to vector<16xf32>
        %get3A_35 = arith.index_cast %scan3A_31 : i32 to index
        %get3A_36 = arith.constant 0 : index
        %get3A_37 = tpu.vector_load %arg11[%get3A_35, %get3A_36] {strides = array<i32>} : memref<80x128xf32, #tpu.memory_space<vmem>>, vector<1x16xf32>,
        %get3A_38 = vector.shape_cast %get3A_37 : vector<1x16xf32> to vector<16xf32>
        %add3A_39 = arith.addf %get3A_34, %get3A_38 : vector<16xf32>
        %max3A = arith.constant 0.000000e+00 : f32
        %max3A_40 = vector.broadcast %max3A : f32 to vector<16xf32>
        %max3A_41 = arith.maximumf %add3A_39, %max3A_40 : vector<16xf32>
        %swap3A = arith.index_cast %scan3A_31 : i32 to index
        %swap3A_42 = arith.constant 0 : index
        %swap3A_43 = tpu.vector_load %arg10[%swap3A, %swap3A_42] {strides = array<i32>} : memref<80x128xf32, #tpu.memory_space<vmem>>, vector<1x16xf32>,
        %swap3A_44 = vector.shape_cast %swap3A_43 : vector<1x16xf32> to vector<16xf32>
        %swap3A_45 = vector.shape_cast %max3A_41 : vector<16xf32> to vector<1x16xf32>
        tpu.vector_store %arg10[%swap3A, %swap3A_42], %swap3A_45 {strides = array<i32>} : memref<80x128xf32, #tpu.memory_space<vmem>>, vector<1x16xf32>,
        %get3A_46 = arith.index_cast %scan3A_31 : i32 to index
        %get3A_47 = arith.constant 16 : index
        %get3A_48 = tpu.vector_load %arg10[%get3A_46, %get3A_47] {strides = array<i32>} : memref<80x128xf32, #tpu.memory_space<vmem>>, vector<1x16xf32>,
        %get3A_49 = vector.shape_cast %get3A_48 : vector<1x16xf32> to vector<16xf32>
        %get3A_50 = arith.index_cast %scan3A_31 : i32 to index
        %get3A_51 = arith.constant 16 : index
        %get3A_52 = tpu.vector_load %arg11[%get3A_50, %get3A_51] {strides = array<i32>} : memref<80x128xf32, #tpu.memory_space<vmem>>, vector<1x16xf32>,
        %get3A_53 = vector.shape_cast %get3A_52 : vector<1x16xf32> to vector<16xf32>
        %add3A_54 = arith.addf %get3A_49, %get3A_53 : vector<16xf32>
        %max3A_55 = arith.constant 0.000000e+00 : f32
        %max3A_56 = vector.broadcast %max3A_55 : f32 to vector<16xf32>
        %max3A_57 = arith.maximumf %add3A_54, %max3A_56 : vector<16xf32>
        %swap3A_58 = arith.index_cast %scan3A_31 : i32 to index
        %swap3A_59 = arith.constant 16 : index
        %swap3A_60 = tpu.vector_load %arg10[%swap3A_58, %swap3A_59] {strides = array<i32>} : memref<80x128xf32, #tpu.memory_space<vmem>>, vector<1x16xf32>,
        %swap3A_61 = vector.shape_cast %swap3A_60 : vector<1x16xf32> to vector<16xf32>
        %swap3A_62 = vector.shape_cast %max3A_57 : vector<16xf32> to vector<1x16xf32>
        tpu.vector_store %arg10[%swap3A_58, %swap3A_59], %swap3A_62 {strides = array<i32>} : memref<80x128xf32, #tpu.memory_space<vmem>>, vector<1x16xf32>,
        %get3A_63 = arith.index_cast %scan3A_31 : i32 to index
        %get3A_64 = arith.constant 32 : index
        %get3A_65 = tpu.vector_load %arg10[%get3A_63, %get3A_64] {strides = array<i32>} : memref<80x128xf32, #tpu.memory_space<vmem>>, vector<1x16xf32>,
        %get3A_66 = vector.shape_cast %get3A_65 : vector<1x16xf32> to vector<16xf32>
        %get3A_67 = arith.index_cast %scan3A_31 : i32 to index
        %get3A_68 = arith.constant 32 : index
        %get3A_69 = tpu.vector_load %arg11[%get3A_67, %get3A_68] {strides = array<i32>} : memref<80x128xf32, #tpu.memory_space<vmem>>, vector<1x16xf32>,
        %get3A_70 = vector.shape_cast %get3A_69 : vector<1x16xf32> to vector<16xf32>
        %add3A_71 = arith.addf %get3A_66, %get3A_70 : vector<16xf32>
        %max3A_72 = arith.constant 0.000000e+00 : f32
        %max3A_73 = vector.broadcast %max3A_72 : f32 to vector<16xf32>
        %max3A_74 = arith.maximumf %add3A_71, %max3A_73 : vector<16xf32>
        %swap3A_75 = arith.index_cast %scan3A_31 : i32 to index
        %swap3A_76 = arith.constant 32 : index
        %swap3A_77 = tpu.vector_load %arg10[%swap3A_75, %swap3A_76] {strides = array<i32>} : memref<80x128xf32, #tpu.memory_space<vmem>>, vector<1x16xf32>,
        %swap3A_78 = vector.shape_cast %swap3A_77 : vector<1x16xf32> to vector<16xf32>
        %swap3A_79 = vector.shape_cast %max3A_74 : vector<16xf32> to vector<1x16xf32>
        tpu.vector_store %arg10[%swap3A_75, %swap3A_76], %swap3A_79 {strides = array<i32>} : memref<80x128xf32, #tpu.memory_space<vmem>>, vector<1x16xf32>,
        %get3A_80 = arith.index_cast %scan3A_31 : i32 to index
        %get3A_81 = arith.constant 48 : index
        %get3A_82 = tpu.vector_load %arg10[%get3A_80, %get3A_81] {strides = array<i32>} : memref<80x128xf32, #tpu.memory_space<vmem>>, vector<1x16xf32>,
        %get3A_83 = vector.shape_cast %get3A_82 : vector<1x16xf32> to vector<16xf32>
        %get3A_84 = arith.index_cast %scan3A_31 : i32 to index
        %get3A_85 = arith.constant 48 : index
        %get3A_86 = tpu.vector_load %arg11[%get3A_84, %get3A_85] {strides = array<i32>} : memref<80x128xf32, #tpu.memory_space<vmem>>, vector<1x16xf32>,
        %get3A_87 = vector.shape_cast %get3A_86 : vector<1x16xf32> to vector<16xf32>
        %add3A_88 = arith.addf %get3A_83, %get3A_87 : vector<16xf32>
        %max3A_89 = arith.constant 0.000000e+00 : f32
        %max3A_90 = vector.broadcast %max3A_89 : f32 to vector<16xf32>
        %max3A_91 = arith.maximumf %add3A_88, %max3A_90 : vector<16xf32>
        %swap3A_92 = arith.index_cast %scan3A_31 : i32 to index
        %swap3A_93 = arith.constant 48 : index
        %swap3A_94 = tpu.vector_load %arg10[%swap3A_92, %swap3A_93] {strides = array<i32>} : memref<80x128xf32, #tpu.memory_space<vmem>>, vector<1x16xf32>,
        %swap3A_95 = vector.shape_cast %swap3A_94 : vector<1x16xf32> to vector<16xf32>
        %swap3A_96 = vector.shape_cast %max3A_91 : vector<16xf32> to vector<1x16xf32>
        tpu.vector_store %arg10[%swap3A_92, %swap3A_93], %swap3A_96 {strides = array<i32>} : memref<80x128xf32, #tpu.memory_space<vmem>>, vector<1x16xf32>,
        %get3A_97 = arith.index_cast %scan3A_31 : i32 to index
        %get3A_98 = arith.constant 64 : index
        %get3A_99 = tpu.vector_load %arg10[%get3A_97, %get3A_98] {strides = array<i32>} : memref<80x128xf32, #tpu.memory_space<vmem>>, vector<1x16xf32>,
        %get3A_100 = vector.shape_cast %get3A_99 : vector<1x16xf32> to vector<16xf32>
        %get3A_101 = arith.index_cast %scan3A_31 : i32 to index
        %get3A_102 = arith.constant 64 : index
        %get3A_103 = tpu.vector_load %arg11[%get3A_101, %get3A_102] {strides = array<i32>} : memref<80x128xf32, #tpu.memory_space<vmem>>, vector<1x16xf32>,
        %get3A_104 = vector.shape_cast %get3A_103 : vector<1x16xf32> to vector<16xf32>
        %add3A_105 = arith.addf %get3A_100, %get3A_104 : vector<16xf32>
        %max3A_106 = arith.constant 0.000000e+00 : f32
        %max3A_107 = vector.broadcast %max3A_106 : f32 to vector<16xf32>
        %max3A_108 = arith.maximumf %add3A_105, %max3A_107 : vector<16xf32>
        %swap3A_109 = arith.index_cast %scan3A_31 : i32 to index
        %swap3A_110 = arith.constant 64 : index
        %swap3A_111 = tpu.vector_load %arg10[%swap3A_109, %swap3A_110] {strides = array<i32>} : memref<80x128xf32, #tpu.memory_space<vmem>>, vector<1x16xf32>,
        %swap3A_112 = vector.shape_cast %swap3A_111 : vector<1x16xf32> to vector<16xf32>
        %swap3A_113 = vector.shape_cast %max3A_108 : vector<16xf32> to vector<1x16xf32>
        tpu.vector_store %arg10[%swap3A_109, %swap3A_110], %swap3A_113 {strides = array<i32>} : memref<80x128xf32, #tpu.memory_space<vmem>>, vector<1x16xf32>,
        %get3A_114 = arith.index_cast %scan3A_31 : i32 to index
        %get3A_115 = arith.constant 80 : index
        %get3A_116 = tpu.vector_load %arg10[%get3A_114, %get3A_115] {strides = array<i32>} : memref<80x128xf32, #tpu.memory_space<vmem>>, vector<1x16xf32>,
        %get3A_117 = vector.shape_cast %get3A_116 : vector<1x16xf32> to vector<16xf32>
        %get3A_118 = arith.index_cast %scan3A_31 : i32 to index
        %get3A_119 = arith.constant 80 : index
        %get3A_120 = tpu.vector_load %arg11[%get3A_118, %get3A_119] {strides = array<i32>} : memref<80x128xf32, #tpu.memory_space<vmem>>, vector<1x16xf32>,
        %get3A_121 = vector.shape_cast %get3A_120 : vector<1x16xf32> to vector<16xf32>
        %add3A_122 = arith.addf %get3A_117, %get3A_121 : vector<16xf32>
        %max3A_123 = arith.constant 0.000000e+00 : f32
        %max3A_124 = vector.broadcast %max3A_123 : f32 to vector<16xf32>
        %max3A_125 = arith.maximumf %add3A_122, %max3A_124 : vector<16xf32>
        %swap3A_126 = arith.index_cast %scan3A_31 : i32 to index
        %swap3A_127 = arith.constant 80 : index
        %swap3A_128 = tpu.vector_load %arg10[%swap3A_126, %swap3A_127] {strides = array<i32>} : memref<80x128xf32, #tpu.memory_space<vmem>>, vector<1x16xf32>,
        %swap3A_129 = vector.shape_cast %swap3A_128 : vector<1x16xf32> to vector<16xf32>
        %swap3A_130 = vector.shape_cast %max3A_125 : vector<16xf32> to vector<1x16xf32>
        tpu.vector_store %arg10[%swap3A_126, %swap3A_127], %swap3A_130 {strides = array<i32>} : memref<80x128xf32, #tpu.memory_space<vmem>>, vector<1x16xf32>,
        %get3A_131 = arith.index_cast %scan3A_31 : i32 to index
        %get3A_132 = arith.constant 96 : index
        %get3A_133 = tpu.vector_load %arg10[%get3A_131, %get3A_132] {strides = array<i32>} : memref<80x128xf32, #tpu.memory_space<vmem>>, vector<1x16xf32>,
        %get3A_134 = vector.shape_cast %get3A_133 : vector<1x16xf32> to vector<16xf32>
        %get3A_135 = arith.index_cast %scan3A_31 : i32 to index
        %get3A_136 = arith.constant 96 : index
        %get3A_137 = tpu.vector_load %arg11[%get3A_135, %get3A_136] {strides = array<i32>} : memref<80x128xf32, #tpu.memory_space<vmem>>, vector<1x16xf32>,
        %get3A_138 = vector.shape_cast %get3A_137 : vector<1x16xf32> to vector<16xf32>
        %add3A_139 = arith.addf %get3A_134, %get3A_138 : vector<16xf32>
        %max3A_140 = arith.constant 0.000000e+00 : f32
        %max3A_141 = vector.broadcast %max3A_140 : f32 to vector<16xf32>
        %max3A_142 = arith.maximumf %add3A_139, %max3A_141 : vector<16xf32>
        %swap3A_143 = arith.index_cast %scan3A_31 : i32 to index
        %swap3A_144 = arith.constant 96 : index
        %swap3A_145 = tpu.vector_load %arg10[%swap3A_143, %swap3A_144] {strides = array<i32>} : memref<80x128xf32, #tpu.memory_space<vmem>>, vector<1x16xf32>,
        %swap3A_146 = vector.shape_cast %swap3A_145 : vector<1x16xf32> to vector<16xf32>
        %swap3A_147 = vector.shape_cast %max3A_142 : vector<16xf32> to vector<1x16xf32>
        tpu.vector_store %arg10[%swap3A_143, %swap3A_144], %swap3A_147 {strides = array<i32>} : memref<80x128xf32, #tpu.memory_space<vmem>>, vector<1x16xf32>,
        %get3A_148 = arith.index_cast %scan3A_31 : i32 to index
        %get3A_149 = arith.constant 112 : index
        %get3A_150 = tpu.vector_load %arg10[%get3A_148, %get3A_149] {strides = array<i32>} : memref<80x128xf32, #tpu.memory_space<vmem>>, vector<1x16xf32>,
        %get3A_151 = vector.shape_cast %get3A_150 : vector<1x16xf32> to vector<16xf32>
        %get3A_152 = arith.index_cast %scan3A_31 : i32 to index
        %get3A_153 = arith.constant 112 : index
        %get3A_154 = tpu.vector_load %arg11[%get3A_152, %get3A_153] {strides = array<i32>} : memref<80x128xf32, #tpu.memory_space<vmem>>, vector<1x16xf32>,
        %get3A_155 = vector.shape_cast %get3A_154 : vector<1x16xf32> to vector<16xf32>
        %add3A_156 = arith.addf %get3A_151, %get3A_155 : vector<16xf32>
        %max3A_157 = arith.constant 0.000000e+00 : f32
        %max3A_158 = vector.broadcast %max3A_157 : f32 to vector<16xf32>
        %max3A_159 = arith.maximumf %add3A_156, %max3A_158 : vector<16xf32>
        %swap3A_160 = arith.index_cast %scan3A_31 : i32 to index
        %swap3A_161 = arith.constant 112 : index
        %swap3A_162 = tpu.vector_load %arg10[%swap3A_160, %swap3A_161] {strides = array<i32>} : memref<80x128xf32, #tpu.memory_space<vmem>>, vector<1x16xf32>,
        %swap3A_163 = vector.shape_cast %swap3A_162 : vector<1x16xf32> to vector<16xf32>
        %swap3A_164 = vector.shape_cast %max3A_159 : vector<16xf32> to vector<1x16xf32>
        tpu.vector_store %arg10[%swap3A_160, %swap3A_161], %swap3A_164 {strides = array<i32>} : memref<80x128xf32, #tpu.memory_space<vmem>>, vector<1x16xf32>,
      }
      %scan3A_30 = arith.constant 80 : i32
      "tpu.region"() ({
        %run_scoped3A = tpu.sem_alloc : memref<!tpu.dma_semaphore, #tpu.memory_space<semaphore_mem>>
        %dma_start3A_31 = arith.constant 0 : i32
        %dma_start3A_32 = arith.constant 0 : i32
        %dma_start3A_33 = tpu.memref_slice %arg12[%dma_start3A_31, %dma_start3A_32] : memref<10240x128xf32, #tpu.memory_space<vmem_shared>> -> memref<10240x128xf32, #tpu.memory_space<vmem_shared>>
        tpu.enqueue_indirect_dma source(%arg10 : memref<80x128xf32, #tpu.memory_space<vmem>>) target(%dma_start3A_33 : memref<10240x128xf32, #tpu.memory_space<vmem_shared>>) offsets(%arg9 : memref<80xi32, #tpu.memory_space<vmem>>) semaphore(%run_scoped3A : memref<!tpu.dma_semaphore, #tpu.memory_space<semaphore_mem>>) {add = true}
        %dma_wait3A_34 = arith.constant 0 : i32
        %dma_wait3A_35 = arith.constant 0 : i32
        %dma_wait3A_36 = tpu.memref_slice %arg12[%dma_wait3A_34, %dma_wait3A_35] : memref<10240x128xf32, #tpu.memory_space<vmem_shared>> -> memref<10240x128xf32, #tpu.memory_space<vmem_shared>>
        tpu.wait_indirect_dma semaphore(%run_scoped3A : memref<!tpu.dma_semaphore, #tpu.memory_space<semaphore_mem>>) src(%arg10 : memref<80x128xf32, #tpu.memory_space<vmem>>) dst(%dma_wait3A_36 : memref<10240x128xf32, #tpu.memory_space<vmem_shared>>)
        tpu.yield
      }) : () -> ()
    }
    %scan3A_11 = arith.constant 125 : i32
    %barrier3A_12 = arith.constant 0 : index
    tpu.barrier barrier_id(%barrier3A_12)
    %mul3A_13 = arith.constant 640 : i32
    %mul3A_14 = arith.muli %arg1, %mul3A_13 : i32
    %mul3A_15 = arith.constant 640 : i32
    %mul3A_16 = arith.muli %arg1, %mul3A_15 : i32
    "tpu.region"() ({
      %run_scoped3A = tpu.sem_alloc : memref<!tpu.dma_semaphore, #tpu.memory_space<semaphore_mem>>
      %dma_start3A = arith.constant 0 : i32
      %dma_start3A_17 = tpu.memref_slice %arg7[%arg0, %mul3A_16, %dma_start3A] : memref<2x10240x128xf32, #tpu.memory_space<hbm>> -> memref<1x640x128xf32, #tpu.memory_space<hbm>>
      %dma_start3A_18 = tpu.memref_squeeze %dma_start3A_17 : memref<1x640x128xf32, #tpu.memory_space<hbm>> -> memref<640x128xf32, #tpu.memory_space<hbm>>
      %dma_start3A_19 = arith.constant 0 : i32
      %dma_start3A_20 = tpu.memref_slice %arg12[%mul3A_14, %dma_start3A_19] : memref<10240x128xf32, #tpu.memory_space<vmem_shared>> -> memref<640x128xf32, #tpu.memory_space<vmem_shared>>
      tpu.enqueue_dma source(%dma_start3A_20 : memref<640x128xf32, #tpu.memory_space<vmem_shared>>) target(%dma_start3A_18 : memref<640x128xf32, #tpu.memory_space<hbm>>) target_semaphore(%run_scoped3A : memref<!tpu.dma_semaphore, #tpu.memory_space<semaphore_mem>>)
      %dma_wait3A = arith.constant 0 : i32
      %dma_wait3A_21 = tpu.memref_slice %arg7[%arg0, %mul3A_16, %dma_wait3A] : memref<2x10240x128xf32, #tpu.memory_space<hbm>> -> memref<1x640x128xf32, #tpu.memory_space<hbm>>
      %dma_wait3A_22 = tpu.memref_squeeze %dma_wait3A_21 : memref<1x640x128xf32, #tpu.memory_space<hbm>> -> memref<640x128xf32, #tpu.memory_space<hbm>>
      %dma_wait3A_23 = arith.constant 0 : i32
      %dma_wait3A_24 = tpu.memref_slice %arg12[%mul3A_14, %dma_wait3A_23] : memref<10240x128xf32, #tpu.memory_space<vmem_shared>> -> memref<640x128xf32, #tpu.memory_space<vmem_shared>>
      tpu.wait_dma2 semaphore(%run_scoped3A : memref<!tpu.dma_semaphore, #tpu.memory_space<semaphore_mem>>) src(%dma_wait3A_24 : memref<640x128xf32, #tpu.memory_space<vmem_shared>>) dst(%dma_wait3A_22 : memref<640x128xf32, #tpu.memory_space<hbm>>)
      tpu.yield
    }) : () -> ()
    return
  }
}

#map = affine_map<(d0, d1) -> (0, 0)>
#map1 = affine_map<(d0, d1) -> (0)>
#map2 = affine_map<(d0, d1) -> (0, 0, 0)>
module attributes {stable_mosaic.version = 14 : i64} {
  func.func @_sc_msg_body(%arg0: i32, %arg1: i32, %arg2: memref<10000x128xf32, #tpu.memory_space<hbm>>, %arg3: memref<320000x128xf32, #tpu.memory_space<hbm>>, %arg4: memref<320000xi32, #tpu.memory_space<hbm>>, %arg5: memref<320000xi32, #tpu.memory_space<hbm>>, %arg6: memref<10240x128xf32, #tpu.memory_space<hbm>>, %arg7: memref<2x10240x128xf32, #tpu.memory_space<hbm>>, %arg8: memref<80xi32, #tpu.memory_space<vmem>>, %arg9: memref<80xi32, #tpu.memory_space<vmem>>, %arg10: memref<80x128xf32, #tpu.memory_space<vmem>>, %arg11: memref<80x128xf32, #tpu.memory_space<vmem>>, %arg12: memref<10240x128xf32, #tpu.memory_space<vmem_shared>>, %arg13: memref<!tpu.dma_semaphore, #tpu.memory_space<semaphore_mem>>) attributes {dimension_semantics = [#tpu.dimension_semantics<core_parallel>, #tpu.dimension_semantics<subcore_parallel>], iteration_bounds = array<i64: 2, 16>, scalar_prefetch = 0 : i64, scratch_operands = 6 : i64, tpu.core_type = #tpu.core_type<sc_vector_subcore>, window_params = [{transform_indices = #map}, {transform_indices = #map}, {transform_indices = #map1}, {transform_indices = #map1}, {transform_indices = #map}, {transform_indices = #map2}]} {
    %mul3A = arith.constant 16 : i32
    %mul3A_0 = arith.muli %arg0, %mul3A : i32
    %add3A = arith.addi %mul3A_0, %arg1 : i32
    %mul3A_1 = arith.constant 640 : i32
    %mul3A_2 = arith.muli %arg1, %mul3A_1 : i32
    %mul3A_3 = arith.constant 640 : i32
    %mul3A_4 = arith.muli %arg1, %mul3A_3 : i32
    "tpu.region"() ({
      %run_scoped3A = tpu.sem_alloc : memref<!tpu.dma_semaphore, #tpu.memory_space<semaphore_mem>>
      %dma_start3A = arith.constant 0 : i32
      %dma_start3A_17 = tpu.memref_slice %arg12[%mul3A_4, %dma_start3A] : memref<10240x128xf32, #tpu.memory_space<vmem_shared>> -> memref<640x128xf32, #tpu.memory_space<vmem_shared>>
      %dma_start3A_18 = arith.constant 0 : i32
      %dma_start3A_19 = tpu.memref_slice %arg6[%mul3A_2, %dma_start3A_18] : memref<10240x128xf32, #tpu.memory_space<hbm>> -> memref<640x128xf32, #tpu.memory_space<hbm>>
      tpu.enqueue_dma source(%dma_start3A_19 : memref<640x128xf32, #tpu.memory_space<hbm>>) target(%dma_start3A_17 : memref<640x128xf32, #tpu.memory_space<vmem_shared>>) target_semaphore(%run_scoped3A : memref<!tpu.dma_semaphore, #tpu.memory_space<semaphore_mem>>)
      %dma_wait3A = arith.constant 0 : i32
      %dma_wait3A_20 = tpu.memref_slice %arg12[%mul3A_4, %dma_wait3A] : memref<10240x128xf32, #tpu.memory_space<vmem_shared>> -> memref<640x128xf32, #tpu.memory_space<vmem_shared>>
      %dma_wait3A_21 = arith.constant 0 : i32
      %dma_wait3A_22 = tpu.memref_slice %arg6[%mul3A_2, %dma_wait3A_21] : memref<10240x128xf32, #tpu.memory_space<hbm>> -> memref<640x128xf32, #tpu.memory_space<hbm>>
      tpu.wait_dma2 semaphore(%run_scoped3A : memref<!tpu.dma_semaphore, #tpu.memory_space<semaphore_mem>>) src(%dma_wait3A_22 : memref<640x128xf32, #tpu.memory_space<hbm>>) dst(%dma_wait3A_20 : memref<640x128xf32, #tpu.memory_space<vmem_shared>>)
      tpu.yield
    }) : () -> ()
    %barrier3A = arith.constant 0 : index
    tpu.barrier barrier_id(%barrier3A)
    %mul3A_5 = arith.constant 10000 : i32
    %mul3A_6 = arith.muli %add3A, %mul3A_5 : i32
    %scan3A = arith.constant 0 : i32
    %scan3A_7 = arith.constant 0 : i32
    %scan3A_8 = arith.constant 125 : i32
    %scan3A_9 = arith.addi %scan3A_7, %scan3A_8 : i32
    %scan3A_10 = arith.constant 1 : i32
    scf.for %scan3A_17 = %scan3A_7 to %scan3A_9 step %scan3A_10  : i32 {
      %mul3A_18 = arith.constant 80 : i32
      %mul3A_19 = arith.muli %scan3A_17, %mul3A_18 : i32
      %add3A_20 = arith.addi %mul3A_6, %mul3A_19 : i32
      "tpu.region"() ({
        %run_scoped3A = tpu.sem_alloc : memref<!tpu.dma_semaphore, #tpu.memory_space<semaphore_mem>>
        %dma_start3A_31 = tpu.memref_slice %arg4[%add3A_20] : memref<320000xi32, #tpu.memory_space<hbm>> -> memref<80xi32, #tpu.memory_space<hbm>>
        %dma_start3A_32 = tpu.memref_slice %arg4[%add3A_20] : memref<320000xi32, #tpu.memory_space<hbm>> -> memref<80xi32, #tpu.memory_space<hbm>>
        tpu.enqueue_dma source(%dma_start3A_32 : memref<80xi32, #tpu.memory_space<hbm>>) target(%arg8 : memref<80xi32, #tpu.memory_space<vmem>>) target_semaphore(%run_scoped3A : memref<!tpu.dma_semaphore, #tpu.memory_space<semaphore_mem>>)
        %dma_wait3A_33 = tpu.memref_slice %arg4[%add3A_20] : memref<320000xi32, #tpu.memory_space<hbm>> -> memref<80xi32, #tpu.memory_space<hbm>>
        %dma_wait3A_34 = tpu.memref_slice %arg4[%add3A_20] : memref<320000xi32, #tpu.memory_space<hbm>> -> memref<80xi32, #tpu.memory_space<hbm>>
        tpu.wait_dma2 semaphore(%run_scoped3A : memref<!tpu.dma_semaphore, #tpu.memory_space<semaphore_mem>>) src(%dma_wait3A_34 : memref<80xi32, #tpu.memory_space<hbm>>) dst(%arg8 : memref<80xi32, #tpu.memory_space<vmem>>)
        tpu.yield
      }) : () -> ()
      "tpu.region"() ({
        %run_scoped3A = tpu.sem_alloc : memref<!tpu.dma_semaphore, #tpu.memory_space<semaphore_mem>>
        %dma_start3A_31 = tpu.memref_slice %arg5[%add3A_20] : memref<320000xi32, #tpu.memory_space<hbm>> -> memref<80xi32, #tpu.memory_space<hbm>>
        %dma_start3A_32 = tpu.memref_slice %arg5[%add3A_20] : memref<320000xi32, #tpu.memory_space<hbm>> -> memref<80xi32, #tpu.memory_space<hbm>>
        tpu.enqueue_dma source(%dma_start3A_32 : memref<80xi32, #tpu.memory_space<hbm>>) target(%arg9 : memref<80xi32, #tpu.memory_space<vmem>>) target_semaphore(%run_scoped3A : memref<!tpu.dma_semaphore, #tpu.memory_space<semaphore_mem>>)
        %dma_wait3A_33 = tpu.memref_slice %arg5[%add3A_20] : memref<320000xi32, #tpu.memory_space<hbm>> -> memref<80xi32, #tpu.memory_space<hbm>>
        %dma_wait3A_34 = tpu.memref_slice %arg5[%add3A_20] : memref<320000xi32, #tpu.memory_space<hbm>> -> memref<80xi32, #tpu.memory_space<hbm>>
        tpu.wait_dma2 semaphore(%run_scoped3A : memref<!tpu.dma_semaphore, #tpu.memory_space<semaphore_mem>>) src(%dma_wait3A_34 : memref<80xi32, #tpu.memory_space<hbm>>) dst(%arg9 : memref<80xi32, #tpu.memory_space<vmem>>)
        tpu.yield
      }) : () -> ()
      %dma_start3A = arith.constant 0 : i32
      %dma_start3A_21 = arith.constant 0 : i32
      %dma_start3A_22 = tpu.memref_slice %arg2[%dma_start3A, %dma_start3A_21] : memref<10000x128xf32, #tpu.memory_space<hbm>> -> memref<10000x128xf32, #tpu.memory_space<hbm>>
      tpu.enqueue_indirect_dma source(%dma_start3A_22 : memref<10000x128xf32, #tpu.memory_space<hbm>>) target(%arg10 : memref<80x128xf32, #tpu.memory_space<vmem>>) offsets(%arg8 : memref<80xi32, #tpu.memory_space<vmem>>) semaphore(%arg13 : memref<!tpu.dma_semaphore, #tpu.memory_space<semaphore_mem>>)
      "tpu.region"() ({
        %run_scoped3A = tpu.sem_alloc : memref<!tpu.dma_semaphore, #tpu.memory_space<semaphore_mem>>
        %dma_start3A_31 = arith.constant 0 : i32
        %dma_start3A_32 = tpu.memref_slice %arg3[%add3A_20, %dma_start3A_31] : memref<320000x128xf32, #tpu.memory_space<hbm>> -> memref<80x128xf32, #tpu.memory_space<hbm>>
        %dma_start3A_33 = arith.constant 0 : i32
        %dma_start3A_34 = tpu.memref_slice %arg3[%add3A_20, %dma_start3A_33] : memref<320000x128xf32, #tpu.memory_space<hbm>> -> memref<80x128xf32, #tpu.memory_space<hbm>>
        tpu.enqueue_dma source(%dma_start3A_34 : memref<80x128xf32, #tpu.memory_space<hbm>>) target(%arg11 : memref<80x128xf32, #tpu.memory_space<vmem>>) target_semaphore(%run_scoped3A : memref<!tpu.dma_semaphore, #tpu.memory_space<semaphore_mem>>)
        %dma_wait3A_35 = arith.constant 0 : i32
        %dma_wait3A_36 = tpu.memref_slice %arg3[%add3A_20, %dma_wait3A_35] : memref<320000x128xf32, #tpu.memory_space<hbm>> -> memref<80x128xf32, #tpu.memory_space<hbm>>
        %dma_wait3A_37 = arith.constant 0 : i32
        %dma_wait3A_38 = tpu.memref_slice %arg3[%add3A_20, %dma_wait3A_37] : memref<320000x128xf32, #tpu.memory_space<hbm>> -> memref<80x128xf32, #tpu.memory_space<hbm>>
        tpu.wait_dma2 semaphore(%run_scoped3A : memref<!tpu.dma_semaphore, #tpu.memory_space<semaphore_mem>>) src(%dma_wait3A_38 : memref<80x128xf32, #tpu.memory_space<hbm>>) dst(%arg11 : memref<80x128xf32, #tpu.memory_space<vmem>>)
        tpu.yield
      }) : () -> ()
      %dma_wait3A = arith.constant 0 : i32
      %dma_wait3A_23 = arith.constant 0 : i32
      %dma_wait3A_24 = tpu.memref_slice %arg2[%dma_wait3A, %dma_wait3A_23] : memref<10000x128xf32, #tpu.memory_space<hbm>> -> memref<10000x128xf32, #tpu.memory_space<hbm>>
      tpu.wait_indirect_dma semaphore(%arg13 : memref<!tpu.dma_semaphore, #tpu.memory_space<semaphore_mem>>) src(%dma_wait3A_24 : memref<10000x128xf32, #tpu.memory_space<hbm>>) dst(%arg10 : memref<80x128xf32, #tpu.memory_space<vmem>>)
      %scan3A_25 = arith.constant 0 : i32
      %scan3A_26 = arith.constant 0 : i32
      %scan3A_27 = arith.constant 80 : i32
      %scan3A_28 = arith.addi %scan3A_26, %scan3A_27 : i32
      %scan3A_29 = arith.constant 1 : i32
      scf.for %scan3A_31 = %scan3A_26 to %scan3A_28 step %scan3A_29  : i32 {
        %get3A = arith.index_cast %scan3A_31 : i32 to index
        %get3A_32 = arith.constant 0 : index
        %get3A_33 = tpu.vector_load %arg10[%get3A, %get3A_32] {strides = array<i32>} : memref<80x128xf32, #tpu.memory_space<vmem>>, vector<1x16xf32>,
        %get3A_34 = vector.shape_cast %get3A_33 : vector<1x16xf32> to vector<16xf32>
        %get3A_35 = arith.index_cast %scan3A_31 : i32 to index
        %get3A_36 = arith.constant 0 : index
        %get3A_37 = tpu.vector_load %arg11[%get3A_35, %get3A_36] {strides = array<i32>} : memref<80x128xf32, #tpu.memory_space<vmem>>, vector<1x16xf32>,
        %get3A_38 = vector.shape_cast %get3A_37 : vector<1x16xf32> to vector<16xf32>
        %add3A_39 = arith.addf %get3A_34, %get3A_38 : vector<16xf32>
        %max3A = arith.constant 0.000000e+00 : f32
        %max3A_40 = vector.broadcast %max3A : f32 to vector<16xf32>
        %max3A_41 = arith.maximumf %add3A_39, %max3A_40 : vector<16xf32>
        %swap3A = arith.index_cast %scan3A_31 : i32 to index
        %swap3A_42 = arith.constant 0 : index
        %swap3A_43 = tpu.vector_load %arg10[%swap3A, %swap3A_42] {strides = array<i32>} : memref<80x128xf32, #tpu.memory_space<vmem>>, vector<1x16xf32>,
        %swap3A_44 = vector.shape_cast %swap3A_43 : vector<1x16xf32> to vector<16xf32>
        %swap3A_45 = vector.shape_cast %max3A_41 : vector<16xf32> to vector<1x16xf32>
        tpu.vector_store %arg10[%swap3A, %swap3A_42], %swap3A_45 {strides = array<i32>} : memref<80x128xf32, #tpu.memory_space<vmem>>, vector<1x16xf32>,
        %get3A_46 = arith.index_cast %scan3A_31 : i32 to index
        %get3A_47 = arith.constant 16 : index
        %get3A_48 = tpu.vector_load %arg10[%get3A_46, %get3A_47] {strides = array<i32>} : memref<80x128xf32, #tpu.memory_space<vmem>>, vector<1x16xf32>,
        %get3A_49 = vector.shape_cast %get3A_48 : vector<1x16xf32> to vector<16xf32>
        %get3A_50 = arith.index_cast %scan3A_31 : i32 to index
        %get3A_51 = arith.constant 16 : index
        %get3A_52 = tpu.vector_load %arg11[%get3A_50, %get3A_51] {strides = array<i32>} : memref<80x128xf32, #tpu.memory_space<vmem>>, vector<1x16xf32>,
        %get3A_53 = vector.shape_cast %get3A_52 : vector<1x16xf32> to vector<16xf32>
        %add3A_54 = arith.addf %get3A_49, %get3A_53 : vector<16xf32>
        %max3A_55 = arith.constant 0.000000e+00 : f32
        %max3A_56 = vector.broadcast %max3A_55 : f32 to vector<16xf32>
        %max3A_57 = arith.maximumf %add3A_54, %max3A_56 : vector<16xf32>
        %swap3A_58 = arith.index_cast %scan3A_31 : i32 to index
        %swap3A_59 = arith.constant 16 : index
        %swap3A_60 = tpu.vector_load %arg10[%swap3A_58, %swap3A_59] {strides = array<i32>} : memref<80x128xf32, #tpu.memory_space<vmem>>, vector<1x16xf32>,
        %swap3A_61 = vector.shape_cast %swap3A_60 : vector<1x16xf32> to vector<16xf32>
        %swap3A_62 = vector.shape_cast %max3A_57 : vector<16xf32> to vector<1x16xf32>
        tpu.vector_store %arg10[%swap3A_58, %swap3A_59], %swap3A_62 {strides = array<i32>} : memref<80x128xf32, #tpu.memory_space<vmem>>, vector<1x16xf32>,
        %get3A_63 = arith.index_cast %scan3A_31 : i32 to index
        %get3A_64 = arith.constant 32 : index
        %get3A_65 = tpu.vector_load %arg10[%get3A_63, %get3A_64] {strides = array<i32>} : memref<80x128xf32, #tpu.memory_space<vmem>>, vector<1x16xf32>,
        %get3A_66 = vector.shape_cast %get3A_65 : vector<1x16xf32> to vector<16xf32>
        %get3A_67 = arith.index_cast %scan3A_31 : i32 to index
        %get3A_68 = arith.constant 32 : index
        %get3A_69 = tpu.vector_load %arg11[%get3A_67, %get3A_68] {strides = array<i32>} : memref<80x128xf32, #tpu.memory_space<vmem>>, vector<1x16xf32>,
        %get3A_70 = vector.shape_cast %get3A_69 : vector<1x16xf32> to vector<16xf32>
        %add3A_71 = arith.addf %get3A_66, %get3A_70 : vector<16xf32>
        %max3A_72 = arith.constant 0.000000e+00 : f32
        %max3A_73 = vector.broadcast %max3A_72 : f32 to vector<16xf32>
        %max3A_74 = arith.maximumf %add3A_71, %max3A_73 : vector<16xf32>
        %swap3A_75 = arith.index_cast %scan3A_31 : i32 to index
        %swap3A_76 = arith.constant 32 : index
        %swap3A_77 = tpu.vector_load %arg10[%swap3A_75, %swap3A_76] {strides = array<i32>} : memref<80x128xf32, #tpu.memory_space<vmem>>, vector<1x16xf32>,
        %swap3A_78 = vector.shape_cast %swap3A_77 : vector<1x16xf32> to vector<16xf32>
        %swap3A_79 = vector.shape_cast %max3A_74 : vector<16xf32> to vector<1x16xf32>
        tpu.vector_store %arg10[%swap3A_75, %swap3A_76], %swap3A_79 {strides = array<i32>} : memref<80x128xf32, #tpu.memory_space<vmem>>, vector<1x16xf32>,
        %get3A_80 = arith.index_cast %scan3A_31 : i32 to index
        %get3A_81 = arith.constant 48 : index
        %get3A_82 = tpu.vector_load %arg10[%get3A_80, %get3A_81] {strides = array<i32>} : memref<80x128xf32, #tpu.memory_space<vmem>>, vector<1x16xf32>,
        %get3A_83 = vector.shape_cast %get3A_82 : vector<1x16xf32> to vector<16xf32>
        %get3A_84 = arith.index_cast %scan3A_31 : i32 to index
        %get3A_85 = arith.constant 48 : index
        %get3A_86 = tpu.vector_load %arg11[%get3A_84, %get3A_85] {strides = array<i32>} : memref<80x128xf32, #tpu.memory_space<vmem>>, vector<1x16xf32>,
        %get3A_87 = vector.shape_cast %get3A_86 : vector<1x16xf32> to vector<16xf32>
        %add3A_88 = arith.addf %get3A_83, %get3A_87 : vector<16xf32>
        %max3A_89 = arith.constant 0.000000e+00 : f32
        %max3A_90 = vector.broadcast %max3A_89 : f32 to vector<16xf32>
        %max3A_91 = arith.maximumf %add3A_88, %max3A_90 : vector<16xf32>
        %swap3A_92 = arith.index_cast %scan3A_31 : i32 to index
        %swap3A_93 = arith.constant 48 : index
        %swap3A_94 = tpu.vector_load %arg10[%swap3A_92, %swap3A_93] {strides = array<i32>} : memref<80x128xf32, #tpu.memory_space<vmem>>, vector<1x16xf32>,
        %swap3A_95 = vector.shape_cast %swap3A_94 : vector<1x16xf32> to vector<16xf32>
        %swap3A_96 = vector.shape_cast %max3A_91 : vector<16xf32> to vector<1x16xf32>
        tpu.vector_store %arg10[%swap3A_92, %swap3A_93], %swap3A_96 {strides = array<i32>} : memref<80x128xf32, #tpu.memory_space<vmem>>, vector<1x16xf32>,
        %get3A_97 = arith.index_cast %scan3A_31 : i32 to index
        %get3A_98 = arith.constant 64 : index
        %get3A_99 = tpu.vector_load %arg10[%get3A_97, %get3A_98] {strides = array<i32>} : memref<80x128xf32, #tpu.memory_space<vmem>>, vector<1x16xf32>,
        %get3A_100 = vector.shape_cast %get3A_99 : vector<1x16xf32> to vector<16xf32>
        %get3A_101 = arith.index_cast %scan3A_31 : i32 to index
        %get3A_102 = arith.constant 64 : index
        %get3A_103 = tpu.vector_load %arg11[%get3A_101, %get3A_102] {strides = array<i32>} : memref<80x128xf32, #tpu.memory_space<vmem>>, vector<1x16xf32>,
        %get3A_104 = vector.shape_cast %get3A_103 : vector<1x16xf32> to vector<16xf32>
        %add3A_105 = arith.addf %get3A_100, %get3A_104 : vector<16xf32>
        %max3A_106 = arith.constant 0.000000e+00 : f32
        %max3A_107 = vector.broadcast %max3A_106 : f32 to vector<16xf32>
        %max3A_108 = arith.maximumf %add3A_105, %max3A_107 : vector<16xf32>
        %swap3A_109 = arith.index_cast %scan3A_31 : i32 to index
        %swap3A_110 = arith.constant 64 : index
        %swap3A_111 = tpu.vector_load %arg10[%swap3A_109, %swap3A_110] {strides = array<i32>} : memref<80x128xf32, #tpu.memory_space<vmem>>, vector<1x16xf32>,
        %swap3A_112 = vector.shape_cast %swap3A_111 : vector<1x16xf32> to vector<16xf32>
        %swap3A_113 = vector.shape_cast %max3A_108 : vector<16xf32> to vector<1x16xf32>
        tpu.vector_store %arg10[%swap3A_109, %swap3A_110], %swap3A_113 {strides = array<i32>} : memref<80x128xf32, #tpu.memory_space<vmem>>, vector<1x16xf32>,
        %get3A_114 = arith.index_cast %scan3A_31 : i32 to index
        %get3A_115 = arith.constant 80 : index
        %get3A_116 = tpu.vector_load %arg10[%get3A_114, %get3A_115] {strides = array<i32>} : memref<80x128xf32, #tpu.memory_space<vmem>>, vector<1x16xf32>,
        %get3A_117 = vector.shape_cast %get3A_116 : vector<1x16xf32> to vector<16xf32>
        %get3A_118 = arith.index_cast %scan3A_31 : i32 to index
        %get3A_119 = arith.constant 80 : index
        %get3A_120 = tpu.vector_load %arg11[%get3A_118, %get3A_119] {strides = array<i32>} : memref<80x128xf32, #tpu.memory_space<vmem>>, vector<1x16xf32>,
        %get3A_121 = vector.shape_cast %get3A_120 : vector<1x16xf32> to vector<16xf32>
        %add3A_122 = arith.addf %get3A_117, %get3A_121 : vector<16xf32>
        %max3A_123 = arith.constant 0.000000e+00 : f32
        %max3A_124 = vector.broadcast %max3A_123 : f32 to vector<16xf32>
        %max3A_125 = arith.maximumf %add3A_122, %max3A_124 : vector<16xf32>
        %swap3A_126 = arith.index_cast %scan3A_31 : i32 to index
        %swap3A_127 = arith.constant 80 : index
        %swap3A_128 = tpu.vector_load %arg10[%swap3A_126, %swap3A_127] {strides = array<i32>} : memref<80x128xf32, #tpu.memory_space<vmem>>, vector<1x16xf32>,
        %swap3A_129 = vector.shape_cast %swap3A_128 : vector<1x16xf32> to vector<16xf32>
        %swap3A_130 = vector.shape_cast %max3A_125 : vector<16xf32> to vector<1x16xf32>
        tpu.vector_store %arg10[%swap3A_126, %swap3A_127], %swap3A_130 {strides = array<i32>} : memref<80x128xf32, #tpu.memory_space<vmem>>, vector<1x16xf32>,
        %get3A_131 = arith.index_cast %scan3A_31 : i32 to index
        %get3A_132 = arith.constant 96 : index
        %get3A_133 = tpu.vector_load %arg10[%get3A_131, %get3A_132] {strides = array<i32>} : memref<80x128xf32, #tpu.memory_space<vmem>>, vector<1x16xf32>,
        %get3A_134 = vector.shape_cast %get3A_133 : vector<1x16xf32> to vector<16xf32>
        %get3A_135 = arith.index_cast %scan3A_31 : i32 to index
        %get3A_136 = arith.constant 96 : index
        %get3A_137 = tpu.vector_load %arg11[%get3A_135, %get3A_136] {strides = array<i32>} : memref<80x128xf32, #tpu.memory_space<vmem>>, vector<1x16xf32>,
        %get3A_138 = vector.shape_cast %get3A_137 : vector<1x16xf32> to vector<16xf32>
        %add3A_139 = arith.addf %get3A_134, %get3A_138 : vector<16xf32>
        %max3A_140 = arith.constant 0.000000e+00 : f32
        %max3A_141 = vector.broadcast %max3A_140 : f32 to vector<16xf32>
        %max3A_142 = arith.maximumf %add3A_139, %max3A_141 : vector<16xf32>
        %swap3A_143 = arith.index_cast %scan3A_31 : i32 to index
        %swap3A_144 = arith.constant 96 : index
        %swap3A_145 = tpu.vector_load %arg10[%swap3A_143, %swap3A_144] {strides = array<i32>} : memref<80x128xf32, #tpu.memory_space<vmem>>, vector<1x16xf32>,
        %swap3A_146 = vector.shape_cast %swap3A_145 : vector<1x16xf32> to vector<16xf32>
        %swap3A_147 = vector.shape_cast %max3A_142 : vector<16xf32> to vector<1x16xf32>
        tpu.vector_store %arg10[%swap3A_143, %swap3A_144], %swap3A_147 {strides = array<i32>} : memref<80x128xf32, #tpu.memory_space<vmem>>, vector<1x16xf32>,
        %get3A_148 = arith.index_cast %scan3A_31 : i32 to index
        %get3A_149 = arith.constant 112 : index
        %get3A_150 = tpu.vector_load %arg10[%get3A_148, %get3A_149] {strides = array<i32>} : memref<80x128xf32, #tpu.memory_space<vmem>>, vector<1x16xf32>,
        %get3A_151 = vector.shape_cast %get3A_150 : vector<1x16xf32> to vector<16xf32>
        %get3A_152 = arith.index_cast %scan3A_31 : i32 to index
        %get3A_153 = arith.constant 112 : index
        %get3A_154 = tpu.vector_load %arg11[%get3A_152, %get3A_153] {strides = array<i32>} : memref<80x128xf32, #tpu.memory_space<vmem>>, vector<1x16xf32>,
        %get3A_155 = vector.shape_cast %get3A_154 : vector<1x16xf32> to vector<16xf32>
        %add3A_156 = arith.addf %get3A_151, %get3A_155 : vector<16xf32>
        %max3A_157 = arith.constant 0.000000e+00 : f32
        %max3A_158 = vector.broadcast %max3A_157 : f32 to vector<16xf32>
        %max3A_159 = arith.maximumf %add3A_156, %max3A_158 : vector<16xf32>
        %swap3A_160 = arith.index_cast %scan3A_31 : i32 to index
        %swap3A_161 = arith.constant 112 : index
        %swap3A_162 = tpu.vector_load %arg10[%swap3A_160, %swap3A_161] {strides = array<i32>} : memref<80x128xf32, #tpu.memory_space<vmem>>, vector<1x16xf32>,
        %swap3A_163 = vector.shape_cast %swap3A_162 : vector<1x16xf32> to vector<16xf32>
        %swap3A_164 = vector.shape_cast %max3A_159 : vector<16xf32> to vector<1x16xf32>
        tpu.vector_store %arg10[%swap3A_160, %swap3A_161], %swap3A_164 {strides = array<i32>} : memref<80x128xf32, #tpu.memory_space<vmem>>, vector<1x16xf32>,
      }
      %scan3A_30 = arith.constant 80 : i32
      "tpu.region"() ({
        %run_scoped3A = tpu.sem_alloc : memref<!tpu.dma_semaphore, #tpu.memory_space<semaphore_mem>>
        %dma_start3A_31 = arith.constant 0 : i32
        %dma_start3A_32 = arith.constant 0 : i32
        %dma_start3A_33 = tpu.memref_slice %arg12[%dma_start3A_31, %dma_start3A_32] : memref<10240x128xf32, #tpu.memory_space<vmem_shared>> -> memref<10240x128xf32, #tpu.memory_space<vmem_shared>>
        tpu.enqueue_indirect_dma source(%arg10 : memref<80x128xf32, #tpu.memory_space<vmem>>) target(%dma_start3A_33 : memref<10240x128xf32, #tpu.memory_space<vmem_shared>>) offsets(%arg9 : memref<80xi32, #tpu.memory_space<vmem>>) semaphore(%run_scoped3A : memref<!tpu.dma_semaphore, #tpu.memory_space<semaphore_mem>>) {add = true}
        %dma_wait3A_34 = arith.constant 0 : i32
        %dma_wait3A_35 = arith.constant 0 : i32
        %dma_wait3A_36 = tpu.memref_slice %arg12[%dma_wait3A_34, %dma_wait3A_35] : memref<10240x128xf32, #tpu.memory_space<vmem_shared>> -> memref<10240x128xf32, #tpu.memory_space<vmem_shared>>
        tpu.wait_indirect_dma semaphore(%run_scoped3A : memref<!tpu.dma_semaphore, #tpu.memory_space<semaphore_mem>>) src(%arg10 : memref<80x128xf32, #tpu.memory_space<vmem>>) dst(%dma_wait3A_36 : memref<10240x128xf32, #tpu.memory_space<vmem_shared>>)
        tpu.yield
      }) : () -> ()
    }
    %scan3A_11 = arith.constant 125 : i32
    %barrier3A_12 = arith.constant 0 : index
    tpu.barrier barrier_id(%barrier3A_12)
    %mul3A_13 = arith.constant 640 : i32
    %mul3A_14 = arith.muli %arg1, %mul3A_13 : i32
    %mul3A_15 = arith.constant 640 : i32
    %mul3A_16 = arith.muli %arg1, %mul3A_15 : i32
    "tpu.region"() ({
      %run_scoped3A = tpu.sem_alloc : memref<!tpu.dma_semaphore, #tpu.memory_space<semaphore_mem>>
      %dma_start3A = arith.constant 0 : i32
      %dma_start3A_17 = tpu.memref_slice %arg7[%arg0, %mul3A_16, %dma_start3A] : memref<2x10240x128xf32, #tpu.memory_space<hbm>> -> memref<1x640x128xf32, #tpu.memory_space<hbm>>
      %dma_start3A_18 = tpu.memref_squeeze %dma_start3A_17 : memref<1x640x128xf32, #tpu.memory_space<hbm>> -> memref<640x128xf32, #tpu.memory_space<hbm>>
      %dma_start3A_19 = arith.constant 0 : i32
      %dma_start3A_20 = tpu.memref_slice %arg12[%mul3A_14, %dma_start3A_19] : memref<10240x128xf32, #tpu.memory_space<vmem_shared>> -> memref<640x128xf32, #tpu.memory_space<vmem_shared>>
      tpu.enqueue_dma source(%dma_start3A_20 : memref<640x128xf32, #tpu.memory_space<vmem_shared>>) target(%dma_start3A_18 : memref<640x128xf32, #tpu.memory_space<hbm>>) target_semaphore(%run_scoped3A : memref<!tpu.dma_semaphore, #tpu.memory_space<semaphore_mem>>)
      %dma_wait3A = arith.constant 0 : i32
      %dma_wait3A_21 = tpu.memref_slice %arg7[%arg0, %mul3A_16, %dma_wait3A] : memref<2x10240x128xf32, #tpu.memory_space<hbm>> -> memref<1x640x128xf32, #tpu.memory_space<hbm>>
      %dma_wait3A_22 = tpu.memref_squeeze %dma_wait3A_21 : memref<1x640x128xf32, #tpu.memory_space<hbm>> -> memref<640x128xf32, #tpu.memory_space<hbm>>
      %dma_wait3A_23 = arith.constant 0 : i32
      %dma_wait3A_24 = tpu.memref_slice %arg12[%mul3A_14, %dma_wait3A_23] : memref<10240x128xf32, #tpu.memory_space<vmem_shared>> -> memref<640x128xf32, #tpu.memory_space<vmem_shared>>
      tpu.wait_dma2 semaphore(%run_scoped3A : memref<!tpu.dma_semaphore, #tpu.memory_space<semaphore_mem>>) src(%dma_wait3A_24 : memref<640x128xf32, #tpu.memory_space<vmem_shared>>) dst(%dma_wait3A_22 : memref<640x128xf32, #tpu.memory_space<hbm>>)
      tpu.yield
    }) : () -> ()
    return
  }
}

module attributes {stable_mosaic.version = 14 : i64} {
  func.func @_edge_body(%arg0: i32, %arg1: memref<4000x16xf32, #tpu.memory_space<vmem>>, %arg2: memref<16x128xf32, #tpu.memory_space<vmem>>, %arg3: memref<1x128xf32, #tpu.memory_space<vmem>>, %arg4: memref<4000x128xf32, #tpu.memory_space<vmem>>) attributes {dimension_semantics = [#tpu.dimension_semantics<arbitrary>], iteration_bounds = array<i64: 80>, scalar_prefetch = 0 : i64, scratch_operands = 0 : i64, tpu.core_type = #tpu.core_type<tc>, window_params = [{transform_indices = @transform_0, window_bounds = array<i64: 4000, 16>}, {pipeline_mode = #tpu.pipeline_mode<synchronous>, transform_indices = @transform_1, window_bounds = array<i64: 16, 128>}, {pipeline_mode = #tpu.pipeline_mode<synchronous>, transform_indices = @transform_2, window_bounds = array<i64: 1, 128>}, {transform_indices = @transform_3, window_bounds = array<i64: 4000, 128>}]} {
    %get3A = arith.constant 0 : index
    %get3A_0 = arith.constant 0 : index
    %get3A_1 = vector.load %arg1[%get3A, %get3A_0] : memref<4000x16xf32, #tpu.memory_space<vmem>>, vector<4000x16xf32>
    %get3A_2 = arith.constant 0 : index
    %get3A_3 = arith.constant 0 : index
    %get3A_4 = vector.load %arg2[%get3A_2, %get3A_3] : memref<16x128xf32, #tpu.memory_space<vmem>>, vector<16x128xf32>
    %dot_general3A = arith.constant dense<0.000000e+00> : vector<4000x128xf32>
    %dot_general3A_5 = tpu.matmul %get3A_1, %get3A_4, %dot_general3A {dimension_numbers = #tpu.dot_dimension_numbers<[1], [0], [0], [1], [0, 0, 1, 1], [], []>, transpose_lhs_hint = false} : vector<4000x16xf32>, vector<16x128xf32>, vector<4000x128xf32> -> vector<4000x128xf32>
    %get3A_6 = arith.constant 0 : index
    %get3A_7 = arith.constant 0 : index
    %get3A_8 = vector.load %arg3[%get3A_6, %get3A_7] : memref<1x128xf32, #tpu.memory_space<vmem>>, vector<1x128xf32>
    %add3A = vector.broadcast %get3A_8 : vector<1x128xf32> to vector<4000x128xf32>
    %add3A_9 = arith.addf %dot_general3A_5, %add3A : vector<4000x128xf32>
    %swap3A = arith.constant 0 : index
    %swap3A_10 = arith.constant 0 : index
    %swap3A_11 = vector.load %arg4[%swap3A, %swap3A_10] : memref<4000x128xf32, #tpu.memory_space<vmem>>, vector<4000x128xf32>
    tpu.vector_store %arg4[%swap3A, %swap3A_10], %add3A_9 {strides = array<i32>} : memref<4000x128xf32, #tpu.memory_space<vmem>>, vector<4000x128xf32>,
    return
  }
  func.func @transform_0(%arg0: i32) -> (i32, i32) {
    %c0_i32 = arith.constant 0 : i32
    %c0_i32_0 = arith.constant 0 : i32
    return %arg0, %c0_i32 : i32, i32
  }
  func.func @transform_1(%arg0: i32) -> (i32, i32) {
    %c0_i32 = arith.constant 0 : i32
    %c0_i32_0 = arith.constant 0 : i32
    %c0_i32_1 = arith.constant 0 : i32
    return %c0_i32, %c0_i32_0 : i32, i32
  }
  func.func @transform_2(%arg0: i32) -> (i32, i32) {
    %c0_i32 = arith.constant 0 : i32
    %c0_i32_0 = arith.constant 0 : i32
    %c0_i32_1 = arith.constant 0 : i32
    return %c0_i32, %c0_i32_0 : i32, i32
  }
  func.func @transform_3(%arg0: i32) -> (i32, i32) {
    %c0_i32 = arith.constant 0 : i32
    %c0_i32_0 = arith.constant 0 : i32
    return %arg0, %c0_i32 : i32, i32
  }
}

module attributes {stable_mosaic.version = 14 : i64} {
  func.func @_prep_body(%arg0: i32, %arg1: memref<2000x128xf32, #tpu.memory_space<vmem>>, %arg2: memref<128x128xf32, #tpu.memory_space<vmem>>, %arg3: memref<1x128xf32, #tpu.memory_space<vmem>>, %arg4: memref<1x128xf32, #tpu.memory_space<vmem>>, %arg5: memref<2000x1xi32, #tpu.memory_space<vmem>>, %arg6: memref<2000x128xf32, #tpu.memory_space<vmem>>, %arg7: memref<2000x128xf32, #tpu.memory_space<vmem>>, %arg8: memref<2000x128xf32, #tpu.memory_space<vmem>>) attributes {dimension_semantics = [#tpu.dimension_semantics<arbitrary>], iteration_bounds = array<i64: 5>, scalar_prefetch = 0 : i64, scratch_operands = 0 : i64, tpu.core_type = #tpu.core_type<tc>, window_params = [{transform_indices = @transform_0, window_bounds = array<i64: 2000, 128>}, {pipeline_mode = #tpu.pipeline_mode<synchronous>, transform_indices = @transform_1, window_bounds = array<i64: 128, 128>}, {pipeline_mode = #tpu.pipeline_mode<synchronous>, transform_indices = @transform_2, window_bounds = array<i64: 1, 128>}, {pipeline_mode = #tpu.pipeline_mode<synchronous>, transform_indices = @transform_3, window_bounds = array<i64: 1, 128>}, {transform_indices = @transform_4, window_bounds = array<i64: 2000, 1>}, {transform_indices = @transform_5, window_bounds = array<i64: 2000, 128>}, {transform_indices = @transform_6, window_bounds = array<i64: 2000, 128>}, {transform_indices = @transform_7, window_bounds = array<i64: 2000, 128>}]} {
    %get3A = arith.constant 0 : index
    %get3A_0 = arith.constant 0 : index
    %get3A_1 = vector.load %arg1[%get3A, %get3A_0] : memref<2000x128xf32, #tpu.memory_space<vmem>>, vector<2000x128xf32>
    %get3A_2 = arith.constant 0 : index
    %get3A_3 = arith.constant 0 : index
    %get3A_4 = vector.load %arg2[%get3A_2, %get3A_3] : memref<128x128xf32, #tpu.memory_space<vmem>>, vector<128x128xf32>
    %dot_general3A = arith.constant dense<0.000000e+00> : vector<2000x128xf32>
    %dot_general3A_5 = tpu.matmul %get3A_1, %get3A_4, %dot_general3A {dimension_numbers = #tpu.dot_dimension_numbers<[1], [0], [0], [1], [0, 0, 1, 1], [], []>, transpose_lhs_hint = false} : vector<2000x128xf32>, vector<128x128xf32>, vector<2000x128xf32> -> vector<2000x128xf32>
    %get3A_6 = arith.constant 0 : index
    %get3A_7 = arith.constant 0 : index
    %get3A_8 = vector.load %arg3[%get3A_6, %get3A_7] : memref<1x128xf32, #tpu.memory_space<vmem>>, vector<1x128xf32>
    %add3A = vector.broadcast %get3A_8 : vector<1x128xf32> to vector<2000x128xf32>
    %add3A_9 = arith.addf %dot_general3A_5, %add3A : vector<2000x128xf32>
    %swap3A = arith.constant 0 : index
    %swap3A_10 = arith.constant 0 : index
    %swap3A_11 = vector.load %arg6[%swap3A, %swap3A_10] : memref<2000x128xf32, #tpu.memory_space<vmem>>, vector<2000x128xf32>
    tpu.vector_store %arg6[%swap3A, %swap3A_10], %add3A_9 {strides = array<i32>} : memref<2000x128xf32, #tpu.memory_space<vmem>>, vector<2000x128xf32>,
    %get3A_12 = arith.constant 0 : index
    %get3A_13 = arith.constant 0 : index
    %get3A_14 = vector.load %arg4[%get3A_12, %get3A_13] : memref<1x128xf32, #tpu.memory_space<vmem>>, vector<1x128xf32>
    %add3A_15 = vector.broadcast %get3A_14 : vector<1x128xf32> to vector<2000x128xf32>
    %add3A_16 = arith.addf %add3A_9, %add3A_15 : vector<2000x128xf32>
    %swap3A_17 = arith.constant 0 : index
    %swap3A_18 = arith.constant 0 : index
    %swap3A_19 = vector.load %arg7[%swap3A_17, %swap3A_18] : memref<2000x128xf32, #tpu.memory_space<vmem>>, vector<2000x128xf32>
    tpu.vector_store %arg7[%swap3A_17, %swap3A_18], %add3A_16 {strides = array<i32>} : memref<2000x128xf32, #tpu.memory_space<vmem>>, vector<2000x128xf32>,
    %iota3A = tpu.iota {dimensions = array<i32: 1>} : vector<2000x128xi32>
    %get3A_20 = arith.constant 0 : index
    %get3A_21 = arith.constant 0 : index
    %get3A_22 = vector.load %arg5[%get3A_20, %get3A_21] : memref<2000x1xi32, #tpu.memory_space<vmem>>, vector<2000x1xi32>
    %eq3A = vector.broadcast %get3A_22 : vector<2000x1xi32> to vector<2000x128xi32>
    %eq3A_23 = arith.cmpi eq, %eq3A, %iota3A : vector<2000x128xi32>
    %convert_element_type3A = arith.extui %eq3A_23 : vector<2000x128xi1> to vector<2000x128xi32>
    %convert_element_type3A_24 = arith.sitofp %convert_element_type3A : vector<2000x128xi32> to vector<2000x128xf32>
    %swap3A_25 = arith.constant 0 : index
    %swap3A_26 = arith.constant 0 : index
    %swap3A_27 = vector.load %arg8[%swap3A_25, %swap3A_26] : memref<2000x128xf32, #tpu.memory_space<vmem>>, vector<2000x128xf32>
    tpu.vector_store %arg8[%swap3A_25, %swap3A_26], %convert_element_type3A_24 {strides = array<i32>} : memref<2000x128xf32, #tpu.memory_space<vmem>>, vector<2000x128xf32>,
    return
  }
  func.func @transform_0(%arg0: i32) -> (i32, i32) {
    %c0_i32 = arith.constant 0 : i32
    %c0_i32_0 = arith.constant 0 : i32
    return %arg0, %c0_i32 : i32, i32
  }
  func.func @transform_1(%arg0: i32) -> (i32, i32) {
    %c0_i32 = arith.constant 0 : i32
    %c0_i32_0 = arith.constant 0 : i32
    %c0_i32_1 = arith.constant 0 : i32
    return %c0_i32, %c0_i32_0 : i32, i32
  }
  func.func @transform_2(%arg0: i32) -> (i32, i32) {
    %c0_i32 = arith.constant 0 : i32
    %c0_i32_0 = arith.constant 0 : i32
    %c0_i32_1 = arith.constant 0 : i32
    return %c0_i32, %c0_i32_0 : i32, i32
  }
  func.func @transform_3(%arg0: i32) -> (i32, i32) {
    %c0_i32 = arith.constant 0 : i32
    %c0_i32_0 = arith.constant 0 : i32
    %c0_i32_1 = arith.constant 0 : i32
    return %c0_i32, %c0_i32_0 : i32, i32
  }
  func.func @transform_4(%arg0: i32) -> (i32, i32) {
    %c0_i32 = arith.constant 0 : i32
    %c0_i32_0 = arith.constant 0 : i32
    return %arg0, %c0_i32 : i32, i32
  }
  func.func @transform_5(%arg0: i32) -> (i32, i32) {
    %c0_i32 = arith.constant 0 : i32
    %c0_i32_0 = arith.constant 0 : i32
    return %arg0, %c0_i32 : i32, i32
  }
  func.func @transform_6(%arg0: i32) -> (i32, i32) {
    %c0_i32 = arith.constant 0 : i32
    %c0_i32_0 = arith.constant 0 : i32
    return %arg0, %c0_i32 : i32, i32
  }
  func.func @transform_7(%arg0: i32) -> (i32, i32) {
    %c0_i32 = arith.constant 0 : i32
    %c0_i32_0 = arith.constant 0 : i32
    return %arg0, %c0_i32 : i32, i32
  }
}

module attributes {stable_mosaic.version = 14 : i64} {
  func.func @_mlp_body(%arg0: i32, %arg1: memref<2000x128xf32, #tpu.memory_space<vmem>>, %arg2: memref<2x2000x128xf32, #tpu.memory_space<vmem>>, %arg3: memref<1x128xf32, #tpu.memory_space<vmem>>, %arg4: memref<128x256xf32, #tpu.memory_space<vmem>>, %arg5: memref<1x256xf32, #tpu.memory_space<vmem>>, %arg6: memref<256x128xf32, #tpu.memory_space<vmem>>, %arg7: memref<1x128xf32, #tpu.memory_space<vmem>>, %arg8: memref<2000x128xf32, #tpu.memory_space<vmem>>, %arg9: memref<8x128xf32, #tpu.memory_space<vmem>>) attributes {dimension_semantics = [#tpu.dimension_semantics<arbitrary>], iteration_bounds = array<i64: 5>, scalar_prefetch = 0 : i64, scratch_operands = 0 : i64, tpu.core_type = #tpu.core_type<tc>, window_params = [{transform_indices = @transform_0, window_bounds = array<i64: 2000, 128>}, {transform_indices = @transform_1, window_bounds = array<i64: 2, 2000, 128>}, {pipeline_mode = #tpu.pipeline_mode<synchronous>, transform_indices = @transform_2, window_bounds = array<i64: 1, 128>}, {pipeline_mode = #tpu.pipeline_mode<synchronous>, transform_indices = @transform_3, window_bounds = array<i64: 128, 256>}, {pipeline_mode = #tpu.pipeline_mode<synchronous>, transform_indices = @transform_4, window_bounds = array<i64: 1, 256>}, {pipeline_mode = #tpu.pipeline_mode<synchronous>, transform_indices = @transform_5, window_bounds = array<i64: 256, 128>}, {pipeline_mode = #tpu.pipeline_mode<synchronous>, transform_indices = @transform_6, window_bounds = array<i64: 1, 128>}, {transform_indices = @transform_7, window_bounds = array<i64: 2000, 128>}, {pipeline_mode = #tpu.pipeline_mode<synchronous>, transform_indices = @transform_8, window_bounds = array<i64: 8, 128>}]} {
    %get3A = arith.constant 0 : index
    %get3A_0 = arith.constant 0 : index
    %get3A_1 = vector.load %arg3[%get3A, %get3A_0] : memref<1x128xf32, #tpu.memory_space<vmem>>, vector<1x128xf32>
    %get3A_2 = arith.constant 0 : index
    %get3A_3 = arith.constant 0 : index
    %get3A_4 = vector.load %arg1[%get3A_2, %get3A_3] : memref<2000x128xf32, #tpu.memory_space<vmem>>, vector<2000x128xf32>
    %mul3A = vector.broadcast %get3A_1 : vector<1x128xf32> to vector<2000x128xf32>
    %mul3A_5 = arith.mulf %mul3A, %get3A_4 : vector<2000x128xf32>
    %get3A_6 = arith.constant 0 : index
    %get3A_7 = arith.constant 0 : index
    %get3A_8 = arith.constant 0 : index
    %get3A_9 = vector.load %arg2[%get3A_6, %get3A_7, %get3A_8] : memref<2x2000x128xf32, #tpu.memory_space<vmem>>, vector<1x2000x128xf32>
    %get3A_10 = vector.shape_cast %get3A_9 : vector<1x2000x128xf32> to vector<2000x128xf32>
    %get3A_11 = arith.constant 1 : index
    %get3A_12 = arith.constant 0 : index
    %get3A_13 = arith.constant 0 : index
    %get3A_14 = vector.load %arg2[%get3A_11, %get3A_12, %get3A_13] : memref<2x2000x128xf32, #tpu.memory_space<vmem>>, vector<1x2000x128xf32>
    %get3A_15 = vector.shape_cast %get3A_14 : vector<1x2000x128xf32> to vector<2000x128xf32>
    %add3A = arith.addf %get3A_10, %get3A_15 : vector<2000x128xf32>
    %add3A_16 = arith.addf %mul3A_5, %add3A : vector<2000x128xf32>
    %get3A_17 = arith.constant 0 : index
    %get3A_18 = arith.constant 0 : index
    %get3A_19 = vector.load %arg4[%get3A_17, %get3A_18] : memref<128x256xf32, #tpu.memory_space<vmem>>, vector<128x256xf32>
    %dot_general3A = arith.constant dense<0.000000e+00> : vector<2000x256xf32>
    %dot_general3A_20 = tpu.matmul %add3A_16, %get3A_19, %dot_general3A {dimension_numbers = #tpu.dot_dimension_numbers<[1], [0], [0], [1], [0, 0, 1, 1], [], []>, transpose_lhs_hint = false} : vector<2000x128xf32>, vector<128x256xf32>, vector<2000x256xf32> -> vector<2000x256xf32>
    %get3A_21 = arith.constant 0 : index
    %get3A_22 = arith.constant 0 : index
    %get3A_23 = vector.load %arg5[%get3A_21, %get3A_22] : memref<1x256xf32, #tpu.memory_space<vmem>>, vector<1x256xf32>
    %add3A_24 = vector.broadcast %get3A_23 : vector<1x256xf32> to vector<2000x256xf32>
    %add3A_25 = arith.addf %dot_general3A_20, %add3A_24 : vector<2000x256xf32>
    %max3A = arith.constant 0.000000e+00 : f32
    %max3A_26 = vector.broadcast %max3A : f32 to vector<2000x256xf32>
    %max3A_27 = arith.maximumf %add3A_25, %max3A_26 : vector<2000x256xf32>
    %get3A_28 = arith.constant 0 : index
    %get3A_29 = arith.constant 0 : index
    %get3A_30 = vector.load %arg6[%get3A_28, %get3A_29] : memref<256x128xf32, #tpu.memory_space<vmem>>, vector<256x128xf32>
    %dot_general3A_31 = arith.constant dense<0.000000e+00> : vector<2000x128xf32>
    %dot_general3A_32 = tpu.matmul %max3A_27, %get3A_30, %dot_general3A_31 {dimension_numbers = #tpu.dot_dimension_numbers<[1], [0], [0], [1], [0, 0, 1, 1], [], []>, transpose_lhs_hint = false} : vector<2000x256xf32>, vector<256x128xf32>, vector<2000x128xf32> -> vector<2000x128xf32>
    %get3A_33 = arith.constant 0 : index
    %get3A_34 = arith.constant 0 : index
    %get3A_35 = vector.load %arg7[%get3A_33, %get3A_34] : memref<1x128xf32, #tpu.memory_space<vmem>>, vector<1x128xf32>
    %add3A_36 = vector.broadcast %get3A_35 : vector<1x128xf32> to vector<2000x128xf32>
    %add3A_37 = arith.addf %dot_general3A_32, %add3A_36 : vector<2000x128xf32>
    %swap3A = arith.constant 0 : index
    %swap3A_38 = arith.constant 0 : index
    %swap3A_39 = vector.load %arg8[%swap3A, %swap3A_38] : memref<2000x128xf32, #tpu.memory_space<vmem>>, vector<2000x128xf32>
    tpu.vector_store %arg8[%swap3A, %swap3A_38], %add3A_37 {strides = array<i32>} : memref<2000x128xf32, #tpu.memory_space<vmem>>, vector<2000x128xf32>,
    %reduce_sum3A = arith.constant dense<0.000000e+00> : vector<128xf32>
    %reduce_sum3A_40 = vector.multi_reduction <add>, %add3A_37, %reduce_sum3A [0] : vector<2000x128xf32> to vector<128xf32>
    %broadcast_in_dim3A = vector.shape_cast %reduce_sum3A_40 : vector<128xf32> to vector<1x128xf32>
    %broadcast_in_dim3A_41 = arith.constant 0.000000e+00 : f32
    %broadcast_in_dim3A_42 = vector.broadcast %broadcast_in_dim3A_41 : f32 to vector<7x128xf32>
    %concatenate3A = tpu.concatenate %broadcast_in_dim3A, %broadcast_in_dim3A_42 in 0 : vector<1x128xf32>, vector<7x128xf32> -> vector<8x128xf32>
    %eq3A = arith.constant 0 : i32
    %eq3A_43 = arith.cmpi eq, %arg0, %eq3A : i32
    %convert_element_type3A = arith.extui %eq3A_43 : i1 to i32
    %cond3A = arith.constant 0 : i32
    %cond3A_44 = arith.cmpi ne, %convert_element_type3A, %cond3A : i32
    scf.if %cond3A_44 {
      %broadcast_in_dim3A_52 = arith.constant 0.000000e+00 : f32
      %broadcast_in_dim3A_53 = vector.broadcast %broadcast_in_dim3A_52 : f32 to vector<8x128xf32>
      %swap3A_54 = arith.constant 0 : index
      %swap3A_55 = arith.constant 0 : index
      %swap3A_56 = vector.load %arg9[%swap3A_54, %swap3A_55] : memref<8x128xf32, #tpu.memory_space<vmem>>, vector<8x128xf32>
      tpu.vector_store %arg9[%swap3A_54, %swap3A_55], %broadcast_in_dim3A_53 {strides = array<i32>} : memref<8x128xf32, #tpu.memory_space<vmem>>, vector<8x128xf32>,
    } else {
    }
    %get3A_45 = arith.constant 0 : index
    %get3A_46 = arith.constant 0 : index
    %get3A_47 = vector.load %arg9[%get3A_45, %get3A_46] : memref<8x128xf32, #tpu.memory_space<vmem>>, vector<8x128xf32>
    %add3A_48 = arith.addf %get3A_47, %concatenate3A : vector<8x128xf32>
    %swap3A_49 = arith.constant 0 : index
    %swap3A_50 = arith.constant 0 : index
    %swap3A_51 = vector.load %arg9[%swap3A_49, %swap3A_50] : memref<8x128xf32, #tpu.memory_space<vmem>>, vector<8x128xf32>
    tpu.vector_store %arg9[%swap3A_49, %swap3A_50], %add3A_48 {strides = array<i32>} : memref<8x128xf32, #tpu.memory_space<vmem>>, vector<8x128xf32>,
    return
  }
  func.func @transform_0(%arg0: i32) -> (i32, i32) {
    %c0_i32 = arith.constant 0 : i32
    %c0_i32_0 = arith.constant 0 : i32
    return %arg0, %c0_i32 : i32, i32
  }
  func.func @transform_1(%arg0: i32) -> (i32, i32, i32) {
    %c0_i32 = arith.constant 0 : i32
    %c0_i32_0 = arith.constant 0 : i32
    %c0_i32_1 = arith.constant 0 : i32
    return %c0_i32, %arg0, %c0_i32_0 : i32, i32, i32
  }
  func.func @transform_2(%arg0: i32) -> (i32, i32) {
    %c0_i32 = arith.constant 0 : i32
    %c0_i32_0 = arith.constant 0 : i32
    %c0_i32_1 = arith.constant 0 : i32
    return %c0_i32, %c0_i32_0 : i32, i32
  }
  func.func @transform_3(%arg0: i32) -> (i32, i32) {
    %c0_i32 = arith.constant 0 : i32
    %c0_i32_0 = arith.constant 0 : i32
    %c0_i32_1 = arith.constant 0 : i32
    return %c0_i32, %c0_i32_0 : i32, i32
  }
  func.func @transform_4(%arg0: i32) -> (i32, i32) {
    %c0_i32 = arith.constant 0 : i32
    %c0_i32_0 = arith.constant 0 : i32
    %c0_i32_1 = arith.constant 0 : i32
    return %c0_i32, %c0_i32_0 : i32, i32
  }
  func.func @transform_5(%arg0: i32) -> (i32, i32) {
    %c0_i32 = arith.constant 0 : i32
    %c0_i32_0 = arith.constant 0 : i32
    %c0_i32_1 = arith.constant 0 : i32
    return %c0_i32, %c0_i32_0 : i32, i32
  }
  func.func @transform_6(%arg0: i32) -> (i32, i32) {
    %c0_i32 = arith.constant 0 : i32
    %c0_i32_0 = arith.constant 0 : i32
    %c0_i32_1 = arith.constant 0 : i32
    return %c0_i32, %c0_i32_0 : i32, i32
  }
  func.func @transform_7(%arg0: i32) -> (i32, i32) {
    %c0_i32 = arith.constant 0 : i32
    %c0_i32_0 = arith.constant 0 : i32
    return %arg0, %c0_i32 : i32, i32
  }
  func.func @transform_8(%arg0: i32) -> (i32, i32) {
    %c0_i32 = arith.constant 0 : i32
    %c0_i32_0 = arith.constant 0 : i32
    %c0_i32_1 = arith.constant 0 : i32
    return %c0_i32, %c0_i32_0 : i32, i32
  }
}

module attributes {stable_mosaic.version = 14 : i64} {
  func.func @_stats_body(%arg0: memref<10000x128xf32, #tpu.memory_space<vmem>>, %arg1: memref<8x128xf32, #tpu.memory_space<vmem>>) attributes {dimension_semantics = [], scalar_prefetch = 0 : i64, scratch_operands = 0 : i64, tpu.core_type = #tpu.core_type<tc>} {
    %broadcast_in_dim3A = arith.constant 0.000000e+00 : f32
    %broadcast_in_dim3A_0 = vector.broadcast %broadcast_in_dim3A : f32 to vector<8x128xf32>
    %scan3A = arith.constant 0 : i32
    %scan3A_1 = arith.constant 1250 : i32
    %scan3A_2 = arith.addi %scan3A, %scan3A_1 : i32
    %scan3A_3 = arith.constant 1 : i32
    %scan3A_4 = scf.for %scan3A_54 = %scan3A to %scan3A_2 step %scan3A_3 iter_args(%scan3A_55 = %broadcast_in_dim3A_0) -> (vector<8x128xf32>)  : i32 {
      %mul3A_56 = arith.constant 8 : i32
      %mul3A_57 = arith.muli %scan3A_54, %mul3A_56 : i32
      %get3A = arith.index_cast %mul3A_57 : i32 to index
      %get3A_58 = arith.constant 0 : index
      %get3A_59 = vector.load %arg0[%get3A, %get3A_58] : memref<10000x128xf32, #tpu.memory_space<vmem>>, vector<8x128xf32>
      %add3A_60 = arith.addf %scan3A_55, %get3A_59 : vector<8x128xf32>
      scf.yield %add3A_60 : vector<8x128xf32>
    }
    %scan3A_5 = arith.constant 1250 : i32
    %slice3A = vector.extract_strided_slice %scan3A_4 {offsets = [0, 0], sizes = [4, 128], strides = [1, 1]} : vector<8x128xf32> to vector<4x128xf32>
    %slice3A_6 = vector.extract_strided_slice %scan3A_4 {offsets = [4, 0], sizes = [4, 128], strides = [1, 1]} : vector<8x128xf32> to vector<4x128xf32>
    %add3A = arith.addf %slice3A, %slice3A_6 : vector<4x128xf32>
    %slice3A_7 = vector.extract_strided_slice %add3A {offsets = [0, 0], sizes = [2, 128], strides = [1, 1]} : vector<4x128xf32> to vector<2x128xf32>
    %slice3A_8 = vector.extract_strided_slice %add3A {offsets = [2, 0], sizes = [2, 128], strides = [1, 1]} : vector<4x128xf32> to vector<2x128xf32>
    %add3A_9 = arith.addf %slice3A_7, %slice3A_8 : vector<2x128xf32>
    %slice3A_10 = vector.extract_strided_slice %add3A_9 {offsets = [0, 0], sizes = [1, 128], strides = [1, 1]} : vector<2x128xf32> to vector<1x128xf32>
    %slice3A_11 = vector.extract_strided_slice %add3A_9 {offsets = [1, 0], sizes = [1, 128], strides = [1, 1]} : vector<2x128xf32> to vector<1x128xf32>
    %add3A_12 = arith.addf %slice3A_10, %slice3A_11 : vector<1x128xf32>
    %mul3A = arith.constant 9.99999974E-5 : f32
    %mul3A_13 = vector.broadcast %mul3A : f32 to vector<1x128xf32>
    %mul3A_14 = arith.mulf %add3A_12, %mul3A_13 : vector<1x128xf32>
    %broadcast_in_dim3A_15 = arith.constant 0.000000e+00 : f32
    %broadcast_in_dim3A_16 = vector.broadcast %broadcast_in_dim3A_15 : f32 to vector<8x128xf32>
    %scan3A_17 = arith.constant 0 : i32
    %scan3A_18 = arith.constant 625 : i32
    %scan3A_19 = arith.addi %scan3A_17, %scan3A_18 : i32
    %scan3A_20 = arith.constant 1 : i32
    %scan3A_21 = scf.for %scan3A_54 = %scan3A_17 to %scan3A_19 step %scan3A_20 iter_args(%scan3A_55 = %broadcast_in_dim3A_16) -> (vector<8x128xf32>)  : i32 {
      %mul3A_56 = arith.constant 8 : i32
      %mul3A_57 = arith.muli %scan3A_54, %mul3A_56 : i32
      %get3A = arith.index_cast %mul3A_57 : i32 to index
      %get3A_58 = arith.constant 0 : index
      %get3A_59 = vector.load %arg0[%get3A, %get3A_58] : memref<10000x128xf32, #tpu.memory_space<vmem>>, vector<8x128xf32>
      %sub3A = vector.broadcast %mul3A_14 : vector<1x128xf32> to vector<8x128xf32>
      %sub3A_60 = arith.subf %get3A_59, %sub3A : vector<8x128xf32>
      %mul3A_61 = arith.mulf %sub3A_60, %sub3A_60 : vector<8x128xf32>
      %add3A_62 = arith.addf %scan3A_55, %mul3A_61 : vector<8x128xf32>
      scf.yield %add3A_62 : vector<8x128xf32>
    }
    %scan3A_22 = arith.constant 625 : i32
    %broadcast_in_dim3A_23 = arith.constant 0.000000e+00 : f32
    %broadcast_in_dim3A_24 = vector.broadcast %broadcast_in_dim3A_23 : f32 to vector<8x128xf32>
    %scan3A_25 = arith.constant 0 : i32
    %scan3A_26 = arith.constant 625 : i32
    %scan3A_27 = arith.addi %scan3A_25, %scan3A_26 : i32
    %scan3A_28 = arith.constant 1 : i32
    %scan3A_29 = scf.for %scan3A_54 = %scan3A_25 to %scan3A_27 step %scan3A_28 iter_args(%scan3A_55 = %broadcast_in_dim3A_24) -> (vector<8x128xf32>)  : i32 {
      %mul3A_56 = arith.constant 8 : i32
      %mul3A_57 = arith.muli %scan3A_54, %mul3A_56 : i32
      %add3A_58 = arith.constant 5000 : i32
      %add3A_59 = arith.addi %add3A_58, %mul3A_57 : i32
      %get3A = arith.index_cast %add3A_59 : i32 to index
      %get3A_60 = arith.constant 0 : index
      %get3A_61 = vector.load %arg0[%get3A, %get3A_60] : memref<10000x128xf32, #tpu.memory_space<vmem>>, vector<8x128xf32>
      %sub3A = vector.broadcast %mul3A_14 : vector<1x128xf32> to vector<8x128xf32>
      %sub3A_62 = arith.subf %get3A_61, %sub3A : vector<8x128xf32>
      %mul3A_63 = arith.mulf %sub3A_62, %sub3A_62 : vector<8x128xf32>
      %add3A_64 = arith.addf %scan3A_55, %mul3A_63 : vector<8x128xf32>
      scf.yield %add3A_64 : vector<8x128xf32>
    }
    %scan3A_30 = arith.constant 625 : i32
    %slice3A_31 = vector.extract_strided_slice %scan3A_21 {offsets = [0, 0], sizes = [4, 128], strides = [1, 1]} : vector<8x128xf32> to vector<4x128xf32>
    %slice3A_32 = vector.extract_strided_slice %scan3A_21 {offsets = [4, 0], sizes = [4, 128], strides = [1, 1]} : vector<8x128xf32> to vector<4x128xf32>
    %add3A_33 = arith.addf %slice3A_31, %slice3A_32 : vector<4x128xf32>
    %slice3A_34 = vector.extract_strided_slice %add3A_33 {offsets = [0, 0], sizes = [2, 128], strides = [1, 1]} : vector<4x128xf32> to vector<2x128xf32>
    %slice3A_35 = vector.extract_strided_slice %add3A_33 {offsets = [2, 0], sizes = [2, 128], strides = [1, 1]} : vector<4x128xf32> to vector<2x128xf32>
    %add3A_36 = arith.addf %slice3A_34, %slice3A_35 : vector<2x128xf32>
    %slice3A_37 = vector.extract_strided_slice %add3A_36 {offsets = [0, 0], sizes = [1, 128], strides = [1, 1]} : vector<2x128xf32> to vector<1x128xf32>
    %slice3A_38 = vector.extract_strided_slice %add3A_36 {offsets = [1, 0], sizes = [1, 128], strides = [1, 1]} : vector<2x128xf32> to vector<1x128xf32>
    %add3A_39 = arith.addf %slice3A_37, %slice3A_38 : vector<1x128xf32>
    %slice3A_40 = vector.extract_strided_slice %scan3A_29 {offsets = [0, 0], sizes = [4, 128], strides = [1, 1]} : vector<8x128xf32> to vector<4x128xf32>
    %slice3A_41 = vector.extract_strided_slice %scan3A_29 {offsets = [4, 0], sizes = [4, 128], strides = [1, 1]} : vector<8x128xf32> to vector<4x128xf32>
    %add3A_42 = arith.addf %slice3A_40, %slice3A_41 : vector<4x128xf32>
    %slice3A_43 = vector.extract_strided_slice %add3A_42 {offsets = [0, 0], sizes = [2, 128], strides = [1, 1]} : vector<4x128xf32> to vector<2x128xf32>
    %slice3A_44 = vector.extract_strided_slice %add3A_42 {offsets = [2, 0], sizes = [2, 128], strides = [1, 1]} : vector<4x128xf32> to vector<2x128xf32>
    %add3A_45 = arith.addf %slice3A_43, %slice3A_44 : vector<2x128xf32>
    %slice3A_46 = vector.extract_strided_slice %add3A_45 {offsets = [0, 0], sizes = [1, 128], strides = [1, 1]} : vector<2x128xf32> to vector<1x128xf32>
    %slice3A_47 = vector.extract_strided_slice %add3A_45 {offsets = [1, 0], sizes = [1, 128], strides = [1, 1]} : vector<2x128xf32> to vector<1x128xf32>
    %add3A_48 = arith.addf %slice3A_46, %slice3A_47 : vector<1x128xf32>
    %add3A_49 = arith.addf %add3A_39, %add3A_48 : vector<1x128xf32>
    %broadcast_in_dim3A_50 = arith.constant 0.000000e+00 : f32
    %broadcast_in_dim3A_51 = vector.broadcast %broadcast_in_dim3A_50 : f32 to vector<6x128xf32>
    %concatenate3A = tpu.concatenate %add3A_12, %add3A_49, %broadcast_in_dim3A_51 in 0 : vector<1x128xf32>, vector<1x128xf32>, vector<6x128xf32> -> vector<8x128xf32>
    %swap3A = arith.constant 0 : index
    %swap3A_52 = arith.constant 0 : index
    %swap3A_53 = vector.load %arg1[%swap3A, %swap3A_52] : memref<8x128xf32, #tpu.memory_space<vmem>>, vector<8x128xf32>
    tpu.vector_store %arg1[%swap3A, %swap3A_52], %concatenate3A {strides = array<i32>} : memref<8x128xf32, #tpu.memory_space<vmem>>, vector<8x128xf32>,
    return
  }
}

module attributes {stable_mosaic.version = 14 : i64} {
  func.func @_post_body(%arg0: i32, %arg1: memref<2000x128xf32, #tpu.memory_space<vmem>>, %arg2: memref<8x128xf32, #tpu.memory_space<vmem>>, %arg3: memref<2000x128xf32, #tpu.memory_space<vmem>>, %arg4: memref<2000x128xf32, #tpu.memory_space<vmem>>, %arg5: memref<2000x128xf32, #tpu.memory_space<vmem>>, %arg6: memref<1x128xf32, #tpu.memory_space<vmem>>, %arg7: memref<1x128xf32, #tpu.memory_space<vmem>>, %arg8: memref<128x128xf32, #tpu.memory_space<vmem>>, %arg9: memref<128x256xf32, #tpu.memory_space<vmem>>, %arg10: memref<1x256xf32, #tpu.memory_space<vmem>>, %arg11: memref<256x128xf32, #tpu.memory_space<vmem>>, %arg12: memref<1x128xf32, #tpu.memory_space<vmem>>, %arg13: memref<2000x128xf32, #tpu.memory_space<vmem>>, %arg14: memref<2000x128xf32, #tpu.memory_space<vmem>>, %arg15: memref<128x128xf32, #tpu.memory_space<vmem>>, %arg16: memref<128x128xf32, #tpu.memory_space<vmem>>) attributes {dimension_semantics = [#tpu.dimension_semantics<arbitrary>], iteration_bounds = array<i64: 5>, scalar_prefetch = 0 : i64, scratch_operands = 1 : i64, tpu.core_type = #tpu.core_type<tc>, window_params = [{transform_indices = @transform_0, window_bounds = array<i64: 2000, 128>}, {pipeline_mode = #tpu.pipeline_mode<synchronous>, transform_indices = @transform_1, window_bounds = array<i64: 8, 128>}, {transform_indices = @transform_2, window_bounds = array<i64: 2000, 128>}, {transform_indices = @transform_3, window_bounds = array<i64: 2000, 128>}, {transform_indices = @transform_4, window_bounds = array<i64: 2000, 128>}, {pipeline_mode = #tpu.pipeline_mode<synchronous>, transform_indices = @transform_5, window_bounds = array<i64: 1, 128>}, {pipeline_mode = #tpu.pipeline_mode<synchronous>, transform_indices = @transform_6, window_bounds = array<i64: 1, 128>}, {pipeline_mode = #tpu.pipeline_mode<synchronous>, transform_indices = @transform_7, window_bounds = array<i64: 128, 128>}, {pipeline_mode = #tpu.pipeline_mode<synchronous>, transform_indices = @transform_8, window_bounds = array<i64: 128, 256>}, {pipeline_mode = #tpu.pipeline_mode<synchronous>, transform_indices = @transform_9, window_bounds = array<i64: 1, 256>}, {pipeline_mode = #tpu.pipeline_mode<synchronous>, transform_indices = @transform_10, window_bounds = array<i64: 256, 128>}, {pipeline_mode = #tpu.pipeline_mode<synchronous>, transform_indices = @transform_11, window_bounds = array<i64: 1, 128>}, {transform_indices = @transform_12, window_bounds = array<i64: 2000, 128>}, {transform_indices = @transform_13, window_bounds = array<i64: 2000, 128>}, {pipeline_mode = #tpu.pipeline_mode<synchronous>, transform_indices = @transform_14, window_bounds = array<i64: 128, 128>}]} {
    %get3A = arith.constant 0 : index
    %get3A_0 = arith.constant 0 : index
    %get3A_1 = vector.load %arg2[%get3A, %get3A_0] : memref<8x128xf32, #tpu.memory_space<vmem>>, vector<1x128xf32>
    %mul3A = arith.constant 9.99999974E-5 : f32
    %mul3A_2 = vector.broadcast %mul3A : f32 to vector<1x128xf32>
    %mul3A_3 = arith.mulf %get3A_1, %mul3A_2 : vector<1x128xf32>
    %get3A_4 = arith.constant 1 : index
    %get3A_5 = arith.constant 0 : index
    %get3A_6 = vector.load %arg2[%get3A_4, %get3A_5] : memref<8x128xf32, #tpu.memory_space<vmem>>, vector<1x128xf32>
    %mul3A_7 = arith.constant 9.99999974E-5 : f32
    %mul3A_8 = vector.broadcast %mul3A_7 : f32 to vector<1x128xf32>
    %mul3A_9 = arith.mulf %get3A_6, %mul3A_8 : vector<1x128xf32>
    %get3A_10 = arith.constant 0 : index
    %get3A_11 = arith.constant 0 : index
    %get3A_12 = vector.load %arg6[%get3A_10, %get3A_11] : memref<1x128xf32, #tpu.memory_space<vmem>>, vector<1x128xf32>
    %get3A_13 = arith.constant 0 : index
    %get3A_14 = arith.constant 0 : index
    %get3A_15 = vector.load %arg1[%get3A_13, %get3A_14] : memref<2000x128xf32, #tpu.memory_space<vmem>>, vector<2000x128xf32>
    %sub3A = vector.broadcast %mul3A_3 : vector<1x128xf32> to vector<2000x128xf32>
    %sub3A_16 = arith.subf %get3A_15, %sub3A : vector<2000x128xf32>
    %mul3A_17 = vector.broadcast %get3A_12 : vector<1x128xf32> to vector<2000x128xf32>
    %mul3A_18 = arith.mulf %mul3A_17, %sub3A_16 : vector<2000x128xf32>
    %add3A = arith.constant 9.99999974E-6 : f32
    %add3A_19 = vector.broadcast %add3A : f32 to vector<1x128xf32>
    %add3A_20 = arith.addf %mul3A_9, %add3A_19 : vector<1x128xf32>
    %sqrt3A = math.sqrt %add3A_20 : vector<1x128xf32>
    %div3A = vector.broadcast %sqrt3A : vector<1x128xf32> to vector<2000x128xf32>
    %div3A_21 = arith.divf %mul3A_18, %div3A : vector<2000x128xf32>
    %get3A_22 = arith.constant 0 : index
    %get3A_23 = arith.constant 0 : index
    %get3A_24 = vector.load %arg7[%get3A_22, %get3A_23] : memref<1x128xf32, #tpu.memory_space<vmem>>, vector<1x128xf32>
    %add3A_25 = vector.broadcast %get3A_24 : vector<1x128xf32> to vector<2000x128xf32>
    %add3A_26 = arith.addf %div3A_21, %add3A_25 : vector<2000x128xf32>
    %max3A = arith.constant 0.000000e+00 : f32
    %max3A_27 = vector.broadcast %max3A : f32 to vector<2000x128xf32>
    %max3A_28 = arith.maximumf %add3A_26, %max3A_27 : vector<2000x128xf32>
    %get3A_29 = arith.constant 0 : index
    %get3A_30 = arith.constant 0 : index
    %get3A_31 = vector.load %arg3[%get3A_29, %get3A_30] : memref<2000x128xf32, #tpu.memory_space<vmem>>, vector<2000x128xf32>
    %add3A_32 = arith.addf %max3A_28, %get3A_31 : vector<2000x128xf32>
    %swap3A = arith.constant 0 : index
    %swap3A_33 = arith.constant 0 : index
    %swap3A_34 = vector.load %arg13[%swap3A, %swap3A_33] : memref<2000x128xf32, #tpu.memory_space<vmem>>, vector<2000x128xf32>
    tpu.vector_store %arg13[%swap3A, %swap3A_33], %add3A_32 {strides = array<i32>} : memref<2000x128xf32, #tpu.memory_space<vmem>>, vector<2000x128xf32>,
    %get3A_35 = arith.constant 0 : index
    %get3A_36 = arith.constant 0 : index
    %get3A_37 = vector.load %arg4[%get3A_35, %get3A_36] : memref<2000x128xf32, #tpu.memory_space<vmem>>, vector<2000x128xf32>
    %add3A_38 = arith.addf %get3A_37, %add3A_32 : vector<2000x128xf32>
    %swap3A_39 = arith.constant 0 : index
    %swap3A_40 = arith.constant 0 : index
    %swap3A_41 = vector.load %arg14[%swap3A_39, %swap3A_40] : memref<2000x128xf32, #tpu.memory_space<vmem>>, vector<2000x128xf32>
    tpu.vector_store %arg14[%swap3A_39, %swap3A_40], %add3A_38 {strides = array<i32>} : memref<2000x128xf32, #tpu.memory_space<vmem>>, vector<2000x128xf32>,
    %get3A_42 = arith.constant 0 : index
    %get3A_43 = arith.constant 0 : index
    %get3A_44 = vector.load %arg5[%get3A_42, %get3A_43] : memref<2000x128xf32, #tpu.memory_space<vmem>>, vector<2000x128xf32>
    %dot_general3A = arith.constant dense<0.000000e+00> : vector<128x128xf32>
    %dot_general3A_45 = tpu.matmul %get3A_44, %add3A_32, %dot_general3A {dimension_numbers = #tpu.dot_dimension_numbers<[0], [0], [1], [1], [0, 1, 1, 1], [], []>, precision = #tpu.contract_precision<fp32>, transpose_lhs_hint = false} : vector<2000x128xf32>, vector<2000x128xf32>, vector<128x128xf32> -> vector<128x128xf32>
    %eq3A = arith.constant 0 : i32
    %eq3A_46 = arith.cmpi eq, %arg0, %eq3A : i32
    %convert_element_type3A = arith.extui %eq3A_46 : i1 to i32
    %cond3A = arith.constant 0 : i32
    %cond3A_47 = arith.cmpi ne, %convert_element_type3A, %cond3A : i32
    scf.if %cond3A_47 {
      %broadcast_in_dim3A = arith.constant 0.000000e+00 : f32
      %broadcast_in_dim3A_60 = vector.broadcast %broadcast_in_dim3A : f32 to vector<128x128xf32>
      %swap3A_61 = arith.constant 0 : index
      %swap3A_62 = arith.constant 0 : index
      %swap3A_63 = vector.load %arg16[%swap3A_61, %swap3A_62] : memref<128x128xf32, #tpu.memory_space<vmem>>, vector<128x128xf32>
      tpu.vector_store %arg16[%swap3A_61, %swap3A_62], %broadcast_in_dim3A_60 {strides = array<i32>} : memref<128x128xf32, #tpu.memory_space<vmem>>, vector<128x128xf32>,
      %broadcast_in_dim3A_64 = arith.constant 0.000000e+00 : f32
      %broadcast_in_dim3A_65 = vector.broadcast %broadcast_in_dim3A_64 : f32 to vector<128x128xf32>
      %swap3A_66 = arith.constant 0 : index
      %swap3A_67 = arith.constant 0 : index
      %swap3A_68 = vector.load %arg15[%swap3A_66, %swap3A_67] : memref<128x128xf32, #tpu.memory_space<vmem>>, vector<128x128xf32>
      tpu.vector_store %arg15[%swap3A_66, %swap3A_67], %broadcast_in_dim3A_65 {strides = array<i32>} : memref<128x128xf32, #tpu.memory_space<vmem>>, vector<128x128xf32>,
    } else {
    }
    %get3A_48 = arith.constant 0 : index
    %get3A_49 = arith.constant 0 : index
    %get3A_50 = vector.load %arg16[%get3A_48, %get3A_49] : memref<128x128xf32, #tpu.memory_space<vmem>>, vector<128x128xf32>
    %add3A_51 = arith.addf %get3A_50, %dot_general3A_45 : vector<128x128xf32>
    %swap3A_52 = arith.constant 0 : index
    %swap3A_53 = arith.constant 0 : index
    %swap3A_54 = vector.load %arg16[%swap3A_52, %swap3A_53] : memref<128x128xf32, #tpu.memory_space<vmem>>, vector<128x128xf32>
    tpu.vector_store %arg16[%swap3A_52, %swap3A_53], %add3A_51 {strides = array<i32>} : memref<128x128xf32, #tpu.memory_space<vmem>>, vector<128x128xf32>,
    %eq3A_55 = arith.constant 4 : i32
    %eq3A_56 = arith.cmpi eq, %arg0, %eq3A_55 : i32
    %convert_element_type3A_57 = arith.extui %eq3A_56 : i1 to i32
    %cond3A_58 = arith.constant 0 : i32
    %cond3A_59 = arith.cmpi ne, %convert_element_type3A_57, %cond3A_58 : i32
    scf.if %cond3A_59 {
      %get3A_60 = arith.constant 0 : index
      %get3A_61 = arith.constant 0 : index
      %get3A_62 = vector.load %arg16[%get3A_60, %get3A_61] : memref<128x128xf32, #tpu.memory_space<vmem>>, vector<128x128xf32>
      %get3A_63 = arith.constant 0 : index
      %get3A_64 = arith.constant 0 : index
      %get3A_65 = vector.load %arg8[%get3A_63, %get3A_64] : memref<128x128xf32, #tpu.memory_space<vmem>>, vector<128x128xf32>
      %add3A_66 = arith.addf %get3A_62, %get3A_65 : vector<128x128xf32>
      %get3A_67 = arith.constant 0 : index
      %get3A_68 = arith.constant 0 : index
      %get3A_69 = vector.load %arg9[%get3A_67, %get3A_68] : memref<128x256xf32, #tpu.memory_space<vmem>>, vector<128x256xf32>
      %dot_general3A_70 = arith.constant dense<0.000000e+00> : vector<128x256xf32>
      %dot_general3A_71 = tpu.matmul %add3A_66, %get3A_69, %dot_general3A_70 {dimension_numbers = #tpu.dot_dimension_numbers<[1], [0], [0], [1], [0, 0, 1, 1], [], []>, transpose_lhs_hint = false} : vector<128x128xf32>, vector<128x256xf32>, vector<128x256xf32> -> vector<128x256xf32>
      %get3A_72 = arith.constant 0 : index
      %get3A_73 = arith.constant 0 : index
      %get3A_74 = vector.load %arg10[%get3A_72, %get3A_73] : memref<1x256xf32, #tpu.memory_space<vmem>>, vector<1x256xf32>
      %add3A_75 = vector.broadcast %get3A_74 : vector<1x256xf32> to vector<128x256xf32>
      %add3A_76 = arith.addf %dot_general3A_71, %add3A_75 : vector<128x256xf32>
      %max3A_77 = arith.constant 0.000000e+00 : f32
      %max3A_78 = vector.broadcast %max3A_77 : f32 to vector<128x256xf32>
      %max3A_79 = arith.maximumf %add3A_76, %max3A_78 : vector<128x256xf32>
      %get3A_80 = arith.constant 0 : index
      %get3A_81 = arith.constant 0 : index
      %get3A_82 = vector.load %arg8[%get3A_80, %get3A_81] : memref<128x128xf32, #tpu.memory_space<vmem>>, vector<128x128xf32>
      %get3A_83 = arith.constant 0 : index
      %get3A_84 = arith.constant 0 : index
      %get3A_85 = vector.load %arg11[%get3A_83, %get3A_84] : memref<256x128xf32, #tpu.memory_space<vmem>>, vector<256x128xf32>
      %dot_general3A_86 = arith.constant dense<0.000000e+00> : vector<128x128xf32>
      %dot_general3A_87 = tpu.matmul %max3A_79, %get3A_85, %dot_general3A_86 {dimension_numbers = #tpu.dot_dimension_numbers<[1], [0], [0], [1], [0, 0, 1, 1], [], []>, transpose_lhs_hint = false} : vector<128x256xf32>, vector<256x128xf32>, vector<128x128xf32> -> vector<128x128xf32>
      %get3A_88 = arith.constant 0 : index
      %get3A_89 = arith.constant 0 : index
      %get3A_90 = vector.load %arg12[%get3A_88, %get3A_89] : memref<1x128xf32, #tpu.memory_space<vmem>>, vector<1x128xf32>
      %add3A_91 = vector.broadcast %get3A_90 : vector<1x128xf32> to vector<128x128xf32>
      %add3A_92 = arith.addf %dot_general3A_87, %add3A_91 : vector<128x128xf32>
      %max3A_93 = arith.constant 0.000000e+00 : f32
      %max3A_94 = vector.broadcast %max3A_93 : f32 to vector<128x128xf32>
      %max3A_95 = arith.maximumf %add3A_92, %max3A_94 : vector<128x128xf32>
      %add3A_96 = arith.addf %get3A_82, %max3A_95 : vector<128x128xf32>
      %swap3A_97 = arith.constant 0 : index
      %swap3A_98 = arith.constant 0 : index
      %swap3A_99 = vector.load %arg15[%swap3A_97, %swap3A_98] : memref<128x128xf32, #tpu.memory_space<vmem>>, vector<128x128xf32>
      tpu.vector_store %arg15[%swap3A_97, %swap3A_98], %add3A_96 {strides = array<i32>} : memref<128x128xf32, #tpu.memory_space<vmem>>, vector<128x128xf32>,
    } else {
    }
    return
  }
  func.func @transform_0(%arg0: i32) -> (i32, i32) {
    %c0_i32 = arith.constant 0 : i32
    %c0_i32_0 = arith.constant 0 : i32
    return %arg0, %c0_i32 : i32, i32
  }
  func.func @transform_1(%arg0: i32) -> (i32, i32) {
    %c0_i32 = arith.constant 0 : i32
    %c0_i32_0 = arith.constant 0 : i32
    %c0_i32_1 = arith.constant 0 : i32
    return %c0_i32, %c0_i32_0 : i32, i32
  }
  func.func @transform_2(%arg0: i32) -> (i32, i32) {
    %c0_i32 = arith.constant 0 : i32
    %c0_i32_0 = arith.constant 0 : i32
    return %arg0, %c0_i32 : i32, i32
  }
  func.func @transform_3(%arg0: i32) -> (i32, i32) {
    %c0_i32 = arith.constant 0 : i32
    %c0_i32_0 = arith.constant 0 : i32
    return %arg0, %c0_i32 : i32, i32
  }
  func.func @transform_4(%arg0: i32) -> (i32, i32) {
    %c0_i32 = arith.constant 0 : i32
    %c0_i32_0 = arith.constant 0 : i32
    return %arg0, %c0_i32 : i32, i32
  }
  func.func @transform_5(%arg0: i32) -> (i32, i32) {
    %c0_i32 = arith.constant 0 : i32
    %c0_i32_0 = arith.constant 0 : i32
    %c0_i32_1 = arith.constant 0 : i32
    return %c0_i32, %c0_i32_0 : i32, i32
  }
  func.func @transform_6(%arg0: i32) -> (i32, i32) {
    %c0_i32 = arith.constant 0 : i32
    %c0_i32_0 = arith.constant 0 : i32
    %c0_i32_1 = arith.constant 0 : i32
    return %c0_i32, %c0_i32_0 : i32, i32
  }
  func.func @transform_7(%arg0: i32) -> (i32, i32) {
    %c0_i32 = arith.constant 0 : i32
    %c0_i32_0 = arith.constant 0 : i32
    %c0_i32_1 = arith.constant 0 : i32
    return %c0_i32, %c0_i32_0 : i32, i32
  }
  func.func @transform_8(%arg0: i32) -> (i32, i32) {
    %c0_i32 = arith.constant 0 : i32
    %c0_i32_0 = arith.constant 0 : i32
    %c0_i32_1 = arith.constant 0 : i32
    return %c0_i32, %c0_i32_0 : i32, i32
  }
  func.func @transform_9(%arg0: i32) -> (i32, i32) {
    %c0_i32 = arith.constant 0 : i32
    %c0_i32_0 = arith.constant 0 : i32
    %c0_i32_1 = arith.constant 0 : i32
    return %c0_i32, %c0_i32_0 : i32, i32
  }
  func.func @transform_10(%arg0: i32) -> (i32, i32) {
    %c0_i32 = arith.constant 0 : i32
    %c0_i32_0 = arith.constant 0 : i32
    %c0_i32_1 = arith.constant 0 : i32
    return %c0_i32, %c0_i32_0 : i32, i32
  }
  func.func @transform_11(%arg0: i32) -> (i32, i32) {
    %c0_i32 = arith.constant 0 : i32
    %c0_i32_0 = arith.constant 0 : i32
    %c0_i32_1 = arith.constant 0 : i32
    return %c0_i32, %c0_i32_0 : i32, i32
  }
  func.func @transform_12(%arg0: i32) -> (i32, i32) {
    %c0_i32 = arith.constant 0 : i32
    %c0_i32_0 = arith.constant 0 : i32
    return %arg0, %c0_i32 : i32, i32
  }
  func.func @transform_13(%arg0: i32) -> (i32, i32) {
    %c0_i32 = arith.constant 0 : i32
    %c0_i32_0 = arith.constant 0 : i32
    return %arg0, %c0_i32 : i32, i32
  }
  func.func @transform_14(%arg0: i32) -> (i32, i32) {
    %c0_i32 = arith.constant 0 : i32
    %c0_i32_0 = arith.constant 0 : i32
    %c0_i32_1 = arith.constant 0 : i32
    return %c0_i32, %c0_i32_0 : i32, i32
  }
}

module attributes {stable_mosaic.version = 14 : i64} {
  func.func @_next_body(%arg0: i32, %arg1: memref<2000x128xf32, #tpu.memory_space<vmem>>, %arg2: memref<2000x128xf32, #tpu.memory_space<vmem>>, %arg3: memref<128x128xf32, #tpu.memory_space<vmem>>, %arg4: memref<2000x128xf32, #tpu.memory_space<vmem>>) attributes {dimension_semantics = [#tpu.dimension_semantics<arbitrary>], iteration_bounds = array<i64: 5>, scalar_prefetch = 0 : i64, scratch_operands = 0 : i64, tpu.core_type = #tpu.core_type<tc>, window_params = [{transform_indices = @transform_0, window_bounds = array<i64: 2000, 128>}, {transform_indices = @transform_1, window_bounds = array<i64: 2000, 128>}, {pipeline_mode = #tpu.pipeline_mode<synchronous>, transform_indices = @transform_2, window_bounds = array<i64: 128, 128>}, {transform_indices = @transform_3, window_bounds = array<i64: 2000, 128>}]} {
    %get3A = arith.constant 0 : index
    %get3A_0 = arith.constant 0 : index
    %get3A_1 = vector.load %arg1[%get3A, %get3A_0] : memref<2000x128xf32, #tpu.memory_space<vmem>>, vector<2000x128xf32>
    %get3A_2 = arith.constant 0 : index
    %get3A_3 = arith.constant 0 : index
    %get3A_4 = vector.load %arg2[%get3A_2, %get3A_3] : memref<2000x128xf32, #tpu.memory_space<vmem>>, vector<2000x128xf32>
    %get3A_5 = arith.constant 0 : index
    %get3A_6 = arith.constant 0 : index
    %get3A_7 = vector.load %arg3[%get3A_5, %get3A_6] : memref<128x128xf32, #tpu.memory_space<vmem>>, vector<128x128xf32>
    %dot_general3A = arith.constant dense<0.000000e+00> : vector<2000x128xf32>
    %dot_general3A_8 = tpu.matmul %get3A_4, %get3A_7, %dot_general3A {dimension_numbers = #tpu.dot_dimension_numbers<[1], [0], [0], [1], [0, 0, 1, 1], [], []>, precision = #tpu.contract_precision<fp32>, transpose_lhs_hint = false} : vector<2000x128xf32>, vector<128x128xf32>, vector<2000x128xf32> -> vector<2000x128xf32>
    %add3A = arith.addf %get3A_1, %dot_general3A_8 : vector<2000x128xf32>
    %swap3A = arith.constant 0 : index
    %swap3A_9 = arith.constant 0 : index
    %swap3A_10 = vector.load %arg4[%swap3A, %swap3A_9] : memref<2000x128xf32, #tpu.memory_space<vmem>>, vector<2000x128xf32>
    tpu.vector_store %arg4[%swap3A, %swap3A_9], %add3A {strides = array<i32>} : memref<2000x128xf32, #tpu.memory_space<vmem>>, vector<2000x128xf32>,
    return
  }
  func.func @transform_0(%arg0: i32) -> (i32, i32) {
    %c0_i32 = arith.constant 0 : i32
    %c0_i32_0 = arith.constant 0 : i32
    return %arg0, %c0_i32 : i32, i32
  }
  func.func @transform_1(%arg0: i32) -> (i32, i32) {
    %c0_i32 = arith.constant 0 : i32
    %c0_i32_0 = arith.constant 0 : i32
    return %arg0, %c0_i32 : i32, i32
  }
  func.func @transform_2(%arg0: i32) -> (i32, i32) {
    %c0_i32 = arith.constant 0 : i32
    %c0_i32_0 = arith.constant 0 : i32
    %c0_i32_1 = arith.constant 0 : i32
    return %c0_i32, %c0_i32_0 : i32, i32
  }
  func.func @transform_3(%arg0: i32) -> (i32, i32) {
    %c0_i32 = arith.constant 0 : i32
    %c0_i32_0 = arith.constant 0 : i32
    return %arg0, %c0_i32 : i32, i32
  }
}

module attributes {stable_mosaic.version = 14 : i64} {
  func.func @_post_body(%arg0: i32, %arg1: memref<2000x128xf32, #tpu.memory_space<vmem>>, %arg2: memref<8x128xf32, #tpu.memory_space<vmem>>, %arg3: memref<2000x128xf32, #tpu.memory_space<vmem>>, %arg4: memref<2000x128xf32, #tpu.memory_space<vmem>>, %arg5: memref<2000x128xf32, #tpu.memory_space<vmem>>, %arg6: memref<1x128xf32, #tpu.memory_space<vmem>>, %arg7: memref<1x128xf32, #tpu.memory_space<vmem>>, %arg8: memref<128x128xf32, #tpu.memory_space<vmem>>, %arg9: memref<128x256xf32, #tpu.memory_space<vmem>>, %arg10: memref<1x256xf32, #tpu.memory_space<vmem>>, %arg11: memref<256x128xf32, #tpu.memory_space<vmem>>, %arg12: memref<1x128xf32, #tpu.memory_space<vmem>>, %arg13: memref<2000x128xf32, #tpu.memory_space<vmem>>, %arg14: memref<2000x128xf32, #tpu.memory_space<vmem>>, %arg15: memref<128x128xf32, #tpu.memory_space<vmem>>, %arg16: memref<128x128xf32, #tpu.memory_space<vmem>>) attributes {dimension_semantics = [#tpu.dimension_semantics<arbitrary>], iteration_bounds = array<i64: 5>, scalar_prefetch = 0 : i64, scratch_operands = 1 : i64, tpu.core_type = #tpu.core_type<tc>, window_params = [{transform_indices = @transform_0, window_bounds = array<i64: 2000, 128>}, {pipeline_mode = #tpu.pipeline_mode<synchronous>, transform_indices = @transform_1, window_bounds = array<i64: 8, 128>}, {transform_indices = @transform_2, window_bounds = array<i64: 2000, 128>}, {transform_indices = @transform_3, window_bounds = array<i64: 2000, 128>}, {transform_indices = @transform_4, window_bounds = array<i64: 2000, 128>}, {pipeline_mode = #tpu.pipeline_mode<synchronous>, transform_indices = @transform_5, window_bounds = array<i64: 1, 128>}, {pipeline_mode = #tpu.pipeline_mode<synchronous>, transform_indices = @transform_6, window_bounds = array<i64: 1, 128>}, {pipeline_mode = #tpu.pipeline_mode<synchronous>, transform_indices = @transform_7, window_bounds = array<i64: 128, 128>}, {pipeline_mode = #tpu.pipeline_mode<synchronous>, transform_indices = @transform_8, window_bounds = array<i64: 128, 256>}, {pipeline_mode = #tpu.pipeline_mode<synchronous>, transform_indices = @transform_9, window_bounds = array<i64: 1, 256>}, {pipeline_mode = #tpu.pipeline_mode<synchronous>, transform_indices = @transform_10, window_bounds = array<i64: 256, 128>}, {pipeline_mode = #tpu.pipeline_mode<synchronous>, transform_indices = @transform_11, window_bounds = array<i64: 1, 128>}, {transform_indices = @transform_12, window_bounds = array<i64: 2000, 128>}, {transform_indices = @transform_13, window_bounds = array<i64: 2000, 128>}, {pipeline_mode = #tpu.pipeline_mode<synchronous>, transform_indices = @transform_14, window_bounds = array<i64: 128, 128>}]} {
    %get3A = arith.constant 0 : index
    %get3A_0 = arith.constant 0 : index
    %get3A_1 = vector.load %arg2[%get3A, %get3A_0] : memref<8x128xf32, #tpu.memory_space<vmem>>, vector<1x128xf32>
    %mul3A = arith.constant 9.99999974E-5 : f32
    %mul3A_2 = vector.broadcast %mul3A : f32 to vector<1x128xf32>
    %mul3A_3 = arith.mulf %get3A_1, %mul3A_2 : vector<1x128xf32>
    %get3A_4 = arith.constant 1 : index
    %get3A_5 = arith.constant 0 : index
    %get3A_6 = vector.load %arg2[%get3A_4, %get3A_5] : memref<8x128xf32, #tpu.memory_space<vmem>>, vector<1x128xf32>
    %mul3A_7 = arith.constant 9.99999974E-5 : f32
    %mul3A_8 = vector.broadcast %mul3A_7 : f32 to vector<1x128xf32>
    %mul3A_9 = arith.mulf %get3A_6, %mul3A_8 : vector<1x128xf32>
    %get3A_10 = arith.constant 0 : index
    %get3A_11 = arith.constant 0 : index
    %get3A_12 = vector.load %arg6[%get3A_10, %get3A_11] : memref<1x128xf32, #tpu.memory_space<vmem>>, vector<1x128xf32>
    %get3A_13 = arith.constant 0 : index
    %get3A_14 = arith.constant 0 : index
    %get3A_15 = vector.load %arg1[%get3A_13, %get3A_14] : memref<2000x128xf32, #tpu.memory_space<vmem>>, vector<2000x128xf32>
    %sub3A = vector.broadcast %mul3A_3 : vector<1x128xf32> to vector<2000x128xf32>
    %sub3A_16 = arith.subf %get3A_15, %sub3A : vector<2000x128xf32>
    %mul3A_17 = vector.broadcast %get3A_12 : vector<1x128xf32> to vector<2000x128xf32>
    %mul3A_18 = arith.mulf %mul3A_17, %sub3A_16 : vector<2000x128xf32>
    %add3A = arith.constant 9.99999974E-6 : f32
    %add3A_19 = vector.broadcast %add3A : f32 to vector<1x128xf32>
    %add3A_20 = arith.addf %mul3A_9, %add3A_19 : vector<1x128xf32>
    %sqrt3A = math.sqrt %add3A_20 : vector<1x128xf32>
    %div3A = vector.broadcast %sqrt3A : vector<1x128xf32> to vector<2000x128xf32>
    %div3A_21 = arith.divf %mul3A_18, %div3A : vector<2000x128xf32>
    %get3A_22 = arith.constant 0 : index
    %get3A_23 = arith.constant 0 : index
    %get3A_24 = vector.load %arg7[%get3A_22, %get3A_23] : memref<1x128xf32, #tpu.memory_space<vmem>>, vector<1x128xf32>
    %add3A_25 = vector.broadcast %get3A_24 : vector<1x128xf32> to vector<2000x128xf32>
    %add3A_26 = arith.addf %div3A_21, %add3A_25 : vector<2000x128xf32>
    %get3A_27 = arith.constant 0 : index
    %get3A_28 = arith.constant 0 : index
    %get3A_29 = vector.load %arg3[%get3A_27, %get3A_28] : memref<2000x128xf32, #tpu.memory_space<vmem>>, vector<2000x128xf32>
    %add3A_30 = arith.addf %add3A_26, %get3A_29 : vector<2000x128xf32>
    %swap3A = arith.constant 0 : index
    %swap3A_31 = arith.constant 0 : index
    %swap3A_32 = vector.load %arg13[%swap3A, %swap3A_31] : memref<2000x128xf32, #tpu.memory_space<vmem>>, vector<2000x128xf32>
    tpu.vector_store %arg13[%swap3A, %swap3A_31], %add3A_30 {strides = array<i32>} : memref<2000x128xf32, #tpu.memory_space<vmem>>, vector<2000x128xf32>,
    %get3A_33 = arith.constant 0 : index
    %get3A_34 = arith.constant 0 : index
    %get3A_35 = vector.load %arg4[%get3A_33, %get3A_34] : memref<2000x128xf32, #tpu.memory_space<vmem>>, vector<2000x128xf32>
    %add3A_36 = arith.addf %get3A_35, %add3A_30 : vector<2000x128xf32>
    %swap3A_37 = arith.constant 0 : index
    %swap3A_38 = arith.constant 0 : index
    %swap3A_39 = vector.load %arg14[%swap3A_37, %swap3A_38] : memref<2000x128xf32, #tpu.memory_space<vmem>>, vector<2000x128xf32>
    tpu.vector_store %arg14[%swap3A_37, %swap3A_38], %add3A_36 {strides = array<i32>} : memref<2000x128xf32, #tpu.memory_space<vmem>>, vector<2000x128xf32>,
    %get3A_40 = arith.constant 0 : index
    %get3A_41 = arith.constant 0 : index
    %get3A_42 = vector.load %arg5[%get3A_40, %get3A_41] : memref<2000x128xf32, #tpu.memory_space<vmem>>, vector<2000x128xf32>
    %dot_general3A = arith.constant dense<0.000000e+00> : vector<128x128xf32>
    %dot_general3A_43 = tpu.matmul %get3A_42, %add3A_30, %dot_general3A {dimension_numbers = #tpu.dot_dimension_numbers<[0], [0], [1], [1], [0, 1, 1, 1], [], []>, precision = #tpu.contract_precision<fp32>, transpose_lhs_hint = false} : vector<2000x128xf32>, vector<2000x128xf32>, vector<128x128xf32> -> vector<128x128xf32>
    %eq3A = arith.constant 0 : i32
    %eq3A_44 = arith.cmpi eq, %arg0, %eq3A : i32
    %convert_element_type3A = arith.extui %eq3A_44 : i1 to i32
    %cond3A = arith.constant 0 : i32
    %cond3A_45 = arith.cmpi ne, %convert_element_type3A, %cond3A : i32
    scf.if %cond3A_45 {
      %broadcast_in_dim3A = arith.constant 0.000000e+00 : f32
      %broadcast_in_dim3A_58 = vector.broadcast %broadcast_in_dim3A : f32 to vector<128x128xf32>
      %swap3A_59 = arith.constant 0 : index
      %swap3A_60 = arith.constant 0 : index
      %swap3A_61 = vector.load %arg16[%swap3A_59, %swap3A_60] : memref<128x128xf32, #tpu.memory_space<vmem>>, vector<128x128xf32>
      tpu.vector_store %arg16[%swap3A_59, %swap3A_60], %broadcast_in_dim3A_58 {strides = array<i32>} : memref<128x128xf32, #tpu.memory_space<vmem>>, vector<128x128xf32>,
      %broadcast_in_dim3A_62 = arith.constant 0.000000e+00 : f32
      %broadcast_in_dim3A_63 = vector.broadcast %broadcast_in_dim3A_62 : f32 to vector<128x128xf32>
      %swap3A_64 = arith.constant 0 : index
      %swap3A_65 = arith.constant 0 : index
      %swap3A_66 = vector.load %arg15[%swap3A_64, %swap3A_65] : memref<128x128xf32, #tpu.memory_space<vmem>>, vector<128x128xf32>
      tpu.vector_store %arg15[%swap3A_64, %swap3A_65], %broadcast_in_dim3A_63 {strides = array<i32>} : memref<128x128xf32, #tpu.memory_space<vmem>>, vector<128x128xf32>,
    } else {
    }
    %get3A_46 = arith.constant 0 : index
    %get3A_47 = arith.constant 0 : index
    %get3A_48 = vector.load %arg16[%get3A_46, %get3A_47] : memref<128x128xf32, #tpu.memory_space<vmem>>, vector<128x128xf32>
    %add3A_49 = arith.addf %get3A_48, %dot_general3A_43 : vector<128x128xf32>
    %swap3A_50 = arith.constant 0 : index
    %swap3A_51 = arith.constant 0 : index
    %swap3A_52 = vector.load %arg16[%swap3A_50, %swap3A_51] : memref<128x128xf32, #tpu.memory_space<vmem>>, vector<128x128xf32>
    tpu.vector_store %arg16[%swap3A_50, %swap3A_51], %add3A_49 {strides = array<i32>} : memref<128x128xf32, #tpu.memory_space<vmem>>, vector<128x128xf32>,
    %eq3A_53 = arith.constant 4 : i32
    %eq3A_54 = arith.cmpi eq, %arg0, %eq3A_53 : i32
    %convert_element_type3A_55 = arith.extui %eq3A_54 : i1 to i32
    %cond3A_56 = arith.constant 0 : i32
    %cond3A_57 = arith.cmpi ne, %convert_element_type3A_55, %cond3A_56 : i32
    scf.if %cond3A_57 {
      %get3A_58 = arith.constant 0 : index
      %get3A_59 = arith.constant 0 : index
      %get3A_60 = vector.load %arg16[%get3A_58, %get3A_59] : memref<128x128xf32, #tpu.memory_space<vmem>>, vector<128x128xf32>
      %get3A_61 = arith.constant 0 : index
      %get3A_62 = arith.constant 0 : index
      %get3A_63 = vector.load %arg8[%get3A_61, %get3A_62] : memref<128x128xf32, #tpu.memory_space<vmem>>, vector<128x128xf32>
      %add3A_64 = arith.addf %get3A_60, %get3A_63 : vector<128x128xf32>
      %get3A_65 = arith.constant 0 : index
      %get3A_66 = arith.constant 0 : index
      %get3A_67 = vector.load %arg9[%get3A_65, %get3A_66] : memref<128x256xf32, #tpu.memory_space<vmem>>, vector<128x256xf32>
      %dot_general3A_68 = arith.constant dense<0.000000e+00> : vector<128x256xf32>
      %dot_general3A_69 = tpu.matmul %add3A_64, %get3A_67, %dot_general3A_68 {dimension_numbers = #tpu.dot_dimension_numbers<[1], [0], [0], [1], [0, 0, 1, 1], [], []>, transpose_lhs_hint = false} : vector<128x128xf32>, vector<128x256xf32>, vector<128x256xf32> -> vector<128x256xf32>
      %get3A_70 = arith.constant 0 : index
      %get3A_71 = arith.constant 0 : index
      %get3A_72 = vector.load %arg10[%get3A_70, %get3A_71] : memref<1x256xf32, #tpu.memory_space<vmem>>, vector<1x256xf32>
      %add3A_73 = vector.broadcast %get3A_72 : vector<1x256xf32> to vector<128x256xf32>
      %add3A_74 = arith.addf %dot_general3A_69, %add3A_73 : vector<128x256xf32>
      %max3A = arith.constant 0.000000e+00 : f32
      %max3A_75 = vector.broadcast %max3A : f32 to vector<128x256xf32>
      %max3A_76 = arith.maximumf %add3A_74, %max3A_75 : vector<128x256xf32>
      %get3A_77 = arith.constant 0 : index
      %get3A_78 = arith.constant 0 : index
      %get3A_79 = vector.load %arg8[%get3A_77, %get3A_78] : memref<128x128xf32, #tpu.memory_space<vmem>>, vector<128x128xf32>
      %get3A_80 = arith.constant 0 : index
      %get3A_81 = arith.constant 0 : index
      %get3A_82 = vector.load %arg11[%get3A_80, %get3A_81] : memref<256x128xf32, #tpu.memory_space<vmem>>, vector<256x128xf32>
      %dot_general3A_83 = arith.constant dense<0.000000e+00> : vector<128x128xf32>
      %dot_general3A_84 = tpu.matmul %max3A_76, %get3A_82, %dot_general3A_83 {dimension_numbers = #tpu.dot_dimension_numbers<[1], [0], [0], [1], [0, 0, 1, 1], [], []>, transpose_lhs_hint = false} : vector<128x256xf32>, vector<256x128xf32>, vector<128x128xf32> -> vector<128x128xf32>
      %get3A_85 = arith.constant 0 : index
      %get3A_86 = arith.constant 0 : index
      %get3A_87 = vector.load %arg12[%get3A_85, %get3A_86] : memref<1x128xf32, #tpu.memory_space<vmem>>, vector<1x128xf32>
      %add3A_88 = vector.broadcast %get3A_87 : vector<1x128xf32> to vector<128x128xf32>
      %add3A_89 = arith.addf %dot_general3A_84, %add3A_88 : vector<128x128xf32>
      %max3A_90 = arith.constant 0.000000e+00 : f32
      %max3A_91 = vector.broadcast %max3A_90 : f32 to vector<128x128xf32>
      %max3A_92 = arith.maximumf %add3A_89, %max3A_91 : vector<128x128xf32>
      %add3A_93 = arith.addf %get3A_79, %max3A_92 : vector<128x128xf32>
      %swap3A_94 = arith.constant 0 : index
      %swap3A_95 = arith.constant 0 : index
      %swap3A_96 = vector.load %arg15[%swap3A_94, %swap3A_95] : memref<128x128xf32, #tpu.memory_space<vmem>>, vector<128x128xf32>
      tpu.vector_store %arg15[%swap3A_94, %swap3A_95], %add3A_93 {strides = array<i32>} : memref<128x128xf32, #tpu.memory_space<vmem>>, vector<128x128xf32>,
    } else {
    }
    return
  }
  func.func @transform_0(%arg0: i32) -> (i32, i32) {
    %c0_i32 = arith.constant 0 : i32
    %c0_i32_0 = arith.constant 0 : i32
    return %arg0, %c0_i32 : i32, i32
  }
  func.func @transform_1(%arg0: i32) -> (i32, i32) {
    %c0_i32 = arith.constant 0 : i32
    %c0_i32_0 = arith.constant 0 : i32
    %c0_i32_1 = arith.constant 0 : i32
    return %c0_i32, %c0_i32_0 : i32, i32
  }
  func.func @transform_2(%arg0: i32) -> (i32, i32) {
    %c0_i32 = arith.constant 0 : i32
    %c0_i32_0 = arith.constant 0 : i32
    return %arg0, %c0_i32 : i32, i32
  }
  func.func @transform_3(%arg0: i32) -> (i32, i32) {
    %c0_i32 = arith.constant 0 : i32
    %c0_i32_0 = arith.constant 0 : i32
    return %arg0, %c0_i32 : i32, i32
  }
  func.func @transform_4(%arg0: i32) -> (i32, i32) {
    %c0_i32 = arith.constant 0 : i32
    %c0_i32_0 = arith.constant 0 : i32
    return %arg0, %c0_i32 : i32, i32
  }
  func.func @transform_5(%arg0: i32) -> (i32, i32) {
    %c0_i32 = arith.constant 0 : i32
    %c0_i32_0 = arith.constant 0 : i32
    %c0_i32_1 = arith.constant 0 : i32
    return %c0_i32, %c0_i32_0 : i32, i32
  }
  func.func @transform_6(%arg0: i32) -> (i32, i32) {
    %c0_i32 = arith.constant 0 : i32
    %c0_i32_0 = arith.constant 0 : i32
    %c0_i32_1 = arith.constant 0 : i32
    return %c0_i32, %c0_i32_0 : i32, i32
  }
  func.func @transform_7(%arg0: i32) -> (i32, i32) {
    %c0_i32 = arith.constant 0 : i32
    %c0_i32_0 = arith.constant 0 : i32
    %c0_i32_1 = arith.constant 0 : i32
    return %c0_i32, %c0_i32_0 : i32, i32
  }
  func.func @transform_8(%arg0: i32) -> (i32, i32) {
    %c0_i32 = arith.constant 0 : i32
    %c0_i32_0 = arith.constant 0 : i32
    %c0_i32_1 = arith.constant 0 : i32
    return %c0_i32, %c0_i32_0 : i32, i32
  }
  func.func @transform_9(%arg0: i32) -> (i32, i32) {
    %c0_i32 = arith.constant 0 : i32
    %c0_i32_0 = arith.constant 0 : i32
    %c0_i32_1 = arith.constant 0 : i32
    return %c0_i32, %c0_i32_0 : i32, i32
  }
  func.func @transform_10(%arg0: i32) -> (i32, i32) {
    %c0_i32 = arith.constant 0 : i32
    %c0_i32_0 = arith.constant 0 : i32
    %c0_i32_1 = arith.constant 0 : i32
    return %c0_i32, %c0_i32_0 : i32, i32
  }
  func.func @transform_11(%arg0: i32) -> (i32, i32) {
    %c0_i32 = arith.constant 0 : i32
    %c0_i32_0 = arith.constant 0 : i32
    %c0_i32_1 = arith.constant 0 : i32
    return %c0_i32, %c0_i32_0 : i32, i32
  }
  func.func @transform_12(%arg0: i32) -> (i32, i32) {
    %c0_i32 = arith.constant 0 : i32
    %c0_i32_0 = arith.constant 0 : i32
    return %arg0, %c0_i32 : i32, i32
  }
  func.func @transform_13(%arg0: i32) -> (i32, i32) {
    %c0_i32 = arith.constant 0 : i32
    %c0_i32_0 = arith.constant 0 : i32
    return %arg0, %c0_i32 : i32, i32
  }
  func.func @transform_14(%arg0: i32) -> (i32, i32) {
    %c0_i32 = arith.constant 0 : i32
    %c0_i32_0 = arith.constant 0 : i32
    %c0_i32_1 = arith.constant 0 : i32
    return %c0_i32, %c0_i32_0 : i32, i32
  }
}

module attributes {stable_mosaic.version = 14 : i64} {
  func.func @_head_body(%arg0: i32, %arg1: memref<2000x128xf32, #tpu.memory_space<vmem>>, %arg2: memref<128x512xf32, #tpu.memory_space<vmem>>, %arg3: memref<1x512xf32, #tpu.memory_space<vmem>>, %arg4: memref<512x128xf32, #tpu.memory_space<vmem>>, %arg5: memref<1x128xf32, #tpu.memory_space<vmem>>, %arg6: memref<2000x128xf32, #tpu.memory_space<vmem>>) attributes {dimension_semantics = [#tpu.dimension_semantics<arbitrary>], iteration_bounds = array<i64: 5>, scalar_prefetch = 0 : i64, scratch_operands = 0 : i64, tpu.core_type = #tpu.core_type<tc>, window_params = [{transform_indices = @transform_0, window_bounds = array<i64: 2000, 128>}, {pipeline_mode = #tpu.pipeline_mode<synchronous>, transform_indices = @transform_1, window_bounds = array<i64: 128, 512>}, {pipeline_mode = #tpu.pipeline_mode<synchronous>, transform_indices = @transform_2, window_bounds = array<i64: 1, 512>}, {pipeline_mode = #tpu.pipeline_mode<synchronous>, transform_indices = @transform_3, window_bounds = array<i64: 512, 128>}, {pipeline_mode = #tpu.pipeline_mode<synchronous>, transform_indices = @transform_4, window_bounds = array<i64: 1, 128>}, {transform_indices = @transform_5, window_bounds = array<i64: 2000, 128>}]} {
    %get3A = arith.constant 0 : index
    %get3A_0 = arith.constant 0 : index
    %get3A_1 = vector.load %arg1[%get3A, %get3A_0] : memref<2000x128xf32, #tpu.memory_space<vmem>>, vector<2000x128xf32>
    %get3A_2 = arith.constant 0 : index
    %get3A_3 = arith.constant 0 : index
    %get3A_4 = vector.load %arg2[%get3A_2, %get3A_3] : memref<128x512xf32, #tpu.memory_space<vmem>>, vector<128x512xf32>
    %dot_general3A = arith.constant dense<0.000000e+00> : vector<2000x512xf32>
    %dot_general3A_5 = tpu.matmul %get3A_1, %get3A_4, %dot_general3A {dimension_numbers = #tpu.dot_dimension_numbers<[1], [0], [0], [1], [0, 0, 1, 1], [], []>, precision = #tpu.contract_precision<fp32>, transpose_lhs_hint = false} : vector<2000x128xf32>, vector<128x512xf32>, vector<2000x512xf32> -> vector<2000x512xf32>
    %get3A_6 = arith.constant 0 : index
    %get3A_7 = arith.constant 0 : index
    %get3A_8 = vector.load %arg3[%get3A_6, %get3A_7] : memref<1x512xf32, #tpu.memory_space<vmem>>, vector<1x512xf32>
    %add3A = vector.broadcast %get3A_8 : vector<1x512xf32> to vector<2000x512xf32>
    %add3A_9 = arith.addf %dot_general3A_5, %add3A : vector<2000x512xf32>
    %gt3A = arith.constant 0.000000e+00 : f32
    %gt3A_10 = vector.broadcast %gt3A : f32 to vector<2000x512xf32>
    %gt3A_11 = arith.cmpf ogt, %add3A_9, %gt3A_10 : vector<2000x512xf32>
    %mul3A = arith.constant 1.000000e-01 : f32
    %mul3A_12 = vector.broadcast %mul3A : f32 to vector<2000x512xf32>
    %mul3A_13 = arith.mulf %mul3A_12, %add3A_9 : vector<2000x512xf32>
    %select_n3A = arith.select %gt3A_11, %add3A_9, %mul3A_13 : vector<2000x512xi1>, vector<2000x512xf32>
    %get3A_14 = arith.constant 0 : index
    %get3A_15 = arith.constant 0 : index
    %get3A_16 = vector.load %arg4[%get3A_14, %get3A_15] : memref<512x128xf32, #tpu.memory_space<vmem>>, vector<512x128xf32>
    %dot_general3A_17 = arith.constant dense<0.000000e+00> : vector<2000x128xf32>
    %dot_general3A_18 = tpu.matmul %select_n3A, %get3A_16, %dot_general3A_17 {dimension_numbers = #tpu.dot_dimension_numbers<[1], [0], [0], [1], [0, 0, 1, 1], [], []>, transpose_lhs_hint = false} : vector<2000x512xf32>, vector<512x128xf32>, vector<2000x128xf32> -> vector<2000x128xf32>
    %get3A_19 = arith.constant 0 : index
    %get3A_20 = arith.constant 0 : index
    %get3A_21 = vector.load %arg5[%get3A_19, %get3A_20] : memref<1x128xf32, #tpu.memory_space<vmem>>, vector<1x128xf32>
    %add3A_22 = vector.broadcast %get3A_21 : vector<1x128xf32> to vector<2000x128xf32>
    %add3A_23 = arith.addf %dot_general3A_18, %add3A_22 : vector<2000x128xf32>
    %swap3A = arith.constant 0 : index
    %swap3A_24 = arith.constant 0 : index
    %swap3A_25 = vector.load %arg6[%swap3A, %swap3A_24] : memref<2000x128xf32, #tpu.memory_space<vmem>>, vector<2000x128xf32>
    tpu.vector_store %arg6[%swap3A, %swap3A_24], %add3A_23 {strides = array<i32>} : memref<2000x128xf32, #tpu.memory_space<vmem>>, vector<2000x128xf32>,
    return
  }
  func.func @transform_0(%arg0: i32) -> (i32, i32) {
    %c0_i32 = arith.constant 0 : i32
    %c0_i32_0 = arith.constant 0 : i32
    return %arg0, %c0_i32 : i32, i32
  }
  func.func @transform_1(%arg0: i32) -> (i32, i32) {
    %c0_i32 = arith.constant 0 : i32
    %c0_i32_0 = arith.constant 0 : i32
    %c0_i32_1 = arith.constant 0 : i32
    return %c0_i32, %c0_i32_0 : i32, i32
  }
  func.func @transform_2(%arg0: i32) -> (i32, i32) {
    %c0_i32 = arith.constant 0 : i32
    %c0_i32_0 = arith.constant 0 : i32
    %c0_i32_1 = arith.constant 0 : i32
    return %c0_i32, %c0_i32_0 : i32, i32
  }
  func.func @transform_3(%arg0: i32) -> (i32, i32) {
    %c0_i32 = arith.constant 0 : i32
    %c0_i32_0 = arith.constant 0 : i32
    %c0_i32_1 = arith.constant 0 : i32
    return %c0_i32, %c0_i32_0 : i32, i32
  }
  func.func @transform_4(%arg0: i32) -> (i32, i32) {
    %c0_i32 = arith.constant 0 : i32
    %c0_i32_0 = arith.constant 0 : i32
    %c0_i32_1 = arith.constant 0 : i32
    return %c0_i32, %c0_i32_0 : i32, i32
  }
  func.func @transform_5(%arg0: i32) -> (i32, i32) {
    %c0_i32 = arith.constant 0 : i32
    %c0_i32_0 = arith.constant 0 : i32
    return %arg0, %c0_i32 : i32, i32
  }
}

</mosaic_0001>

<sc_bundles>
// kernel: kernel.33.cloned.1.call-start
scs
__scs_entry_jumppad:
0x0: {  	(pc) =	sbr.rel $0x88, $3  }
0x1: {  	(tag) =	ssettag $0x0;
	lr =	simm.s32 $0x1  }
0x2: {  	[smem:$0x3F89] =	sst lr;
	_ =	strace $0xD0000000  }
0x3: {  	_ = 	snop  }
0x4: {  	_ = 	snop  }
0x5: {  	_ = 	snop  }
0x6: {  	_ = 	snop  }
0x7: {  	_ = 	snop  }
__scs_overlays_trampoline_lowered:
0x8: {  	[smem:$0x3F98] =	sst s0  }
0x9: {  	[smem:$0x3F99] =	sst s1  }
0xa: {  	[smem:$0x3F9A] =	sst s2  }
0xb: {  	[smem:$0x3F9B] =	sst s3  }
0xc: {  	[smem:$0x3F9C] =	sst s4  }
0xd: {  	[smem:$0x3F9D] =	sst s5  }
0xe: {  	[smem:$0x3F9E] =	sst s6  }
0xf: {  	[smem:$0x3F9F] =	sst s7  }
0x10: {  	[smem:$0x3FA0] =	sst s8  }
0x11: {  	[smem:$0x3FA1] =	sst s9;
	s0 =	simm.s32 @!p0 $0x0  }
0x12: {  	s1 =	sld [smem:$0x3F87];
	s0 =	simm.s32 @p0 $0x1  }
0x13: {  	[smem:$0x3FA2] =	sst s0;
	s0 =	simm.s32 @!p1 $0x0  }
0x14: {  	s2 =	sld [smem:$0x3F86];
	s0 =	simm.s32 @p1 $0x1  }
0x15: {  	[smem:$0x3FA3] =	sst s0;
	s0 =	simm.s32 @!p2 $0x0  }
0x16: {  	s3 =	sld [smem:$0x3FDB];
	s0 =	simm.s32 @p2 $0x1  }
0x17: {  	s4 =	simm.s32 $0x1BF5;
	[smem:$0x3FA5] =	sst s0  }
0x18: {  	s0 =	sld [smem:$0x3F88];
	_ =	swait.ge [sflag:s4], $0x0  }
0x19: {  	s7 =	sld [smem:$0x3F89]  }
0x1a: {  	s8 =	sadd.s32 $0xFFFFE003, lr  }
0x1b: {  	s9 =	sadd.s32 $0xFFFFFEF7, lr;
	s5 =	simm.s32 $0xFFFFFFFF;
	p2 =	slt.u32 s8, $0xFFFFF086  }
0x1c: {  	p1 =	slt.u32 s9, $0xF7A;
	s5 =	simm.s32 @!p2 $0x0  }
0x1d: {  	s5 =	simm.s32 @p1 $0x1;
	p0 =	seq.s32 s7, s2  }
0x1e: {  	s7 =	smul.u32 @!p0 $0xF7A, s2;
	p2 =	seq.s32 @!p0 s5, $0x0  }
0x1f: {  	s9 =	smul.u32 $0xF7A, s1;
	s8 =	simm.s32 @!p0 $0x1BF5;
	p2 =	por !p2, p0  }
0x20: {  	[sflag:s8] =	ssyncset.s32 @!p0 $0xFFFFF086;
	s6 =	sadd.s32 @!p0 s3, s7;
	s7 =	simm.s32 @!p0 $0x108  }
0x21: {  	s3 =	sadd.s32 s3, s9;
	s6 =	sadd.s32 @!p0 $0x88, s6;
	s7 =	simm.s32 @p2 $0x1082  }
0x22: {  	[simem:s7], [sflag:s8] =	dma.local @!p0 [hbm:s6], $0xF7A  }
0x23: {  	s9 =	sor.u32 $0xD0000000, s2;
	s6 =	simm.s32 $0x108;
	_ =	swait.ge @!p0 [sflag:s8], $0x0  }
0x24: {  	s3 =	sadd.s32 $0x88, s3;
	s6 =	simm.s32 @!p1 $0x1082;
	[sflag:s4] =	ssyncset.s32 $0xFFFFF086  }
0x25: {  	[simem:s6], [sflag:s4] =	dma.local [hbm:s3], $0xF7A  }
0x26: {  	[smem:$0x3F89] =	sst s1;
	(tag) =	ssettag s2;
	_ =	strace s9  }
0x27: {  	s1 =	sld [smem:$0x3F99]  }
0x28: {  	s2 =	sld [smem:$0x3F9A]  }
0x29: {  	s4 =	sld [smem:$0x3F9C]  }
0x2a: {  	p0 =	seq.s32 s5, $0x0;
	s5 =	sld [smem:$0x3F9D]  }
0x2b: {  	s6 =	sld [smem:$0x3F9E]  }
0x2c: {  	s7 =	sld [smem:$0x3F9F]  }
0x2d: {  	s3 =	simm.s32 $0x108;
	s8 =	sld [smem:$0x3FA0]  }
0x2e: {  	s3 =	simm.s32 @!p0 $0x1082;
	s9 =	sld [smem:$0x3FA1]  }
0x2f: {  	lr =	sadd.s32 s0, s3;
	s0 =	sld [smem:$0x3F98]  }
0x30: {  	s3 =	sld [smem:$0x3F9B]  }
0x31: {  	[smem:$0x3FA4] =	sst s10  }
0x32: {  	s10 =	sld [smem:$0x3FA2];
	_ =	sdelay $0x3  }
0x33: {  	p0 =	seq.s32 s10, $0x1;
	s10 =	sld [smem:$0x3FA4];
	_ =	sdelay $0x3  }
0x34: {  	[smem:$0x3FA4] =	sst s10  }
0x35: {  	s10 =	sld [smem:$0x3FA3];
	_ =	sdelay $0x3  }
0x36: {  	p1 =	seq.s32 s10, $0x1;
	s10 =	sld [smem:$0x3FA4];
	_ =	sdelay $0x3  }
0x37: {  	[smem:$0x3FA4] =	sst s10  }
0x38: {  	s10 =	sld [smem:$0x3FA5]  }
0x39: {  	_ = 	snop;
	(pc) =	sbr.ind lr, $3  }
0x3a: {  	_ = 	snop  }
0x3b: {  	_ = 	snop  }
0x3c: {  	p2 =	seq.s32 s10, $0x1;
	s10 =	sld [smem:$0x3FA4]  }
0x3d: {  	_ =	shalt  }
0x3e: {  	_ =	shalt  }
0x3f: {  	_ =	shalt  }
0x40: {  	_ =	shalt  }
0x41: {  	_ =	shalt  }
0x42: {  	_ =	shalt  }
0x43: {  	_ =	shalt  }
0x44: {  	_ =	shalt  }
0x45: {  	_ =	shalt  }
0x46: {  	_ =	shalt  }
0x47: {  	_ =	shalt  }
0x48: {  	_ =	shalt  }
0x49: {  	_ =	shalt  }
0x4a: {  	_ =	shalt  }
0x4b: {  	_ =	shalt  }
0x4c: {  	_ =	shalt  }
0x4d: {  	_ =	shalt  }
0x4e: {  	_ =	shalt  }
0x4f: {  	_ =	shalt  }
0x50: {  	_ =	shalt  }
0x51: {  	_ =	shalt  }
0x52: {  	_ =	shalt  }
0x53: {  	_ =	shalt  }
0x54: {  	_ =	shalt  }
0x55: {  	_ =	shalt  }
0x56: {  	_ =	shalt  }
0x57: {  	_ =	shalt  }
0x58: {  	_ =	shalt  }
0x59: {  	_ =	shalt  }
0x5a: {  	_ =	shalt  }
0x5b: {  	_ =	shalt  }
0x5c: {  	_ =	shalt  }
0x5d: {  	_ =	shalt  }
0x5e: {  	_ =	shalt  }
0x5f: {  	_ =	shalt  }
0x60: {  	_ =	shalt  }
0x61: {  	_ =	shalt  }
0x62: {  	_ =	shalt  }
0x63: {  	_ =	shalt  }
0x64: {  	_ =	shalt  }
0x65: {  	_ =	shalt  }
0x66: {  	_ =	shalt  }
0x67: {  	_ =	shalt  }
0x68: {  	_ =	shalt  }
0x69: {  	_ =	shalt  }
0x6a: {  	_ =	shalt  }
0x6b: {  	_ =	shalt  }
0x6c: {  	_ =	shalt  }
0x6d: {  	_ =	shalt  }
0x6e: {  	_ =	shalt  }
0x6f: {  	_ =	shalt  }
0x70: {  	_ =	shalt  }
0x71: {  	_ =	shalt  }
0x72: {  	_ =	shalt  }
0x73: {  	_ =	shalt  }
0x74: {  	_ =	shalt  }
0x75: {  	_ =	shalt  }
0x76: {  	_ =	shalt  }
0x77: {  	_ =	shalt  }
0x78: {  	_ =	shalt  }
0x79: {  	_ =	shalt  }
0x7a: {  	_ =	shalt  }
0x7b: {  	_ =	shalt  }
0x7c: {  	_ =	shalt  }
0x7d: {  	_ =	shalt  }
0x7e: {  	_ =	shalt  }
0x7f: {  	_ =	shalt  }
0x80: {  	_ =	shalt  }
0x81: {  	_ =	shalt  }
0x82: {  	_ =	shalt  }
0x83: {  	_ =	shalt  }
0x84: {  	_ =	shalt  }
0x85: {  	_ =	shalt  }
0x86: {  	_ =	shalt  }
0x87: {  	_ =	shalt  }
.Lfunc_end0:
.L_simem_size_0:
called_computation_lowered:
.L_overlay_start_0:
0x88: {  	s2 =	sld [smem:$0x3FD9]  }
0x89: {  	s3 =	sld [smem:$0x3FFE];
	_ =	sdelay $0x1  }
0x8a: {  	s1 =	srdreg.scid  }
0x8b: {  	s0 =	sand.u32 $0x1, s1  }
0x8c: {  	s17 =	sshll.u32 s0, $0xA;
	s2 =	sadd.s32 s3, s2  }
0x8d: {  	s2 =	sadd.s32 s2, s17  }
0x8e: {  	[smem:$0x3FB0] =	sst s2  }
0x8f: {  	_ = 	snop  }
0x90: {  	s2 =	sld [smem:$0x3FD0];
	(tm) =	ssettm $0x1  }
0x91: {  	s18 =	sld [smem:$0x3FFB];
	_ =	sdelay $0x3  }
0x92: {  	_ =	strace s18  }
0x93: {  	s3 =	sld [smem:$0x3FFC];
	_ =	sdelay $0x3  }
0x94: {  	_ =	strace s3  }
0x95: {  	s3 =	sld [smem:$0x3FFD];
	_ =	sdelay $0x3  }
0x96: {  	_ =	strace s3  }
0x97: {  	_ =	strace $0x8FFFFFFF  }
0x98: {  	s19 =	sld [smem:$0x3FDB];
	_ =	sdelay $0x1  }
0x99: {  	s4 =	simm.s32 $_scs_section_size  }
0x9a: {  	s5 =	simm.s32 $_size__tile_overlayer_lowered;
	s6 =	simm.s32 $_tile_overlayer_lowered  }
0x9b: {  	s22 =	simm.s32 $0x1BFF;
	s21 =	sshll.u32 s6, $0x1;
	s3 =	sadd.s32 s4, s19  }
0x9c: {  	s7 =	simm.s32 $0x0;
	s20 =	sshll.u32 s5, $0x1;
	s5 =	sadd.s32 s21, s3  }
0x9d: {  	[timem:s7], [sflag:s22] =	dma.local [hbm:s5], s20  }
0x9e: {  	_ =	swait.ge [sflag:s22], s20  }
0x9f: {  	s4 =	ssub.s32 $0x0, s20;
	[sflag:s22] =	ssyncset.done $0x0  }
0xa0: {  	[sflag:s22] =	ssyncadd.s32 s4;
	_ =	sdelay $0x1  }
0xa1: {  	s23 =	simm.s32 $0x1B8B  }
0xa2: {  	_ =	swait.ge [sflag:s23], $0x1  }
0xa3: {  	[sflag:s23] =	ssyncset.done $0x0  }
0xa4: {  	s25 =	simm.s32 $0x1B8E;
	s24 =	sld [smem:$0x3FFE];
	[sflag:s23] =	ssyncadd.s32 $0xFFFFFFFF  }
0xa5: {  	s26 =	simm.s32 $execute0_lowered;
	[smem:$0x3FD2] =	sst s25  }
0xa6: {  	s5 =	sshll.u32 s26, $0x1;
	_ =	strace $0x80000046;
	[dreg:$0x1] =	wrdreg $0xFFFFFFFF  }
0xa7: {  	s28 =	simm.s32 $_size_execute0_lowered;
	s3 =	sadd.s32 s3, s5;
	[dreg:$0x0] =	wrdreg $0x0  }
0xa8: {  	s5 =	sshll.u32 s28, $0x1;
	[dreg:$0x2] =	wrdreg s3  }
0xa9: {  	[dreg:$0x3] =	wrdreg s5  }
0xaa: {  	[dreg:$0x4] =	wrdreg $0xC0  }
0xab: {  	_ =	task [dreg:s7], $0x5FFFF  }
0xac: {  	[dreg:$0x1] =	wrdreg $0xFFFFFFFF  }
0xad: {  	[dreg:$0x0] =	wrdreg $0x60  }
0xae: {  	[dreg:$0x2] =	wrdreg s2  }
0xaf: {  	[dreg:$0x3] =	wrdreg s24  }
0xb0: {  	[dreg:$0x4] =	wrdreg $0x51000  }
0xb1: {  	[dreg:$0x5] =	wrdreg $0x9  }
0xb2: {  	_ =	task.clear_ibuf [dreg:s7], $0x6FFFF;
	_ =	strace $0x90000046  }
0xb3: {  	s29 =	simm.s32 $0x9;
	_ =	strace $0x80000048  }
0xb4: {  	_ =	swait.ge [sflag:s29], $0x1  }
0xb5: {  	[sflag:s29] =	ssyncadd.s32 $0xFFFFFFFF  }
0xb6: {  	_ =	strace $0x90000048  }
0xb7: {  	_ =	sfence  }
0xb8: {  	s30 =	sld [smem:$0x0];
	_ =	sdelay $0x2  }
0xb9: {  	s31 =	sshll.u32 s1, $0xD;
	s1 =	sshrl.u32 s1, $0x2  }
0xba: {  	s3 =	sand.u32 $0x4000, s31;
	s1 =	sadd.s32 s1, s30  }
0xbb: {  	s0 =	sor.u32 s3, s0;
	s1 =	sshll.u32 s1, $0x11  }
0xbc: {  	s0 =	sor.u32 s1, s0  }
0xbd: {  	s0 =	sadd.s32 $0x8F2B, s0  }
0xbe: {  	[sflag:s0] =	ssyncadd.remote.s32 $0x1  }
0xbf: {  	_ =	sfence.sel $0xFFFF  }
0xc0: {  	[dreg:$0x0] =	wrdreg $0xFFFFFFFF;
	(pc) =	sbr.abs _section_cstart, $3  }
0xc1: {  	[dreg:$0x1] =	wrdreg $0xFFFFFFFF  }
0xc2: {  	_ =	task.clear_ibuf [dreg:s7], $0x2FFFF;
	_ =	strace $0x9FFFFFFF  }
0xc3: {  	(tm) =	ssettm $0x7FFFFFFF  }
tec
execute0_lowered:
.L_overlay_start_1:
0x0: {  	(tag) =	ssettag $0x1  }
0x1: {  	s1 =	rddreg [dreg:$0x0]  }
0x2: {  	s8 =	rddreg [dreg:$0x1]  }
0x3: {  	s3 =	rddreg [dreg:$0x2]  }
0x4: {  	s0 =	rddreg [dreg:$0x3];
	s4 =	simm.s32 $0x0;
	s2 =	stileid.u32  }
0x5: {  	s5 =	srdreg.scid;
	s16 =	simm.s32 $0x50;
	s17 =	simm.s32 $0x100  }
0x6: {  	s18 =	simm.s32 $0x2900;
	s19 =	simm.s32 $0x1;
	[smem:$0x7FF] =	sst s4  }
0x7: {  	s9 =	smul.u32 $0x14000, s2;
	s10 =	sand.u32 $0x1, s5;
	s5 =	sadd.s32 $0x50B600, s8  }
0x8: {  	s24 =	simm.s32 $0x0;
	s6 =	sadd.s32 $0x501800, s8;
	s7 =	sadd.s32 $0x4F7A00, s8  }
0x9: {  	s13 =	smul.u32 $0x50000, s2;
	s31 =	sshll.u32 s2, $0x6;
	_ =	strace $0x80000047  }
0xa: {  	s11 =	smul.u32 $0x140000, s10;
	s26 =	ssub.s32 $0x2, s10;
	s30 =	sshll.u32 s10, $0x4  }
0xb: {  	s12 =	sshrl.u32 s9, $0x3;
	s28 =	sshrl.u32 s26, $0x1;
	s29 =	sshrl.u32 s13, $0x2  }
0xc: {  	s10 =	sor.u32 s2, s30;
	s9 =	sadd.s32 s9, s11;
	s12 =	sadd.s32 s12, s8  }
0xd: {  	s15 =	ssub.s32 s26, s28;
	s13 =	sadd.s32 s29, s3;
	s9 =	sshrl.u32 s9, $0x3  }
0xe: {  	s10 =	smul.u32 $0x2710, s10;
	s13 =	sshrl.u32 s13, $0x3;
	s14 =	sadd.s32 s9, s8  }
0xf: {  	s8 =	sadd.s32 $0xA3BA00, s12;
	s9 =	sor.u32 $0x1C02, s31;
	s12 =	smax.u32 s15, $0x1  }
0x10: {  	s15 =	simm.s32 $0x80;
	s11 =	sadd.s32 $0xA63A00, s14;
	s14 =	simm.s32 $0x2  }
.LBB2_1:
0x11: {  	[spmem:s13], [sflag:s9] =	dma.local [hbm:s8], $0x2800  }
0x12: {  	_ =	swait.ge [sflag:s14], $0x2800  }
0x13: {  	[sflag:s14] =	ssyncset.done $0x0  }
0x14: {  	[sflag:s14] =	ssyncadd.s32 $0xFFFFD800  }
0x15: {  	s20 =	simm.s32 $0x0;
	[bflag:$0x0] =	sbarrier.arrive $0xFFFF  }
.LBB2_2:
0x16: {  	s21 =	smul.u32 $0x50, s20;
	_ =	sdelay $0x1  }
0x17: {  	s21 =	sadd.s32 s10, s21  }
0x18: {  	s22 =	sshrl.u32 s21, $0x3  }
0x19: {  	s23 =	sadd.s32 s6, s22  }
0x1a: {  	[tilespmem:s24], [sflag:$0x2] =	stream.linear.gather [hbm4b:s23+s24], $0x50, $0x38;
	[tilespmem:$0x19100] =	vst v63  }
0x1b: {  	_ =	swait.ge [sflag:s14], $0x50  }
0x1c: {  	[sflag:s14] =	ssyncset.done $0x0  }
0x1d: {  	s22 =	sadd.s32 s7, s22;
	[sflag:s14] =	ssyncadd.s32 $0xFFFFFFB0  }
0x1e: {  	[tilespmem:s15], [sflag:$0x2] =	stream.linear.gather [hbm4b:s22+s24], $0x50, $0x38;
	[tilespmem:$0x19100] =	vst v63  }
0x1f: {  	_ =	swait.ge [sflag:s14], $0x50  }
0x20: {  	[sflag:s14] =	ssyncset.done $0x0  }
0x21: {  	s21 =	sshll.u32 s21, $0x4;
	[sflag:s14] =	ssyncadd.s32 $0xFFFFFFB0  }
0x22: {  	[tilespmem:s17], [sflag:$0x1] =	stream.indirect.gather [hbm4b:s1+s16], $0x80, s24, s16, $0xb8;
	[tilespmem:$0x19100] =	vst v63  }
0x23: {  	s21 =	sadd.s32 s5, s21  }
0x24: {  	[tilespmem:s18], [sflag:$0x2] =	stream.linear.gather [hbm4b:s21+s24], $0x2800, $0x38;
	[tilespmem:$0x19100] =	vst v63  }
0x25: {  	_ =	swait.ge [sflag:s14], $0x2800  }
0x26: {  	[sflag:s14] =	ssyncset.done $0x0  }
0x27: {  	[sflag:s14] =	ssyncadd.s32 $0xFFFFD800  }
0x28: {  	_ =	swait.ge [sflag:s19], $0x2800  }
0x29: {  	[sflag:s19] =	ssyncset.done $0x0  }
0x2a: {  	s21 =	simm.s32 $0x0;
	[sflag:s19] =	ssyncadd.s32 $0xFFFFD800  }
0x2b: {  	v6 =	vld [tilespmem:s21+$0x2900]  }
0x2c: {  	v11 =	vld [tilespmem:s21+$0x2910]  }
0x2d: {  	v5 =	vld [tilespmem:s21+$0x2920]  }
0x2e: {  	v4 =	vld [tilespmem:s21+$0x2930]  }
0x2f: {  	v3 =	vld [tilespmem:s21+$0x2940]  }
0x30: {  	v2 =	vld [tilespmem:s21+$0x2950]  }
0x31: {  	v1 =	vld [tilespmem:s21+$0x2960]  }
0x32: {  	v0 =	vld [tilespmem:s21+$0x2970]  }
0x33: {  	v12 =	vld [tilespmem:s21+$0x100]  }
0x34: {  	v13 =	vld [tilespmem:s21+$0x110]  }
0x35: {  	v10 =	vld [tilespmem:s21+$0x120]  }
0x36: {  	v9 =	vld [tilespmem:s21+$0x130]  }
0x37: {  	v8 =	vld [tilespmem:s21+$0x140]  }
0x38: {  	v7 =	vld [tilespmem:s21+$0x150];
	v12 =	vadd.f32 v6, v12  }
0x39: {  	s22 =	simm.s32 $0x200;
	v11 =	vadd.f32 v11, v13;
	v6 =	vld [tilespmem:s21+$0x160]  }
.LBB2_3:
0x3a: {  	s23 =	sshra.s32 s22, $0x2;
	p0 =	sne.s32 s22, $0x9E00;
	v12 =	vmax.f32 v12, $0.0e+00;
	v5 =	vadd.f32 v5, v10;
	v10 =	vld [tilespmem:s21+$0x170]  }
0x3b: {  	v13 =	vld [tilespmem:s23+$0x2900];
	[tilespmem:s21+$0x100] =	vst v12;
	v11 =	vmax.f32 v11, $0.0e+00;
	v4 =	vadd.f32 v4, v9  }
0x3c: {  	v14 =	vld [tilespmem:s23+$0x2910];
	[tilespmem:s21+$0x110] =	vst v11;
	v9 =	vmax.f32 v5, $0.0e+00;
	v3 =	vadd.f32 v3, v8  }
0x3d: {  	v5 =	vld [tilespmem:s23+$0x2920];
	[tilespmem:s21+$0x120] =	vst v9;
	v8 =	vmax.f32 v4, $0.0e+00;
	v2 =	vadd.f32 v2, v7  }
0x3e: {  	v4 =	vld [tilespmem:s23+$0x2930];
	[tilespmem:s21+$0x130] =	vst v8;
	v7 =	vmax.f32 v3, $0.0e+00;
	v1 =	vadd.f32 v1, v6  }
0x3f: {  	v3 =	vld [tilespmem:s23+$0x2940];
	[tilespmem:s21+$0x140] =	vst v7;
	v6 =	vmax.f32 v2, $0.0e+00;
	v0 =	vadd.f32 v0, v10  }
0x40: {  	v2 =	vld [tilespmem:s23+$0x2950];
	[tilespmem:s21+$0x150] =	vst v6;
	v6 =	vmax.f32 v1, $0.0e+00  }
0x41: {  	v1 =	vld [tilespmem:s23+$0x2960];
	[tilespmem:s21+$0x160] =	vst v6;
	v6 =	vmax.f32 v0, $0.0e+00  }
0x42: {  	v0 =	vld [tilespmem:s23+$0x2970];
	[tilespmem:s21+$0x170] =	vst v6;
	s21 =	smov.u32 s23  }
0x43: {  	v6 =	vld [tilespmem:s21+$0x100]  }
0x44: {  	v11 =	vld [tilespmem:s21+$0x110]  }
.Ltmp0:
0x45: {  	v10 =	vld [tilespmem:s21+$0x120];
	(pc) =	sbr.rel @p0 .LBB2_3-.Ltmp0, $4  }
0x46: {  	v9 =	vld [tilespmem:s21+$0x130]  }
0x47: {  	v8 =	vld [tilespmem:s21+$0x140]  }
0x48: {  	v12 =	vadd.f32 v13, v6;
	v7 =	vld [tilespmem:s21+$0x150]  }
0x49: {  	s22 =	sadd.s32 $0x200, s22;
	v11 =	vadd.f32 v14, v11;
	v6 =	vld [tilespmem:s21+$0x160]  }
0x4a: {  	v12 =	vmax.f32 v12, $0.0e+00;
	v5 =	vadd.f32 v5, v10;
	v63 =	vld [tilespmem:s21+$0x170]  }
0x4b: {  	[tilespmem:s21+$0x100] =	vst v12;
	v11 =	vmax.f32 v11, $0.0e+00;
	v4 =	vadd.f32 v4, v9  }
0x4c: {  	[tilespmem:s21+$0x110] =	vst v11;
	v5 =	vmax.f32 v5, $0.0e+00;
	v3 =	vadd.f32 v3, v8  }
0x4d: {  	[tilespmem:s21+$0x120] =	vst v5;
	v4 =	vmax.f32 v4, $0.0e+00;
	v2 =	vadd.f32 v2, v7  }
0x4e: {  	[tilespmem:s21+$0x130] =	vst v4;
	v3 =	vmax.f32 v3, $0.0e+00;
	v1 =	vadd.f32 v1, v6  }
0x4f: {  	[tilespmem:s21+$0x140] =	vst v3;
	v2 =	vmax.f32 v2, $0.0e+00;
	v0 =	vadd.f32 v0, v63  }
0x50: {  	s20 =	sadd.s32 $0x1, s20;
	[tilespmem:s21+$0x150] =	vst v2;
	v1 =	vmax.f32 v1, $0.0e+00  }
0x51: {  	p0 =	sne.s32 s20, $0x7D;
	[tilespmem:s21+$0x160] =	vst v1;
	v0 =	vmax.f32 v0, $0.0e+00  }
.Ltmp1:
0x52: {  	[tilespmem:s21+$0x170] =	vst v0;
	(pc) =	sbr.rel @p0 .LBB2_2-.Ltmp1, $4  }
0x53: {  	[spmem:s3] =	stream.indirect.scatter.add.f32 [tilespmem:s17], [sflag:$0x2], $0x80, s15, s16, $0xb8;
	[tilespmem:$0x19100] =	vst v63  }
0x54: {  	_ =	swait.ge [sflag:s14], $0x2800  }
0x55: {  	[sflag:s14] =	ssyncset.done $0x0  }
0x56: {  	[sflag:s14] =	ssyncadd.s32 $0xFFFFD800  }
0x57: {  	s4 =	sadd.s32 $0x1, s4  }
0x58: {  	p0 =	sne.s32 s4, s12  }
.Ltmp2:
0x59: {  	[bflag:$0x0] =	sbarrier.arrive $0xFFFF;
	(pc) =	sbr.rel @p0 .LBB2_1-.Ltmp2, $4  }
0x5a: {  	[hbm:s11], [sflag:s9] =	dma.local [spmem:s13], $0x2800  }
0x5b: {  	_ =	swait.ge [sflag:s14], $0x2800  }
0x5c: {  	[sflag:s14] =	ssyncset.done $0x0  }
0x5d: {  	[sflag:s14] =	ssyncadd.s32 $0xFFFFD800  }
0x5e: {  	_ =	sfence.sel $0x180000  }
0x5f: {  	[bflag:$0x0] =	sbarrier.arrive $0xFFFF  }
0x60: {  	p0 =	sne.s32 s2, $0x0;
	_ =	strace $0x90000047  }
0x61: {  	s0 =	sadd.s32 @!p0 $0x100000, s0;
	[bflag:$0x2] =	sbarrier.arrive $0xFFFF  }
0x62: {  	[sflag:s0] =	ssyncadd.tile.s32 @!p0 $0x1;
	_ =	shalt  }
.Lfunc_end2:
_tile_overlayer_lowered:
.L_overlay_start_2:
0x63: {  	(tag) =	ssettag $0x2  }
0x64: {  	s0 =	rddreg [dreg:$0x0];
	s2 =	stileid.u32  }
0x65: {  	s1 =	rddreg [dreg:$0x1];
	p0 =	sne.s32 s2, $0x0  }
0x66: {  	s3 =	rddreg [dreg:$0x2];
	[bflag:$0x3] =	sbarrier.arrive $0xFFFF;
	s2 =	simm.s32 @!p0 $0x1C02  }
0x67: {  	[timem:s3], [sflag:s2] =	dma.local @!p0 [hbm:s0], s1  }
0x68: {  	s0 =	simm.s32 @!p0 $0x2  }
0x69: {  	_ =	swait.ge @!p0 [sflag:s0], s1  }
0x6a: {  	s1 =	ssub.s32 @!p0 $0x0, s1;
	[sflag:s0] =	ssyncset.done @!p0 $0x0  }
0x6b: {  	[sflag:s0] =	ssyncadd.s32 @!p0 s1  }
0x6c: {  	[bflag:$0x3] =	sbarrier.arrive $0xFFFF  }
0x6d: {  	_ =	shalt  }

// kernel: kernel.36.cloned.1.call-start
scs
__scs_entry_jumppad:
0x0: {  	(pc) =	sbr.rel $0x88, $3  }
0x1: {  	(tag) =	ssettag $0x0;
	lr =	simm.s32 $0x1  }
0x2: {  	[smem:$0x3F89] =	sst lr;
	_ =	strace $0xD0000000  }
0x3: {  	_ = 	snop  }
0x4: {  	_ = 	snop  }
0x5: {  	_ = 	snop  }
0x6: {  	_ = 	snop  }
0x7: {  	_ = 	snop  }
__scs_overlays_trampoline_lowered:
0x8: {  	[smem:$0x3F98] =	sst s0  }
0x9: {  	[smem:$0x3F99] =	sst s1  }
0xa: {  	[smem:$0x3F9A] =	sst s2  }
0xb: {  	[smem:$0x3F9B] =	sst s3  }
0xc: {  	[smem:$0x3F9C] =	sst s4  }
0xd: {  	[smem:$0x3F9D] =	sst s5  }
0xe: {  	[smem:$0x3F9E] =	sst s6  }
0xf: {  	[smem:$0x3F9F] =	sst s7  }
0x10: {  	[smem:$0x3FA0] =	sst s8  }
0x11: {  	[smem:$0x3FA1] =	sst s9;
	s0 =	simm.s32 @!p0 $0x0  }
0x12: {  	s1 =	sld [smem:$0x3F87];
	s0 =	simm.s32 @p0 $0x1  }
0x13: {  	[smem:$0x3FA2] =	sst s0;
	s0 =	simm.s32 @!p1 $0x0  }
0x14: {  	s2 =	sld [smem:$0x3F86];
	s0 =	simm.s32 @p1 $0x1  }
0x15: {  	[smem:$0x3FA3] =	sst s0;
	s0 =	simm.s32 @!p2 $0x0  }
0x16: {  	s3 =	sld [smem:$0x3FDB];
	s0 =	simm.s32 @p2 $0x1  }
0x17: {  	s4 =	simm.s32 $0x1BF5;
	[smem:$0x3FA5] =	sst s0  }
0x18: {  	s0 =	sld [smem:$0x3F88];
	_ =	swait.ge [sflag:s4], $0x0  }
0x19: {  	s7 =	sld [smem:$0x3F89]  }
0x1a: {  	s8 =	sadd.s32 $0xFFFFE003, lr  }
0x1b: {  	s9 =	sadd.s32 $0xFFFFFEF7, lr;
	s5 =	simm.s32 $0xFFFFFFFF;
	p2 =	slt.u32 s8, $0xFFFFF086  }
0x1c: {  	p1 =	slt.u32 s9, $0xF7A;
	s5 =	simm.s32 @!p2 $0x0  }
0x1d: {  	s5 =	simm.s32 @p1 $0x1;
	p0 =	seq.s32 s7, s2  }
0x1e: {  	s7 =	smul.u32 @!p0 $0xF7A, s2;
	p2 =	seq.s32 @!p0 s5, $0x0  }
0x1f: {  	s9 =	smul.u32 $0xF7A, s1;
	s8 =	simm.s32 @!p0 $0x1BF5;
	p2 =	por !p2, p0  }
0x20: {  	[sflag:s8] =	ssyncset.s32 @!p0 $0xFFFFF086;
	s6 =	sadd.s32 @!p0 s3, s7;
	s7 =	simm.s32 @!p0 $0x108  }
0x21: {  	s3 =	sadd.s32 s3, s9;
	s6 =	sadd.s32 @!p0 $0x88, s6;
	s7 =	simm.s32 @p2 $0x1082  }
0x22: {  	[simem:s7], [sflag:s8] =	dma.local @!p0 [hbm:s6], $0xF7A  }
0x23: {  	s9 =	sor.u32 $0xD0000000, s2;
	s6 =	simm.s32 $0x108;
	_ =	swait.ge @!p0 [sflag:s8], $0x0  }
0x24: {  	s3 =	sadd.s32 $0x88, s3;
	s6 =	simm.s32 @!p1 $0x1082;
	[sflag:s4] =	ssyncset.s32 $0xFFFFF086  }
0x25: {  	[simem:s6], [sflag:s4] =	dma.local [hbm:s3], $0xF7A  }
0x26: {  	[smem:$0x3F89] =	sst s1;
	(tag) =	ssettag s2;
	_ =	strace s9  }
0x27: {  	s1 =	sld [smem:$0x3F99]  }
0x28: {  	s2 =	sld [smem:$0x3F9A]  }
0x29: {  	s4 =	sld [smem:$0x3F9C]  }
0x2a: {  	p0 =	seq.s32 s5, $0x0;
	s5 =	sld [smem:$0x3F9D]  }
0x2b: {  	s6 =	sld [smem:$0x3F9E]  }
0x2c: {  	s7 =	sld [smem:$0x3F9F]  }
0x2d: {  	s3 =	simm.s32 $0x108;
	s8 =	sld [smem:$0x3FA0]  }
0x2e: {  	s3 =	simm.s32 @!p0 $0x1082;
	s9 =	sld [smem:$0x3FA1]  }
0x2f: {  	lr =	sadd.s32 s0, s3;
	s0 =	sld [smem:$0x3F98]  }
0x30: {  	s3 =	sld [smem:$0x3F9B]  }
0x31: {  	[smem:$0x3FA4] =	sst s10  }
0x32: {  	s10 =	sld [smem:$0x3FA2];
	_ =	sdelay $0x3  }
0x33: {  	p0 =	seq.s32 s10, $0x1;
	s10 =	sld [smem:$0x3FA4];
	_ =	sdelay $0x3  }
0x34: {  	[smem:$0x3FA4] =	sst s10  }
0x35: {  	s10 =	sld [smem:$0x3FA3];
	_ =	sdelay $0x3  }
0x36: {  	p1 =	seq.s32 s10, $0x1;
	s10 =	sld [smem:$0x3FA4];
	_ =	sdelay $0x3  }
0x37: {  	[smem:$0x3FA4] =	sst s10  }
0x38: {  	s10 =	sld [smem:$0x3FA5]  }
0x39: {  	_ = 	snop;
	(pc) =	sbr.ind lr, $3  }
0x3a: {  	_ = 	snop  }
0x3b: {  	_ = 	snop  }
0x3c: {  	p2 =	seq.s32 s10, $0x1;
	s10 =	sld [smem:$0x3FA4]  }
0x3d: {  	_ =	shalt  }
0x3e: {  	_ =	shalt  }
0x3f: {  	_ =	shalt  }
0x40: {  	_ =	shalt  }
0x41: {  	_ =	shalt  }
0x42: {  	_ =	shalt  }
0x43: {  	_ =	shalt  }
0x44: {  	_ =	shalt  }
0x45: {  	_ =	shalt  }
0x46: {  	_ =	shalt  }
0x47: {  	_ =	shalt  }
0x48: {  	_ =	shalt  }
0x49: {  	_ =	shalt  }
0x4a: {  	_ =	shalt  }
0x4b: {  	_ =	shalt  }
0x4c: {  	_ =	shalt  }
0x4d: {  	_ =	shalt  }
0x4e: {  	_ =	shalt  }
0x4f: {  	_ =	shalt  }
0x50: {  	_ =	shalt  }
0x51: {  	_ =	shalt  }
0x52: {  	_ =	shalt  }
0x53: {  	_ =	shalt  }
0x54: {  	_ =	shalt  }
0x55: {  	_ =	shalt  }
0x56: {  	_ =	shalt  }
0x57: {  	_ =	shalt  }
0x58: {  	_ =	shalt  }
0x59: {  	_ =	shalt  }
0x5a: {  	_ =	shalt  }
0x5b: {  	_ =	shalt  }
0x5c: {  	_ =	shalt  }
0x5d: {  	_ =	shalt  }
0x5e: {  	_ =	shalt  }
0x5f: {  	_ =	shalt  }
0x60: {  	_ =	shalt  }
0x61: {  	_ =	shalt  }
0x62: {  	_ =	shalt  }
0x63: {  	_ =	shalt  }
0x64: {  	_ =	shalt  }
0x65: {  	_ =	shalt  }
0x66: {  	_ =	shalt  }
0x67: {  	_ =	shalt  }
0x68: {  	_ =	shalt  }
0x69: {  	_ =	shalt  }
0x6a: {  	_ =	shalt  }
0x6b: {  	_ =	shalt  }
0x6c: {  	_ =	shalt  }
0x6d: {  	_ =	shalt  }
0x6e: {  	_ =	shalt  }
0x6f: {  	_ =	shalt  }
0x70: {  	_ =	shalt  }
0x71: {  	_ =	shalt  }
0x72: {  	_ =	shalt  }
0x73: {  	_ =	shalt  }
0x74: {  	_ =	shalt  }
0x75: {  	_ =	shalt  }
0x76: {  	_ =	shalt  }
0x77: {  	_ =	shalt  }
0x78: {  	_ =	shalt  }
0x79: {  	_ =	shalt  }
0x7a: {  	_ =	shalt  }
0x7b: {  	_ =	shalt  }
0x7c: {  	_ =	shalt  }
0x7d: {  	_ =	shalt  }
0x7e: {  	_ =	shalt  }
0x7f: {  	_ =	shalt  }
0x80: {  	_ =	shalt  }
0x81: {  	_ =	shalt  }
0x82: {  	_ =	shalt  }
0x83: {  	_ =	shalt  }
0x84: {  	_ =	shalt  }
0x85: {  	_ =	shalt  }
0x86: {  	_ =	shalt  }
0x87: {  	_ =	shalt  }
.Lfunc_end0:
.L_simem_size_0:
called_computation.1_lowered:
.L_overlay_start_0:
0x88: {  	s2 =	sld [smem:$0x3FD9]  }
0x89: {  	s3 =	sld [smem:$0x3FFE];
	_ =	sdelay $0x1  }
0x8a: {  	s1 =	srdreg.scid  }
0x8b: {  	s0 =	sand.u32 $0x1, s1  }
0x8c: {  	s17 =	sshll.u32 s0, $0xA;
	s2 =	sadd.s32 s3, s2  }
0x8d: {  	s2 =	sadd.s32 s2, s17  }
0x8e: {  	[smem:$0x3FB0] =	sst s2  }
0x8f: {  	_ = 	snop  }
0x90: {  	s2 =	sld [smem:$0x3FD0];
	(tm) =	ssettm $0x1  }
0x91: {  	s18 =	sld [smem:$0x3FFB];
	_ =	sdelay $0x3  }
0x92: {  	_ =	strace s18  }
0x93: {  	s3 =	sld [smem:$0x3FFC];
	_ =	sdelay $0x3  }
0x94: {  	_ =	strace s3  }
0x95: {  	s3 =	sld [smem:$0x3FFD];
	_ =	sdelay $0x3  }
0x96: {  	_ =	strace s3  }
0x97: {  	_ =	strace $0x8FFFFFFF  }
0x98: {  	s19 =	sld [smem:$0x3FDB];
	_ =	sdelay $0x1  }
0x99: {  	s4 =	simm.s32 $_scs_section_size  }
0x9a: {  	s5 =	simm.s32 $_size__tile_overlayer_lowered;
	s6 =	simm.s32 $_tile_overlayer_lowered  }
0x9b: {  	s22 =	simm.s32 $0x1BFF;
	s21 =	sshll.u32 s6, $0x1;
	s3 =	sadd.s32 s4, s19  }
0x9c: {  	s7 =	simm.s32 $0x0;
	s20 =	sshll.u32 s5, $0x1;
	s5 =	sadd.s32 s21, s3  }
0x9d: {  	[timem:s7], [sflag:s22] =	dma.local [hbm:s5], s20  }
0x9e: {  	_ =	swait.ge [sflag:s22], s20  }
0x9f: {  	s4 =	ssub.s32 $0x0, s20;
	[sflag:s22] =	ssyncset.done $0x0  }
0xa0: {  	[sflag:s22] =	ssyncadd.s32 s4;
	_ =	sdelay $0x1  }
0xa1: {  	s23 =	simm.s32 $0x1B8B  }
0xa2: {  	_ =	swait.ge [sflag:s23], $0x1  }
0xa3: {  	[sflag:s23] =	ssyncset.done $0x0  }
0xa4: {  	s25 =	simm.s32 $0x1B8E;
	s24 =	sld [smem:$0x3FFE];
	[sflag:s23] =	ssyncadd.s32 $0xFFFFFFFF  }
0xa5: {  	s26 =	simm.s32 $execute0_lowered;
	[smem:$0x3FD2] =	sst s25  }
0xa6: {  	s5 =	sshll.u32 s26, $0x1;
	_ =	strace $0x80000049;
	[dreg:$0x1] =	wrdreg $0xFFFFFFFF  }
0xa7: {  	s28 =	simm.s32 $_size_execute0_lowered;
	s3 =	sadd.s32 s3, s5;
	[dreg:$0x0] =	wrdreg $0x0  }
0xa8: {  	s5 =	sshll.u32 s28, $0x1;
	[dreg:$0x2] =	wrdreg s3  }
0xa9: {  	[dreg:$0x3] =	wrdreg s5  }
0xaa: {  	[dreg:$0x4] =	wrdreg $0xC0  }
0xab: {  	_ =	task [dreg:s7], $0x5FFFF  }
0xac: {  	[dreg:$0x1] =	wrdreg $0xFFFFFFFF  }
0xad: {  	[dreg:$0x0] =	wrdreg $0x60  }
0xae: {  	[dreg:$0x2] =	wrdreg s2  }
0xaf: {  	[dreg:$0x3] =	wrdreg s24  }
0xb0: {  	[dreg:$0x4] =	wrdreg $0x51000  }
0xb1: {  	[dreg:$0x5] =	wrdreg $0x9  }
0xb2: {  	_ =	task.clear_ibuf [dreg:s7], $0x6FFFF;
	_ =	strace $0x90000049  }
0xb3: {  	s29 =	simm.s32 $0x9;
	_ =	strace $0x8000004B  }
0xb4: {  	_ =	swait.ge [sflag:s29], $0x1  }
0xb5: {  	[sflag:s29] =	ssyncadd.s32 $0xFFFFFFFF  }
0xb6: {  	_ =	strace $0x9000004B  }
0xb7: {  	_ =	sfence  }
0xb8: {  	s30 =	sld [smem:$0x0];
	_ =	sdelay $0x2  }
0xb9: {  	s31 =	sshll.u32 s1, $0xD;
	s1 =	sshrl.u32 s1, $0x2  }
0xba: {  	s3 =	sand.u32 $0x4000, s31;
	s1 =	sadd.s32 s1, s30  }
0xbb: {  	s0 =	sor.u32 s3, s0;
	s1 =	sshll.u32 s1, $0x11  }
0xbc: {  	s0 =	sor.u32 s1, s0  }
0xbd: {  	s0 =	sadd.s32 $0x8F2B, s0  }
0xbe: {  	[sflag:s0] =	ssyncadd.remote.s32 $0x1  }
0xbf: {  	_ =	sfence.sel $0xFFFF  }
0xc0: {  	[dreg:$0x0] =	wrdreg $0xFFFFFFFF;
	(pc) =	sbr.abs _section_cstart, $3  }
0xc1: {  	[dreg:$0x1] =	wrdreg $0xFFFFFFFF  }
0xc2: {  	_ =	task.clear_ibuf [dreg:s7], $0x2FFFF;
	_ =	strace $0x9FFFFFFF  }
0xc3: {  	(tm) =	ssettm $0x7FFFFFFF  }
tec
execute0_lowered:
.L_overlay_start_1:
0x0: {  	(tag) =	ssettag $0x1  }
0x1: {  	s1 =	rddreg [dreg:$0x0]  }
0x2: {  	s8 =	rddreg [dreg:$0x1]  }
0x3: {  	s3 =	rddreg [dreg:$0x2]  }
0x4: {  	s0 =	rddreg [dreg:$0x3];
	s4 =	simm.s32 $0x0;
	s2 =	stileid.u32  }
0x5: {  	s5 =	srdreg.scid;
	s16 =	simm.s32 $0x50;
	s17 =	simm.s32 $0x100  }
0x6: {  	s18 =	simm.s32 $0x2900;
	s19 =	simm.s32 $0x1;
	[smem:$0x7FF] =	sst s4  }
0x7: {  	s9 =	smul.u32 $0x14000, s2;
	s10 =	sand.u32 $0x1, s5;
	s5 =	sadd.s32 $0xAB4600, s8  }
0x8: {  	s24 =	simm.s32 $0x0;
	s6 =	sadd.s32 $0x501800, s8;
	s7 =	sadd.s32 $0x4F7A00, s8  }
0x9: {  	s13 =	smul.u32 $0x50000, s2;
	s31 =	sshll.u32 s2, $0x6;
	_ =	strace $0x8000004A  }
0xa: {  	s11 =	smul.u32 $0x140000, s10;
	s26 =	ssub.s32 $0x2, s10;
	s30 =	sshll.u32 s10, $0x4  }
0xb: {  	s12 =	sshrl.u32 s9, $0x3;
	s28 =	sshrl.u32 s26, $0x1;
	s29 =	sshrl.u32 s13, $0x2  }
0xc: {  	s10 =	sor.u32 s2, s30;
	s9 =	sadd.s32 s9, s11;
	s12 =	sadd.s32 s12, s8  }
0xd: {  	s15 =	ssub.s32 s26, s28;
	s13 =	sadd.s32 s29, s3;
	s9 =	sshrl.u32 s9, $0x3  }
0xe: {  	s10 =	smul.u32 $0x2710, s10;
	s13 =	sshrl.u32 s13, $0x3;
	s14 =	sadd.s32 s9, s8  }
0xf: {  	s8 =	sadd.s32 $0xA3BA00, s12;
	s9 =	sor.u32 $0x1C02, s31;
	s12 =	smax.u32 s15, $0x1  }
0x10: {  	s15 =	simm.s32 $0x80;
	s11 =	sadd.s32 $0x50B600, s14;
	s14 =	simm.s32 $0x2  }
.LBB2_1:
0x11: {  	[spmem:s13], [sflag:s9] =	dma.local [hbm:s8], $0x2800  }
0x12: {  	_ =	swait.ge [sflag:s14], $0x2800  }
0x13: {  	[sflag:s14] =	ssyncset.done $0x0  }
0x14: {  	[sflag:s14] =	ssyncadd.s32 $0xFFFFD800  }
0x15: {  	s20 =	simm.s32 $0x0;
	[bflag:$0x0] =	sbarrier.arrive $0xFFFF  }
.LBB2_2:
0x16: {  	s21 =	smul.u32 $0x50, s20;
	_ =	sdelay $0x1  }
0x17: {  	s21 =	sadd.s32 s10, s21  }
0x18: {  	s22 =	sshrl.u32 s21, $0x3  }
0x19: {  	s23 =	sadd.s32 s6, s22  }
0x1a: {  	[tilespmem:s24], [sflag:$0x2] =	stream.linear.gather [hbm4b:s23+s24], $0x50, $0x38;
	[tilespmem:$0x19100] =	vst v63  }
0x1b: {  	_ =	swait.ge [sflag:s14], $0x50  }
0x1c: {  	[sflag:s14] =	ssyncset.done $0x0  }
0x1d: {  	s22 =	sadd.s32 s7, s22;
	[sflag:s14] =	ssyncadd.s32 $0xFFFFFFB0  }
0x1e: {  	[tilespmem:s15], [sflag:$0x2] =	stream.linear.gather [hbm4b:s22+s24], $0x50, $0x38;
	[tilespmem:$0x19100] =	vst v63  }
0x1f: {  	_ =	swait.ge [sflag:s14], $0x50  }
0x20: {  	[sflag:s14] =	ssyncset.done $0x0  }
0x21: {  	s21 =	sshll.u32 s21, $0x4;
	[sflag:s14] =	ssyncadd.s32 $0xFFFFFFB0  }
0x22: {  	[tilespmem:s17], [sflag:$0x1] =	stream.indirect.gather [hbm4b:s1+s16], $0x80, s24, s16, $0xb8;
	[tilespmem:$0x19100] =	vst v63  }
0x23: {  	s21 =	sadd.s32 s5, s21  }
0x24: {  	[tilespmem:s18], [sflag:$0x2] =	stream.linear.gather [hbm4b:s21+s24], $0x2800, $0x38;
	[tilespmem:$0x19100] =	vst v63  }
0x25: {  	_ =	swait.ge [sflag:s14], $0x2800  }
0x26: {  	[sflag:s14] =	ssyncset.done $0x0  }
0x27: {  	[sflag:s14] =	ssyncadd.s32 $0xFFFFD800  }
0x28: {  	_ =	swait.ge [sflag:s19], $0x2800  }
0x29: {  	[sflag:s19] =	ssyncset.done $0x0  }
0x2a: {  	s21 =	simm.s32 $0x0;
	[sflag:s19] =	ssyncadd.s32 $0xFFFFD800  }
0x2b: {  	v6 =	vld [tilespmem:s21+$0x2900]  }
0x2c: {  	v11 =	vld [tilespmem:s21+$0x2910]  }
0x2d: {  	v5 =	vld [tilespmem:s21+$0x2920]  }
0x2e: {  	v4 =	vld [tilespmem:s21+$0x2930]  }
0x2f: {  	v3 =	vld [tilespmem:s21+$0x2940]  }
0x30: {  	v2 =	vld [tilespmem:s21+$0x2950]  }
0x31: {  	v1 =	vld [tilespmem:s21+$0x2960]  }
0x32: {  	v0 =	vld [tilespmem:s21+$0x2970]  }
0x33: {  	v12 =	vld [tilespmem:s21+$0x100]  }
0x34: {  	v13 =	vld [tilespmem:s21+$0x110]  }
0x35: {  	v10 =	vld [tilespmem:s21+$0x120]  }
0x36: {  	v9 =	vld [tilespmem:s21+$0x130]  }
0x37: {  	v8 =	vld [tilespmem:s21+$0x140]  }
0x38: {  	v7 =	vld [tilespmem:s21+$0x150];
	v12 =	vadd.f32 v6, v12  }
0x39: {  	s22 =	simm.s32 $0x200;
	v11 =	vadd.f32 v11, v13;
	v6 =	vld [tilespmem:s21+$0x160]  }
.LBB2_3:
0x3a: {  	s23 =	sshra.s32 s22, $0x2;
	p0 =	sne.s32 s22, $0x9E00;
	v12 =	vmax.f32 v12, $0.0e+00;
	v5 =	vadd.f32 v5, v10;
	v10 =	vld [tilespmem:s21+$0x170]  }
0x3b: {  	v13 =	vld [tilespmem:s23+$0x2900];
	[tilespmem:s21+$0x100] =	vst v12;
	v11 =	vmax.f32 v11, $0.0e+00;
	v4 =	vadd.f32 v4, v9  }
0x3c: {  	v14 =	vld [tilespmem:s23+$0x2910];
	[tilespmem:s21+$0x110] =	vst v11;
	v9 =	vmax.f32 v5, $0.0e+00;
	v3 =	vadd.f32 v3, v8  }
0x3d: {  	v5 =	vld [tilespmem:s23+$0x2920];
	[tilespmem:s21+$0x120] =	vst v9;
	v8 =	vmax.f32 v4, $0.0e+00;
	v2 =	vadd.f32 v2, v7  }
0x3e: {  	v4 =	vld [tilespmem:s23+$0x2930];
	[tilespmem:s21+$0x130] =	vst v8;
	v7 =	vmax.f32 v3, $0.0e+00;
	v1 =	vadd.f32 v1, v6  }
0x3f: {  	v3 =	vld [tilespmem:s23+$0x2940];
	[tilespmem:s21+$0x140] =	vst v7;
	v6 =	vmax.f32 v2, $0.0e+00;
	v0 =	vadd.f32 v0, v10  }
0x40: {  	v2 =	vld [tilespmem:s23+$0x2950];
	[tilespmem:s21+$0x150] =	vst v6;
	v6 =	vmax.f32 v1, $0.0e+00  }
0x41: {  	v1 =	vld [tilespmem:s23+$0x2960];
	[tilespmem:s21+$0x160] =	vst v6;
	v6 =	vmax.f32 v0, $0.0e+00  }
0x42: {  	v0 =	vld [tilespmem:s23+$0x2970];
	[tilespmem:s21+$0x170] =	vst v6;
	s21 =	smov.u32 s23  }
0x43: {  	v6 =	vld [tilespmem:s21+$0x100]  }
0x44: {  	v11 =	vld [tilespmem:s21+$0x110]  }
.Ltmp0:
0x45: {  	v10 =	vld [tilespmem:s21+$0x120];
	(pc) =	sbr.rel @p0 .LBB2_3-.Ltmp0, $4  }
0x46: {  	v9 =	vld [tilespmem:s21+$0x130]  }
0x47: {  	v8 =	vld [tilespmem:s21+$0x140]  }
0x48: {  	v12 =	vadd.f32 v13, v6;
	v7 =	vld [tilespmem:s21+$0x150]  }
0x49: {  	s22 =	sadd.s32 $0x200, s22;
	v11 =	vadd.f32 v14, v11;
	v6 =	vld [tilespmem:s21+$0x160]  }
0x4a: {  	v12 =	vmax.f32 v12, $0.0e+00;
	v5 =	vadd.f32 v5, v10;
	v63 =	vld [tilespmem:s21+$0x170]  }
0x4b: {  	[tilespmem:s21+$0x100] =	vst v12;
	v11 =	vmax.f32 v11, $0.0e+00;
	v4 =	vadd.f32 v4, v9  }
0x4c: {  	[tilespmem:s21+$0x110] =	vst v11;
	v5 =	vmax.f32 v5, $0.0e+00;
	v3 =	vadd.f32 v3, v8  }
0x4d: {  	[tilespmem:s21+$0x120] =	vst v5;
	v4 =	vmax.f32 v4, $0.0e+00;
	v2 =	vadd.f32 v2, v7  }
0x4e: {  	[tilespmem:s21+$0x130] =	vst v4;
	v3 =	vmax.f32 v3, $0.0e+00;
	v1 =	vadd.f32 v1, v6  }
0x4f: {  	[tilespmem:s21+$0x140] =	vst v3;
	v2 =	vmax.f32 v2, $0.0e+00;
	v0 =	vadd.f32 v0, v63  }
0x50: {  	s20 =	sadd.s32 $0x1, s20;
	[tilespmem:s21+$0x150] =	vst v2;
	v1 =	vmax.f32 v1, $0.0e+00  }
0x51: {  	p0 =	sne.s32 s20, $0x7D;
	[tilespmem:s21+$0x160] =	vst v1;
	v0 =	vmax.f32 v0, $0.0e+00  }
.Ltmp1:
0x52: {  	[tilespmem:s21+$0x170] =	vst v0;
	(pc) =	sbr.rel @p0 .LBB2_2-.Ltmp1, $4  }
0x53: {  	[spmem:s3] =	stream.indirect.scatter.add.f32 [tilespmem:s17], [sflag:$0x2], $0x80, s15, s16, $0xb8;
	[tilespmem:$0x19100] =	vst v63  }
0x54: {  	_ =	swait.ge [sflag:s14], $0x2800  }
0x55: {  	[sflag:s14] =	ssyncset.done $0x0  }
0x56: {  	[sflag:s14] =	ssyncadd.s32 $0xFFFFD800  }
0x57: {  	s4 =	sadd.s32 $0x1, s4  }
0x58: {  	p0 =	sne.s32 s4, s12  }
.Ltmp2:
0x59: {  	[bflag:$0x0] =	sbarrier.arrive $0xFFFF;
	(pc) =	sbr.rel @p0 .LBB2_1-.Ltmp2, $4  }
0x5a: {  	[hbm:s11], [sflag:s9] =	dma.local [spmem:s13], $0x2800  }
0x5b: {  	_ =	swait.ge [sflag:s14], $0x2800  }
0x5c: {  	[sflag:s14] =	ssyncset.done $0x0  }
0x5d: {  	[sflag:s14] =	ssyncadd.s32 $0xFFFFD800  }
0x5e: {  	_ =	sfence.sel $0x180000  }
0x5f: {  	[bflag:$0x0] =	sbarrier.arrive $0xFFFF  }
0x60: {  	p0 =	sne.s32 s2, $0x0;
	_ =	strace $0x9000004A  }
0x61: {  	s0 =	sadd.s32 @!p0 $0x100000, s0;
	[bflag:$0x2] =	sbarrier.arrive $0xFFFF  }
0x62: {  	[sflag:s0] =	ssyncadd.tile.s32 @!p0 $0x1;
	_ =	shalt  }
.Lfunc_end2:
_tile_overlayer_lowered:
.L_overlay_start_2:
0x63: {  	(tag) =	ssettag $0x2  }
0x64: {  	s0 =	rddreg [dreg:$0x0];
	s2 =	stileid.u32  }
0x65: {  	s1 =	rddreg [dreg:$0x1];
	p0 =	sne.s32 s2, $0x0  }
0x66: {  	s3 =	rddreg [dreg:$0x2];
	[bflag:$0x3] =	sbarrier.arrive $0xFFFF;
	s2 =	simm.s32 @!p0 $0x1C02  }
0x67: {  	[timem:s3], [sflag:s2] =	dma.local @!p0 [hbm:s0], s1  }
0x68: {  	s0 =	simm.s32 @!p0 $0x2  }
0x69: {  	_ =	swait.ge @!p0 [sflag:s0], s1  }
0x6a: {  	s1 =	ssub.s32 @!p0 $0x0, s1;
	[sflag:s0] =	ssyncset.done @!p0 $0x0  }
0x6b: {  	[sflag:s0] =	ssyncadd.s32 @!p0 s1  }
0x6c: {  	[bflag:$0x3] =	sbarrier.arrive $0xFFFF  }
0x6d: {  	_ =	shalt  }

// kernel: kernel.39.cloned.1.call-start
scs
__scs_entry_jumppad:
0x0: {  	(pc) =	sbr.rel $0x88, $3  }
0x1: {  	(tag) =	ssettag $0x0;
	lr =	simm.s32 $0x1  }
0x2: {  	[smem:$0x3F89] =	sst lr;
	_ =	strace $0xD0000000  }
0x3: {  	_ = 	snop  }
0x4: {  	_ = 	snop  }
0x5: {  	_ = 	snop  }
0x6: {  	_ = 	snop  }
0x7: {  	_ = 	snop  }
__scs_overlays_trampoline_lowered:
0x8: {  	[smem:$0x3F98] =	sst s0  }
0x9: {  	[smem:$0x3F99] =	sst s1  }
0xa: {  	[smem:$0x3F9A] =	sst s2  }
0xb: {  	[smem:$0x3F9B] =	sst s3  }
0xc: {  	[smem:$0x3F9C] =	sst s4  }
0xd: {  	[smem:$0x3F9D] =	sst s5  }
0xe: {  	[smem:$0x3F9E] =	sst s6  }
0xf: {  	[smem:$0x3F9F] =	sst s7  }
0x10: {  	[smem:$0x3FA0] =	sst s8  }
0x11: {  	[smem:$0x3FA1] =	sst s9;
	s0 =	simm.s32 @!p0 $0x0  }
0x12: {  	s1 =	sld [smem:$0x3F87];
	s0 =	simm.s32 @p0 $0x1  }
0x13: {  	[smem:$0x3FA2] =	sst s0;
	s0 =	simm.s32 @!p1 $0x0  }
0x14: {  	s2 =	sld [smem:$0x3F86];
	s0 =	simm.s32 @p1 $0x1  }
0x15: {  	[smem:$0x3FA3] =	sst s0;
	s0 =	simm.s32 @!p2 $0x0  }
0x16: {  	s3 =	sld [smem:$0x3FDB];
	s0 =	simm.s32 @p2 $0x1  }
0x17: {  	s4 =	simm.s32 $0x1BF5;
	[smem:$0x3FA5] =	sst s0  }
0x18: {  	s0 =	sld [smem:$0x3F88];
	_ =	swait.ge [sflag:s4], $0x0  }
0x19: {  	s7 =	sld [smem:$0x3F89]  }
0x1a: {  	s8 =	sadd.s32 $0xFFFFE003, lr  }
0x1b: {  	s9 =	sadd.s32 $0xFFFFFEF7, lr;
	s5 =	simm.s32 $0xFFFFFFFF;
	p2 =	slt.u32 s8, $0xFFFFF086  }
0x1c: {  	p1 =	slt.u32 s9, $0xF7A;
	s5 =	simm.s32 @!p2 $0x0  }
0x1d: {  	s5 =	simm.s32 @p1 $0x1;
	p0 =	seq.s32 s7, s2  }
0x1e: {  	s7 =	smul.u32 @!p0 $0xF7A, s2;
	p2 =	seq.s32 @!p0 s5, $0x0  }
0x1f: {  	s9 =	smul.u32 $0xF7A, s1;
	s8 =	simm.s32 @!p0 $0x1BF5;
	p2 =	por !p2, p0  }
0x20: {  	[sflag:s8] =	ssyncset.s32 @!p0 $0xFFFFF086;
	s6 =	sadd.s32 @!p0 s3, s7;
	s7 =	simm.s32 @!p0 $0x108  }
0x21: {  	s3 =	sadd.s32 s3, s9;
	s6 =	sadd.s32 @!p0 $0x88, s6;
	s7 =	simm.s32 @p2 $0x1082  }
0x22: {  	[simem:s7], [sflag:s8] =	dma.local @!p0 [hbm:s6], $0xF7A  }
0x23: {  	s9 =	sor.u32 $0xD0000000, s2;
	s6 =	simm.s32 $0x108;
	_ =	swait.ge @!p0 [sflag:s8], $0x0  }
0x24: {  	s3 =	sadd.s32 $0x88, s3;
	s6 =	simm.s32 @!p1 $0x1082;
	[sflag:s4] =	ssyncset.s32 $0xFFFFF086  }
0x25: {  	[simem:s6], [sflag:s4] =	dma.local [hbm:s3], $0xF7A  }
0x26: {  	[smem:$0x3F89] =	sst s1;
	(tag) =	ssettag s2;
	_ =	strace s9  }
0x27: {  	s1 =	sld [smem:$0x3F99]  }
0x28: {  	s2 =	sld [smem:$0x3F9A]  }
0x29: {  	s4 =	sld [smem:$0x3F9C]  }
0x2a: {  	p0 =	seq.s32 s5, $0x0;
	s5 =	sld [smem:$0x3F9D]  }
0x2b: {  	s6 =	sld [smem:$0x3F9E]  }
0x2c: {  	s7 =	sld [smem:$0x3F9F]  }
0x2d: {  	s3 =	simm.s32 $0x108;
	s8 =	sld [smem:$0x3FA0]  }
0x2e: {  	s3 =	simm.s32 @!p0 $0x1082;
	s9 =	sld [smem:$0x3FA1]  }
0x2f: {  	lr =	sadd.s32 s0, s3;
	s0 =	sld [smem:$0x3F98]  }
0x30: {  	s3 =	sld [smem:$0x3F9B]  }
0x31: {  	[smem:$0x3FA4] =	sst s10  }
0x32: {  	s10 =	sld [smem:$0x3FA2];
	_ =	sdelay $0x3  }
0x33: {  	p0 =	seq.s32 s10, $0x1;
	s10 =	sld [smem:$0x3FA4];
	_ =	sdelay $0x3  }
0x34: {  	[smem:$0x3FA4] =	sst s10  }
0x35: {  	s10 =	sld [smem:$0x3FA3];
	_ =	sdelay $0x3  }
0x36: {  	p1 =	seq.s32 s10, $0x1;
	s10 =	sld [smem:$0x3FA4];
	_ =	sdelay $0x3  }
0x37: {  	[smem:$0x3FA4] =	sst s10  }
0x38: {  	s10 =	sld [smem:$0x3FA5]  }
0x39: {  	_ = 	snop;
	(pc) =	sbr.ind lr, $3  }
0x3a: {  	_ = 	snop  }
0x3b: {  	_ = 	snop  }
0x3c: {  	p2 =	seq.s32 s10, $0x1;
	s10 =	sld [smem:$0x3FA4]  }
0x3d: {  	_ =	shalt  }
0x3e: {  	_ =	shalt  }
0x3f: {  	_ =	shalt  }
0x40: {  	_ =	shalt  }
0x41: {  	_ =	shalt  }
0x42: {  	_ =	shalt  }
0x43: {  	_ =	shalt  }
0x44: {  	_ =	shalt  }
0x45: {  	_ =	shalt  }
0x46: {  	_ =	shalt  }
0x47: {  	_ =	shalt  }
0x48: {  	_ =	shalt  }
0x49: {  	_ =	shalt  }
0x4a: {  	_ =	shalt  }
0x4b: {  	_ =	shalt  }
0x4c: {  	_ =	shalt  }
0x4d: {  	_ =	shalt  }
0x4e: {  	_ =	shalt  }
0x4f: {  	_ =	shalt  }
0x50: {  	_ =	shalt  }
0x51: {  	_ =	shalt  }
0x52: {  	_ =	shalt  }
0x53: {  	_ =	shalt  }
0x54: {  	_ =	shalt  }
0x55: {  	_ =	shalt  }
0x56: {  	_ =	shalt  }
0x57: {  	_ =	shalt  }
0x58: {  	_ =	shalt  }
0x59: {  	_ =	shalt  }
0x5a: {  	_ =	shalt  }
0x5b: {  	_ =	shalt  }
0x5c: {  	_ =	shalt  }
0x5d: {  	_ =	shalt  }
0x5e: {  	_ =	shalt  }
0x5f: {  	_ =	shalt  }
0x60: {  	_ =	shalt  }
0x61: {  	_ =	shalt  }
0x62: {  	_ =	shalt  }
0x63: {  	_ =	shalt  }
0x64: {  	_ =	shalt  }
0x65: {  	_ =	shalt  }
0x66: {  	_ =	shalt  }
0x67: {  	_ =	shalt  }
0x68: {  	_ =	shalt  }
0x69: {  	_ =	shalt  }
0x6a: {  	_ =	shalt  }
0x6b: {  	_ =	shalt  }
0x6c: {  	_ =	shalt  }
0x6d: {  	_ =	shalt  }
0x6e: {  	_ =	shalt  }
0x6f: {  	_ =	shalt  }
0x70: {  	_ =	shalt  }
0x71: {  	_ =	shalt  }
0x72: {  	_ =	shalt  }
0x73: {  	_ =	shalt  }
0x74: {  	_ =	shalt  }
0x75: {  	_ =	shalt  }
0x76: {  	_ =	shalt  }
0x77: {  	_ =	shalt  }
0x78: {  	_ =	shalt  }
0x79: {  	_ =	shalt  }
0x7a: {  	_ =	shalt  }
0x7b: {  	_ =	shalt  }
0x7c: {  	_ =	shalt  }
0x7d: {  	_ =	shalt  }
0x7e: {  	_ =	shalt  }
0x7f: {  	_ =	shalt  }
0x80: {  	_ =	shalt  }
0x81: {  	_ =	shalt  }
0x82: {  	_ =	shalt  }
0x83: {  	_ =	shalt  }
0x84: {  	_ =	shalt  }
0x85: {  	_ =	shalt  }
0x86: {  	_ =	shalt  }
0x87: {  	_ =	shalt  }
.Lfunc_end0:
.L_simem_size_0:
called_computation.2_lowered:
.L_overlay_start_0:
0x88: {  	s2 =	sld [smem:$0x3FD9]  }
0x89: {  	s3 =	sld [smem:$0x3FFE];
	_ =	sdelay $0x1  }
0x8a: {  	s1 =	srdreg.scid  }
0x8b: {  	s0 =	sand.u32 $0x1, s1  }
0x8c: {  	s17 =	sshll.u32 s0, $0xA;
	s2 =	sadd.s32 s3, s2  }
0x8d: {  	s2 =	sadd.s32 s2, s17  }
0x8e: {  	[smem:$0x3FB0] =	sst s2  }
0x8f: {  	_ = 	snop  }
0x90: {  	s2 =	sld [smem:$0x3FD0];
	(tm) =	ssettm $0x1  }
0x91: {  	s18 =	sld [smem:$0x3FFB];
	_ =	sdelay $0x3  }
0x92: {  	_ =	strace s18  }
0x93: {  	s3 =	sld [smem:$0x3FFC];
	_ =	sdelay $0x3  }
0x94: {  	_ =	strace s3  }
0x95: {  	s3 =	sld [smem:$0x3FFD];
	_ =	sdelay $0x3  }
0x96: {  	_ =	strace s3  }
0x97: {  	_ =	strace $0x8FFFFFFF  }
0x98: {  	s19 =	sld [smem:$0x3FDB];
	_ =	sdelay $0x1  }
0x99: {  	s4 =	simm.s32 $_scs_section_size  }
0x9a: {  	s5 =	simm.s32 $_size__tile_overlayer_lowered;
	s6 =	simm.s32 $_tile_overlayer_lowered  }
0x9b: {  	s22 =	simm.s32 $0x1BFF;
	s21 =	sshll.u32 s6, $0x1;
	s3 =	sadd.s32 s4, s19  }
0x9c: {  	s7 =	simm.s32 $0x0;
	s20 =	sshll.u32 s5, $0x1;
	s5 =	sadd.s32 s21, s3  }
0x9d: {  	[timem:s7], [sflag:s22] =	dma.local [hbm:s5], s20  }
0x9e: {  	_ =	swait.ge [sflag:s22], s20  }
0x9f: {  	s4 =	ssub.s32 $0x0, s20;
	[sflag:s22] =	ssyncset.done $0x0  }
0xa0: {  	[sflag:s22] =	ssyncadd.s32 s4;
	_ =	sdelay $0x1  }
0xa1: {  	s23 =	simm.s32 $0x1B8B  }
0xa2: {  	_ =	swait.ge [sflag:s23], $0x1  }
0xa3: {  	[sflag:s23] =	ssyncset.done $0x0  }
0xa4: {  	s25 =	simm.s32 $0x1B8E;
	s24 =	sld [smem:$0x3FFE];
	[sflag:s23] =	ssyncadd.s32 $0xFFFFFFFF  }
0xa5: {  	s26 =	simm.s32 $execute0_lowered;
	[smem:$0x3FD2] =	sst s25  }
0xa6: {  	s5 =	sshll.u32 s26, $0x1;
	_ =	strace $0x8000004C;
	[dreg:$0x1] =	wrdreg $0xFFFFFFFF  }
0xa7: {  	s28 =	simm.s32 $_size_execute0_lowered;
	s3 =	sadd.s32 s3, s5;
	[dreg:$0x0] =	wrdreg $0x0  }
0xa8: {  	s5 =	sshll.u32 s28, $0x1;
	[dreg:$0x2] =	wrdreg s3  }
0xa9: {  	[dreg:$0x3] =	wrdreg s5  }
0xaa: {  	[dreg:$0x4] =	wrdreg $0xC0  }
0xab: {  	_ =	task [dreg:s7], $0x5FFFF  }
0xac: {  	[dreg:$0x1] =	wrdreg $0xFFFFFFFF  }
0xad: {  	[dreg:$0x0] =	wrdreg $0x60  }
0xae: {  	[dreg:$0x2] =	wrdreg s2  }
0xaf: {  	[dreg:$0x3] =	wrdreg s24  }
0xb0: {  	[dreg:$0x4] =	wrdreg $0x51000  }
0xb1: {  	[dreg:$0x5] =	wrdreg $0x9  }
0xb2: {  	_ =	task.clear_ibuf [dreg:s7], $0x6FFFF;
	_ =	strace $0x9000004C  }
0xb3: {  	s29 =	simm.s32 $0x9;
	_ =	strace $0x8000004E  }
0xb4: {  	_ =	swait.ge [sflag:s29], $0x1  }
0xb5: {  	[sflag:s29] =	ssyncadd.s32 $0xFFFFFFFF  }
0xb6: {  	_ =	strace $0x9000004E  }
0xb7: {  	_ =	sfence  }
0xb8: {  	s30 =	sld [smem:$0x0];
	_ =	sdelay $0x2  }
0xb9: {  	s31 =	sshll.u32 s1, $0xD;
	s1 =	sshrl.u32 s1, $0x2  }
0xba: {  	s3 =	sand.u32 $0x4000, s31;
	s1 =	sadd.s32 s1, s30  }
0xbb: {  	s0 =	sor.u32 s3, s0;
	s1 =	sshll.u32 s1, $0x11  }
0xbc: {  	s0 =	sor.u32 s1, s0  }
0xbd: {  	s0 =	sadd.s32 $0x8F2B, s0  }
0xbe: {  	[sflag:s0] =	ssyncadd.remote.s32 $0x1  }
0xbf: {  	_ =	sfence.sel $0xFFFF  }
0xc0: {  	[dreg:$0x0] =	wrdreg $0xFFFFFFFF;
	(pc) =	sbr.abs _section_cstart, $3  }
0xc1: {  	[dreg:$0x1] =	wrdreg $0xFFFFFFFF  }
0xc2: {  	_ =	task.clear_ibuf [dreg:s7], $0x2FFFF;
	_ =	strace $0x9FFFFFFF  }
0xc3: {  	(tm) =	ssettm $0x7FFFFFFF  }
tec
execute0_lowered:
.L_overlay_start_1:
0x0: {  	(tag) =	ssettag $0x1  }
0x1: {  	s1 =	rddreg [dreg:$0x0]  }
0x2: {  	s8 =	rddreg [dreg:$0x1]  }
0x3: {  	s3 =	rddreg [dreg:$0x2]  }
0x4: {  	s0 =	rddreg [dreg:$0x3];
	s4 =	simm.s32 $0x0;
	s2 =	stileid.u32  }
0x5: {  	s5 =	srdreg.scid;
	s16 =	simm.s32 $0x50;
	s17 =	simm.s32 $0x100  }
0x6: {  	s18 =	simm.s32 $0x2900;
	s19 =	simm.s32 $0x1;
	[smem:$0x7FF] =	sst s4  }
0x7: {  	s9 =	smul.u32 $0x14000, s2;
	s10 =	sand.u32 $0x1, s5;
	s5 =	sadd.s32 $0xFA9000, s8  }
0x8: {  	s24 =	simm.s32 $0x0;
	s6 =	sadd.s32 $0x501800, s8;
	s7 =	sadd.s32 $0x4F7A00, s8  }
0x9: {  	s13 =	smul.u32 $0x50000, s2;
	s31 =	sshll.u32 s2, $0x6;
	_ =	strace $0x8000004D  }
0xa: {  	s11 =	smul.u32 $0x140000, s10;
	s26 =	ssub.s32 $0x2, s10;
	s30 =	sshll.u32 s10, $0x4  }
0xb: {  	s12 =	sshrl.u32 s9, $0x3;
	s28 =	sshrl.u32 s26, $0x1;
	s29 =	sshrl.u32 s13, $0x2  }
0xc: {  	s10 =	sor.u32 s2, s30;
	s9 =	sadd.s32 s9, s11;
	s12 =	sadd.s32 s12, s8  }
0xd: {  	s15 =	ssub.s32 s26, s28;
	s13 =	sadd.s32 s29, s3;
	s9 =	sshrl.u32 s9, $0x3  }
0xe: {  	s10 =	smul.u32 $0x2710, s10;
	s13 =	sshrl.u32 s13, $0x3;
	s14 =	sadd.s32 s9, s8  }
0xf: {  	s8 =	sadd.s32 $0xA3BA00, s12;
	s9 =	sor.u32 $0x1C02, s31;
	s12 =	smax.u32 s15, $0x1  }
0x10: {  	s15 =	simm.s32 $0x80;
	s11 =	sadd.s32 $0x50B600, s14;
	s14 =	simm.s32 $0x2  }
.LBB2_1:
0x11: {  	[spmem:s13], [sflag:s9] =	dma.local [hbm:s8], $0x2800  }
0x12: {  	_ =	swait.ge [sflag:s14], $0x2800  }
0x13: {  	[sflag:s14] =	ssyncset.done $0x0  }
0x14: {  	[sflag:s14] =	ssyncadd.s32 $0xFFFFD800  }
0x15: {  	s20 =	simm.s32 $0x0;
	[bflag:$0x0] =	sbarrier.arrive $0xFFFF  }
.LBB2_2:
0x16: {  	s21 =	smul.u32 $0x50, s20;
	_ =	sdelay $0x1  }
0x17: {  	s21 =	sadd.s32 s10, s21  }
0x18: {  	s22 =	sshrl.u32 s21, $0x3  }
0x19: {  	s23 =	sadd.s32 s6, s22  }
0x1a: {  	[tilespmem:s24], [sflag:$0x2] =	stream.linear.gather [hbm4b:s23+s24], $0x50, $0x38;
	[tilespmem:$0x19100] =	vst v63  }
0x1b: {  	_ =	swait.ge [sflag:s14], $0x50  }
0x1c: {  	[sflag:s14] =	ssyncset.done $0x0  }
0x1d: {  	s22 =	sadd.s32 s7, s22;
	[sflag:s14] =	ssyncadd.s32 $0xFFFFFFB0  }
0x1e: {  	[tilespmem:s15], [sflag:$0x2] =	stream.linear.gather [hbm4b:s22+s24], $0x50, $0x38;
	[tilespmem:$0x19100] =	vst v63  }
0x1f: {  	_ =	swait.ge [sflag:s14], $0x50  }
0x20: {  	[sflag:s14] =	ssyncset.done $0x0  }
0x21: {  	s21 =	sshll.u32 s21, $0x4;
	[sflag:s14] =	ssyncadd.s32 $0xFFFFFFB0  }
0x22: {  	[tilespmem:s17], [sflag:$0x1] =	stream.indirect.gather [hbm4b:s1+s16], $0x80, s24, s16, $0xb8;
	[tilespmem:$0x19100] =	vst v63  }
0x23: {  	s21 =	sadd.s32 s5, s21  }
0x24: {  	[tilespmem:s18], [sflag:$0x2] =	stream.linear.gather [hbm4b:s21+s24], $0x2800, $0x38;
	[tilespmem:$0x19100] =	vst v63  }
0x25: {  	_ =	swait.ge [sflag:s14], $0x2800  }
0x26: {  	[sflag:s14] =	ssyncset.done $0x0  }
0x27: {  	[sflag:s14] =	ssyncadd.s32 $0xFFFFD800  }
0x28: {  	_ =	swait.ge [sflag:s19], $0x2800  }
0x29: {  	[sflag:s19] =	ssyncset.done $0x0  }
0x2a: {  	s21 =	simm.s32 $0x0;
	[sflag:s19] =	ssyncadd.s32 $0xFFFFD800  }
0x2b: {  	v6 =	vld [tilespmem:s21+$0x2900]  }
0x2c: {  	v11 =	vld [tilespmem:s21+$0x2910]  }
0x2d: {  	v5 =	vld [tilespmem:s21+$0x2920]  }
0x2e: {  	v4 =	vld [tilespmem:s21+$0x2930]  }
0x2f: {  	v3 =	vld [tilespmem:s21+$0x2940]  }
0x30: {  	v2 =	vld [tilespmem:s21+$0x2950]  }
0x31: {  	v1 =	vld [tilespmem:s21+$0x2960]  }
0x32: {  	v0 =	vld [tilespmem:s21+$0x2970]  }
0x33: {  	v12 =	vld [tilespmem:s21+$0x100]  }
0x34: {  	v13 =	vld [tilespmem:s21+$0x110]  }
0x35: {  	v10 =	vld [tilespmem:s21+$0x120]  }
0x36: {  	v9 =	vld [tilespmem:s21+$0x130]  }
0x37: {  	v8 =	vld [tilespmem:s21+$0x140]  }
0x38: {  	v7 =	vld [tilespmem:s21+$0x150];
	v12 =	vadd.f32 v6, v12  }
0x39: {  	s22 =	simm.s32 $0x200;
	v11 =	vadd.f32 v11, v13;
	v6 =	vld [tilespmem:s21+$0x160]  }
.LBB2_3:
0x3a: {  	s23 =	sshra.s32 s22, $0x2;
	p0 =	sne.s32 s22, $0x9E00;
	v12 =	vmax.f32 v12, $0.0e+00;
	v5 =	vadd.f32 v5, v10;
	v10 =	vld [tilespmem:s21+$0x170]  }
0x3b: {  	v13 =	vld [tilespmem:s23+$0x2900];
	[tilespmem:s21+$0x100] =	vst v12;
	v11 =	vmax.f32 v11, $0.0e+00;
	v4 =	vadd.f32 v4, v9  }
0x3c: {  	v14 =	vld [tilespmem:s23+$0x2910];
	[tilespmem:s21+$0x110] =	vst v11;
	v9 =	vmax.f32 v5, $0.0e+00;
	v3 =	vadd.f32 v3, v8  }
0x3d: {  	v5 =	vld [tilespmem:s23+$0x2920];
	[tilespmem:s21+$0x120] =	vst v9;
	v8 =	vmax.f32 v4, $0.0e+00;
	v2 =	vadd.f32 v2, v7  }
0x3e: {  	v4 =	vld [tilespmem:s23+$0x2930];
	[tilespmem:s21+$0x130] =	vst v8;
	v7 =	vmax.f32 v3, $0.0e+00;
	v1 =	vadd.f32 v1, v6  }
0x3f: {  	v3 =	vld [tilespmem:s23+$0x2940];
	[tilespmem:s21+$0x140] =	vst v7;
	v6 =	vmax.f32 v2, $0.0e+00;
	v0 =	vadd.f32 v0, v10  }
0x40: {  	v2 =	vld [tilespmem:s23+$0x2950];
	[tilespmem:s21+$0x150] =	vst v6;
	v6 =	vmax.f32 v1, $0.0e+00  }
0x41: {  	v1 =	vld [tilespmem:s23+$0x2960];
	[tilespmem:s21+$0x160] =	vst v6;
	v6 =	vmax.f32 v0, $0.0e+00  }
0x42: {  	v0 =	vld [tilespmem:s23+$0x2970];
	[tilespmem:s21+$0x170] =	vst v6;
	s21 =	smov.u32 s23  }
0x43: {  	v6 =	vld [tilespmem:s21+$0x100]  }
0x44: {  	v11 =	vld [tilespmem:s21+$0x110]  }
.Ltmp0:
0x45: {  	v10 =	vld [tilespmem:s21+$0x120];
	(pc) =	sbr.rel @p0 .LBB2_3-.Ltmp0, $4  }
0x46: {  	v9 =	vld [tilespmem:s21+$0x130]  }
0x47: {  	v8 =	vld [tilespmem:s21+$0x140]  }
0x48: {  	v12 =	vadd.f32 v13, v6;
	v7 =	vld [tilespmem:s21+$0x150]  }
0x49: {  	s22 =	sadd.s32 $0x200, s22;
	v11 =	vadd.f32 v14, v11;
	v6 =	vld [tilespmem:s21+$0x160]  }
0x4a: {  	v12 =	vmax.f32 v12, $0.0e+00;
	v5 =	vadd.f32 v5, v10;
	v63 =	vld [tilespmem:s21+$0x170]  }
0x4b: {  	[tilespmem:s21+$0x100] =	vst v12;
	v11 =	vmax.f32 v11, $0.0e+00;
	v4 =	vadd.f32 v4, v9  }
0x4c: {  	[tilespmem:s21+$0x110] =	vst v11;
	v5 =	vmax.f32 v5, $0.0e+00;
	v3 =	vadd.f32 v3, v8  }
0x4d: {  	[tilespmem:s21+$0x120] =	vst v5;
	v4 =	vmax.f32 v4, $0.0e+00;
	v2 =	vadd.f32 v2, v7  }
0x4e: {  	[tilespmem:s21+$0x130] =	vst v4;
	v3 =	vmax.f32 v3, $0.0e+00;
	v1 =	vadd.f32 v1, v6  }
0x4f: {  	[tilespmem:s21+$0x140] =	vst v3;
	v2 =	vmax.f32 v2, $0.0e+00;
	v0 =	vadd.f32 v0, v63  }
0x50: {  	s20 =	sadd.s32 $0x1, s20;
	[tilespmem:s21+$0x150] =	vst v2;
	v1 =	vmax.f32 v1, $0.0e+00  }
0x51: {  	p0 =	sne.s32 s20, $0x7D;
	[tilespmem:s21+$0x160] =	vst v1;
	v0 =	vmax.f32 v0, $0.0e+00  }
.Ltmp1:
0x52: {  	[tilespmem:s21+$0x170] =	vst v0;
	(pc) =	sbr.rel @p0 .LBB2_2-.Ltmp1, $4  }
0x53: {  	[spmem:s3] =	stream.indirect.scatter.add.f32 [tilespmem:s17], [sflag:$0x2], $0x80, s15, s16, $0xb8;
	[tilespmem:$0x19100] =	vst v63  }
0x54: {  	_ =	swait.ge [sflag:s14], $0x2800  }
0x55: {  	[sflag:s14] =	ssyncset.done $0x0  }
0x56: {  	[sflag:s14] =	ssyncadd.s32 $0xFFFFD800  }
0x57: {  	s4 =	sadd.s32 $0x1, s4  }
0x58: {  	p0 =	sne.s32 s4, s12  }
.Ltmp2:
0x59: {  	[bflag:$0x0] =	sbarrier.arrive $0xFFFF;
	(pc) =	sbr.rel @p0 .LBB2_1-.Ltmp2, $4  }
0x5a: {  	[hbm:s11], [sflag:s9] =	dma.local [spmem:s13], $0x2800  }
0x5b: {  	_ =	swait.ge [sflag:s14], $0x2800  }
0x5c: {  	[sflag:s14] =	ssyncset.done $0x0  }
0x5d: {  	[sflag:s14] =	ssyncadd.s32 $0xFFFFD800  }
0x5e: {  	_ =	sfence.sel $0x180000  }
0x5f: {  	[bflag:$0x0] =	sbarrier.arrive $0xFFFF  }
0x60: {  	p0 =	sne.s32 s2, $0x0;
	_ =	strace $0x9000004D  }
0x61: {  	s0 =	sadd.s32 @!p0 $0x100000, s0;
	[bflag:$0x2] =	sbarrier.arrive $0xFFFF  }
0x62: {  	[sflag:s0] =	ssyncadd.tile.s32 @!p0 $0x1;
	_ =	shalt  }
.Lfunc_end2:
_tile_overlayer_lowered:
.L_overlay_start_2:
0x63: {  	(tag) =	ssettag $0x2  }
0x64: {  	s0 =	rddreg [dreg:$0x0];
	s2 =	stileid.u32  }
0x65: {  	s1 =	rddreg [dreg:$0x1];
	p0 =	sne.s32 s2, $0x0  }
0x66: {  	s3 =	rddreg [dreg:$0x2];
	[bflag:$0x3] =	sbarrier.arrive $0xFFFF;
	s2 =	simm.s32 @!p0 $0x1C02  }
0x67: {  	[timem:s3], [sflag:s2] =	dma.local @!p0 [hbm:s0], s1  }
0x68: {  	s0 =	simm.s32 @!p0 $0x2  }
0x69: {  	_ =	swait.ge @!p0 [sflag:s0], s1  }
0x6a: {  	s1 =	ssub.s32 @!p0 $0x0, s1;
	[sflag:s0] =	ssyncset.done @!p0 $0x0  }
0x6b: {  	[sflag:s0] =	ssyncadd.s32 @!p0 s1  }
0x6c: {  	[bflag:$0x3] =	sbarrier.arrive $0xFFFF  }
0x6d: {  	_ =	shalt  }

// kernel: kernel.42.cloned.1.call-start
scs
__scs_entry_jumppad:
0x0: {  	(pc) =	sbr.rel $0x88, $3  }
0x1: {  	(tag) =	ssettag $0x0;
	lr =	simm.s32 $0x1  }
0x2: {  	[smem:$0x3F89] =	sst lr;
	_ =	strace $0xD0000000  }
0x3: {  	_ = 	snop  }
0x4: {  	_ = 	snop  }
0x5: {  	_ = 	snop  }
0x6: {  	_ = 	snop  }
0x7: {  	_ = 	snop  }
__scs_overlays_trampoline_lowered:
0x8: {  	[smem:$0x3F98] =	sst s0  }
0x9: {  	[smem:$0x3F99] =	sst s1  }
0xa: {  	[smem:$0x3F9A] =	sst s2  }
0xb: {  	[smem:$0x3F9B] =	sst s3  }
0xc: {  	[smem:$0x3F9C] =	sst s4  }
0xd: {  	[smem:$0x3F9D] =	sst s5  }
0xe: {  	[smem:$0x3F9E] =	sst s6  }
0xf: {  	[smem:$0x3F9F] =	sst s7  }
0x10: {  	[smem:$0x3FA0] =	sst s8  }
0x11: {  	[smem:$0x3FA1] =	sst s9;
	s0 =	simm.s32 @!p0 $0x0  }
0x12: {  	s1 =	sld [smem:$0x3F87];
	s0 =	simm.s32 @p0 $0x1  }
0x13: {  	[smem:$0x3FA2] =	sst s0;
	s0 =	simm.s32 @!p1 $0x0  }
0x14: {  	s2 =	sld [smem:$0x3F86];
	s0 =	simm.s32 @p1 $0x1  }
0x15: {  	[smem:$0x3FA3] =	sst s0;
	s0 =	simm.s32 @!p2 $0x0  }
0x16: {  	s3 =	sld [smem:$0x3FDB];
	s0 =	simm.s32 @p2 $0x1  }
0x17: {  	s4 =	simm.s32 $0x1BF5;
	[smem:$0x3FA5] =	sst s0  }
0x18: {  	s0 =	sld [smem:$0x3F88];
	_ =	swait.ge [sflag:s4], $0x0  }
0x19: {  	s7 =	sld [smem:$0x3F89]  }
0x1a: {  	s8 =	sadd.s32 $0xFFFFE003, lr  }
0x1b: {  	s9 =	sadd.s32 $0xFFFFFEF7, lr;
	s5 =	simm.s32 $0xFFFFFFFF;
	p2 =	slt.u32 s8, $0xFFFFF086  }
0x1c: {  	p1 =	slt.u32 s9, $0xF7A;
	s5 =	simm.s32 @!p2 $0x0  }
0x1d: {  	s5 =	simm.s32 @p1 $0x1;
	p0 =	seq.s32 s7, s2  }
0x1e: {  	s7 =	smul.u32 @!p0 $0xF7A, s2;
	p2 =	seq.s32 @!p0 s5, $0x0  }
0x1f: {  	s9 =	smul.u32 $0xF7A, s1;
	s8 =	simm.s32 @!p0 $0x1BF5;
	p2 =	por !p2, p0  }
0x20: {  	[sflag:s8] =	ssyncset.s32 @!p0 $0xFFFFF086;
	s6 =	sadd.s32 @!p0 s3, s7;
	s7 =	simm.s32 @!p0 $0x108  }
0x21: {  	s3 =	sadd.s32 s3, s9;
	s6 =	sadd.s32 @!p0 $0x88, s6;
	s7 =	simm.s32 @p2 $0x1082  }
0x22: {  	[simem:s7], [sflag:s8] =	dma.local @!p0 [hbm:s6], $0xF7A  }
0x23: {  	s9 =	sor.u32 $0xD0000000, s2;
	s6 =	simm.s32 $0x108;
	_ =	swait.ge @!p0 [sflag:s8], $0x0  }
0x24: {  	s3 =	sadd.s32 $0x88, s3;
	s6 =	simm.s32 @!p1 $0x1082;
	[sflag:s4] =	ssyncset.s32 $0xFFFFF086  }
0x25: {  	[simem:s6], [sflag:s4] =	dma.local [hbm:s3], $0xF7A  }
0x26: {  	[smem:$0x3F89] =	sst s1;
	(tag) =	ssettag s2;
	_ =	strace s9  }
0x27: {  	s1 =	sld [smem:$0x3F99]  }
0x28: {  	s2 =	sld [smem:$0x3F9A]  }
0x29: {  	s4 =	sld [smem:$0x3F9C]  }
0x2a: {  	p0 =	seq.s32 s5, $0x0;
	s5 =	sld [smem:$0x3F9D]  }
0x2b: {  	s6 =	sld [smem:$0x3F9E]  }
0x2c: {  	s7 =	sld [smem:$0x3F9F]  }
0x2d: {  	s3 =	simm.s32 $0x108;
	s8 =	sld [smem:$0x3FA0]  }
0x2e: {  	s3 =	simm.s32 @!p0 $0x1082;
	s9 =	sld [smem:$0x3FA1]  }
0x2f: {  	lr =	sadd.s32 s0, s3;
	s0 =	sld [smem:$0x3F98]  }
0x30: {  	s3 =	sld [smem:$0x3F9B]  }
0x31: {  	[smem:$0x3FA4] =	sst s10  }
0x32: {  	s10 =	sld [smem:$0x3FA2];
	_ =	sdelay $0x3  }
0x33: {  	p0 =	seq.s32 s10, $0x1;
	s10 =	sld [smem:$0x3FA4];
	_ =	sdelay $0x3  }
0x34: {  	[smem:$0x3FA4] =	sst s10  }
0x35: {  	s10 =	sld [smem:$0x3FA3];
	_ =	sdelay $0x3  }
0x36: {  	p1 =	seq.s32 s10, $0x1;
	s10 =	sld [smem:$0x3FA4];
	_ =	sdelay $0x3  }
0x37: {  	[smem:$0x3FA4] =	sst s10  }
0x38: {  	s10 =	sld [smem:$0x3FA5]  }
0x39: {  	_ = 	snop;
	(pc) =	sbr.ind lr, $3  }
0x3a: {  	_ = 	snop  }
0x3b: {  	_ = 	snop  }
0x3c: {  	p2 =	seq.s32 s10, $0x1;
	s10 =	sld [smem:$0x3FA4]  }
0x3d: {  	_ =	shalt  }
0x3e: {  	_ =	shalt  }
0x3f: {  	_ =	shalt  }
0x40: {  	_ =	shalt  }
0x41: {  	_ =	shalt  }
0x42: {  	_ =	shalt  }
0x43: {  	_ =	shalt  }
0x44: {  	_ =	shalt  }
0x45: {  	_ =	shalt  }
0x46: {  	_ =	shalt  }
0x47: {  	_ =	shalt  }
0x48: {  	_ =	shalt  }
0x49: {  	_ =	shalt  }
0x4a: {  	_ =	shalt  }
0x4b: {  	_ =	shalt  }
0x4c: {  	_ =	shalt  }
0x4d: {  	_ =	shalt  }
0x4e: {  	_ =	shalt  }
0x4f: {  	_ =	shalt  }
0x50: {  	_ =	shalt  }
0x51: {  	_ =	shalt  }
0x52: {  	_ =	shalt  }
0x53: {  	_ =	shalt  }
0x54: {  	_ =	shalt  }
0x55: {  	_ =	shalt  }
0x56: {  	_ =	shalt  }
0x57: {  	_ =	shalt  }
0x58: {  	_ =	shalt  }
0x59: {  	_ =	shalt  }
0x5a: {  	_ =	shalt  }
0x5b: {  	_ =	shalt  }
0x5c: {  	_ =	shalt  }
0x5d: {  	_ =	shalt  }
0x5e: {  	_ =	shalt  }
0x5f: {  	_ =	shalt  }
0x60: {  	_ =	shalt  }
0x61: {  	_ =	shalt  }
0x62: {  	_ =	shalt  }
0x63: {  	_ =	shalt  }
0x64: {  	_ =	shalt  }
0x65: {  	_ =	shalt  }
0x66: {  	_ =	shalt  }
0x67: {  	_ =	shalt  }
0x68: {  	_ =	shalt  }
0x69: {  	_ =	shalt  }
0x6a: {  	_ =	shalt  }
0x6b: {  	_ =	shalt  }
0x6c: {  	_ =	shalt  }
0x6d: {  	_ =	shalt  }
0x6e: {  	_ =	shalt  }
0x6f: {  	_ =	shalt  }
0x70: {  	_ =	shalt  }
0x71: {  	_ =	shalt  }
0x72: {  	_ =	shalt  }
0x73: {  	_ =	shalt  }
0x74: {  	_ =	shalt  }
0x75: {  	_ =	shalt  }
0x76: {  	_ =	shalt  }
0x77: {  	_ =	shalt  }
0x78: {  	_ =	shalt  }
0x79: {  	_ =	shalt  }
0x7a: {  	_ =	shalt  }
0x7b: {  	_ =	shalt  }
0x7c: {  	_ =	shalt  }
0x7d: {  	_ =	shalt  }
0x7e: {  	_ =	shalt  }
0x7f: {  	_ =	shalt  }
0x80: {  	_ =	shalt  }
0x81: {  	_ =	shalt  }
0x82: {  	_ =	shalt  }
0x83: {  	_ =	shalt  }
0x84: {  	_ =	shalt  }
0x85: {  	_ =	shalt  }
0x86: {  	_ =	shalt  }
0x87: {  	_ =	shalt  }
.Lfunc_end0:
.L_simem_size_0:
called_computation.3_lowered:
.L_overlay_start_0:
0x88: {  	s2 =	sld [smem:$0x3FD9]  }
0x89: {  	s3 =	sld [smem:$0x3FFE];
	_ =	sdelay $0x1  }
0x8a: {  	s1 =	srdreg.scid  }
0x8b: {  	s0 =	sand.u32 $0x1, s1  }
0x8c: {  	s17 =	sshll.u32 s0, $0xA;
	s2 =	sadd.s32 s3, s2  }
0x8d: {  	s2 =	sadd.s32 s2, s17  }
0x8e: {  	[smem:$0x3FB0] =	sst s2  }
0x8f: {  	_ = 	snop  }
0x90: {  	s2 =	sld [smem:$0x3FD0];
	(tm) =	ssettm $0x1  }
0x91: {  	s18 =	sld [smem:$0x3FFB];
	_ =	sdelay $0x3  }
0x92: {  	_ =	strace s18  }
0x93: {  	s3 =	sld [smem:$0x3FFC];
	_ =	sdelay $0x3  }
0x94: {  	_ =	strace s3  }
0x95: {  	s3 =	sld [smem:$0x3FFD];
	_ =	sdelay $0x3  }
0x96: {  	_ =	strace s3  }
0x97: {  	_ =	strace $0x8FFFFFFF  }
0x98: {  	s19 =	sld [smem:$0x3FDB];
	_ =	sdelay $0x1  }
0x99: {  	s4 =	simm.s32 $_scs_section_size  }
0x9a: {  	s5 =	simm.s32 $_size__tile_overlayer_lowered;
	s6 =	simm.s32 $_tile_overlayer_lowered  }
0x9b: {  	s22 =	simm.s32 $0x1BFF;
	s21 =	sshll.u32 s6, $0x1;
	s3 =	sadd.s32 s4, s19  }
0x9c: {  	s7 =	simm.s32 $0x0;
	s20 =	sshll.u32 s5, $0x1;
	s5 =	sadd.s32 s21, s3  }
0x9d: {  	[timem:s7], [sflag:s22] =	dma.local [hbm:s5], s20  }
0x9e: {  	_ =	swait.ge [sflag:s22], s20  }
0x9f: {  	s4 =	ssub.s32 $0x0, s20;
	[sflag:s22] =	ssyncset.done $0x0  }
0xa0: {  	[sflag:s22] =	ssyncadd.s32 s4;
	_ =	sdelay $0x1  }
0xa1: {  	s23 =	simm.s32 $0x1B8B  }
0xa2: {  	_ =	swait.ge [sflag:s23], $0x1  }
0xa3: {  	[sflag:s23] =	ssyncset.done $0x0  }
0xa4: {  	s25 =	simm.s32 $0x1B8E;
	s24 =	sld [smem:$0x3FFE];
	[sflag:s23] =	ssyncadd.s32 $0xFFFFFFFF  }
0xa5: {  	s26 =	simm.s32 $execute0_lowered;
	[smem:$0x3FD2] =	sst s25  }
0xa6: {  	s5 =	sshll.u32 s26, $0x1;
	_ =	strace $0x8000004F;
	[dreg:$0x1] =	wrdreg $0xFFFFFFFF  }
0xa7: {  	s28 =	simm.s32 $_size_execute0_lowered;
	s3 =	sadd.s32 s3, s5;
	[dreg:$0x0] =	wrdreg $0x0  }
0xa8: {  	s5 =	sshll.u32 s28, $0x1;
	[dreg:$0x2] =	wrdreg s3  }
0xa9: {  	[dreg:$0x3] =	wrdreg s5  }
0xaa: {  	[dreg:$0x4] =	wrdreg $0xC0  }
0xab: {  	_ =	task [dreg:s7], $0x5FFFF  }
0xac: {  	[dreg:$0x1] =	wrdreg $0xFFFFFFFF  }
0xad: {  	[dreg:$0x0] =	wrdreg $0x60  }
0xae: {  	[dreg:$0x2] =	wrdreg s2  }
0xaf: {  	[dreg:$0x3] =	wrdreg s24  }
0xb0: {  	[dreg:$0x4] =	wrdreg $0x51000  }
0xb1: {  	[dreg:$0x5] =	wrdreg $0x9  }
0xb2: {  	_ =	task.clear_ibuf [dreg:s7], $0x6FFFF;
	_ =	strace $0x9000004F  }
0xb3: {  	s29 =	simm.s32 $0x9;
	_ =	strace $0x80000051  }
0xb4: {  	_ =	swait.ge [sflag:s29], $0x1  }
0xb5: {  	[sflag:s29] =	ssyncadd.s32 $0xFFFFFFFF  }
0xb6: {  	_ =	strace $0x90000051  }
0xb7: {  	_ =	sfence  }
0xb8: {  	s30 =	sld [smem:$0x0];
	_ =	sdelay $0x2  }
0xb9: {  	s31 =	sshll.u32 s1, $0xD;
	s1 =	sshrl.u32 s1, $0x2  }
0xba: {  	s3 =	sand.u32 $0x4000, s31;
	s1 =	sadd.s32 s1, s30  }
0xbb: {  	s0 =	sor.u32 s3, s0;
	s1 =	sshll.u32 s1, $0x11  }
0xbc: {  	s0 =	sor.u32 s1, s0  }
0xbd: {  	s0 =	sadd.s32 $0x8F2B, s0  }
0xbe: {  	[sflag:s0] =	ssyncadd.remote.s32 $0x1  }
0xbf: {  	_ =	sfence.sel $0xFFFF  }
0xc0: {  	[dreg:$0x0] =	wrdreg $0xFFFFFFFF;
	(pc) =	sbr.abs _section_cstart, $3  }
0xc1: {  	[dreg:$0x1] =	wrdreg $0xFFFFFFFF  }
0xc2: {  	_ =	task.clear_ibuf [dreg:s7], $0x2FFFF;
	_ =	strace $0x9FFFFFFF  }
0xc3: {  	(tm) =	ssettm $0x7FFFFFFF  }
tec
execute0_lowered:
.L_overlay_start_1:
0x0: {  	(tag) =	ssettag $0x1  }
0x1: {  	s1 =	rddreg [dreg:$0x0]  }
0x2: {  	s8 =	rddreg [dreg:$0x1]  }
0x3: {  	s3 =	rddreg [dreg:$0x2]  }
0x4: {  	s0 =	rddreg [dreg:$0x3];
	s4 =	simm.s32 $0x0;
	s2 =	stileid.u32  }
0x5: {  	s5 =	srdreg.scid;
	s16 =	simm.s32 $0x50;
	s17 =	simm.s32 $0x100  }
0x6: {  	s18 =	simm.s32 $0x2900;
	s19 =	simm.s32 $0x1;
	[smem:$0x7FF] =	sst s4  }
0x7: {  	s9 =	smul.u32 $0x14000, s2;
	s10 =	sand.u32 $0x1, s5;
	s5 =	sadd.s32 $0xAB4400, s8  }
0x8: {  	s24 =	simm.s32 $0x0;
	s6 =	sadd.s32 $0x501800, s8;
	s7 =	sadd.s32 $0x4F7A00, s8  }
0x9: {  	s13 =	smul.u32 $0x50000, s2;
	s31 =	sshll.u32 s2, $0x6;
	_ =	strace $0x80000050  }
0xa: {  	s11 =	smul.u32 $0x140000, s10;
	s26 =	ssub.s32 $0x2, s10;
	s30 =	sshll.u32 s10, $0x4  }
0xb: {  	s12 =	sshrl.u32 s9, $0x3;
	s28 =	sshrl.u32 s26, $0x1;
	s29 =	sshrl.u32 s13, $0x2  }
0xc: {  	s10 =	sor.u32 s2, s30;
	s9 =	sadd.s32 s9, s11;
	s12 =	sadd.s32 s12, s8  }
0xd: {  	s15 =	ssub.s32 s26, s28;
	s13 =	sadd.s32 s29, s3;
	s9 =	sshrl.u32 s9, $0x3  }
0xe: {  	s10 =	smul.u32 $0x2710, s10;
	s13 =	sshrl.u32 s13, $0x3;
	s14 =	sadd.s32 s9, s8  }
0xf: {  	s8 =	sadd.s32 $0xA3BA00, s12;
	s9 =	sor.u32 $0x1C02, s31;
	s12 =	smax.u32 s15, $0x1  }
0x10: {  	s15 =	simm.s32 $0x80;
	s11 =	sadd.s32 $0x50B600, s14;
	s14 =	simm.s32 $0x2  }
.LBB2_1:
0x11: {  	[spmem:s13], [sflag:s9] =	dma.local [hbm:s8], $0x2800  }
0x12: {  	_ =	swait.ge [sflag:s14], $0x2800  }
0x13: {  	[sflag:s14] =	ssyncset.done $0x0  }
0x14: {  	[sflag:s14] =	ssyncadd.s32 $0xFFFFD800  }
0x15: {  	s20 =	simm.s32 $0x0;
	[bflag:$0x0] =	sbarrier.arrive $0xFFFF  }
.LBB2_2:
0x16: {  	s21 =	smul.u32 $0x50, s20;
	_ =	sdelay $0x1  }
0x17: {  	s21 =	sadd.s32 s10, s21  }
0x18: {  	s22 =	sshrl.u32 s21, $0x3  }
0x19: {  	s23 =	sadd.s32 s6, s22  }
0x1a: {  	[tilespmem:s24], [sflag:$0x2] =	stream.linear.gather [hbm4b:s23+s24], $0x50, $0x38;
	[tilespmem:$0x19100] =	vst v63  }
0x1b: {  	_ =	swait.ge [sflag:s14], $0x50  }
0x1c: {  	[sflag:s14] =	ssyncset.done $0x0  }
0x1d: {  	s22 =	sadd.s32 s7, s22;
	[sflag:s14] =	ssyncadd.s32 $0xFFFFFFB0  }
0x1e: {  	[tilespmem:s15], [sflag:$0x2] =	stream.linear.gather [hbm4b:s22+s24], $0x50, $0x38;
	[tilespmem:$0x19100] =	vst v63  }
0x1f: {  	_ =	swait.ge [sflag:s14], $0x50  }
0x20: {  	[sflag:s14] =	ssyncset.done $0x0  }
0x21: {  	s21 =	sshll.u32 s21, $0x4;
	[sflag:s14] =	ssyncadd.s32 $0xFFFFFFB0  }
0x22: {  	[tilespmem:s17], [sflag:$0x1] =	stream.indirect.gather [hbm4b:s1+s16], $0x80, s24, s16, $0xb8;
	[tilespmem:$0x19100] =	vst v63  }
0x23: {  	s21 =	sadd.s32 s5, s21  }
0x24: {  	[tilespmem:s18], [sflag:$0x2] =	stream.linear.gather [hbm4b:s21+s24], $0x2800, $0x38;
	[tilespmem:$0x19100] =	vst v63  }
0x25: {  	_ =	swait.ge [sflag:s14], $0x2800  }
0x26: {  	[sflag:s14] =	ssyncset.done $0x0  }
0x27: {  	[sflag:s14] =	ssyncadd.s32 $0xFFFFD800  }
0x28: {  	_ =	swait.ge [sflag:s19], $0x2800  }
0x29: {  	[sflag:s19] =	ssyncset.done $0x0  }
0x2a: {  	s21 =	simm.s32 $0x0;
	[sflag:s19] =	ssyncadd.s32 $0xFFFFD800  }
0x2b: {  	v6 =	vld [tilespmem:s21+$0x2900]  }
0x2c: {  	v11 =	vld [tilespmem:s21+$0x2910]  }
0x2d: {  	v5 =	vld [tilespmem:s21+$0x2920]  }
0x2e: {  	v4 =	vld [tilespmem:s21+$0x2930]  }
0x2f: {  	v3 =	vld [tilespmem:s21+$0x2940]  }
0x30: {  	v2 =	vld [tilespmem:s21+$0x2950]  }
0x31: {  	v1 =	vld [tilespmem:s21+$0x2960]  }
0x32: {  	v0 =	vld [tilespmem:s21+$0x2970]  }
0x33: {  	v12 =	vld [tilespmem:s21+$0x100]  }
0x34: {  	v13 =	vld [tilespmem:s21+$0x110]  }
0x35: {  	v10 =	vld [tilespmem:s21+$0x120]  }
0x36: {  	v9 =	vld [tilespmem:s21+$0x130]  }
0x37: {  	v8 =	vld [tilespmem:s21+$0x140]  }
0x38: {  	v7 =	vld [tilespmem:s21+$0x150];
	v12 =	vadd.f32 v6, v12  }
0x39: {  	s22 =	simm.s32 $0x200;
	v11 =	vadd.f32 v11, v13;
	v6 =	vld [tilespmem:s21+$0x160]  }
.LBB2_3:
0x3a: {  	s23 =	sshra.s32 s22, $0x2;
	p0 =	sne.s32 s22, $0x9E00;
	v12 =	vmax.f32 v12, $0.0e+00;
	v5 =	vadd.f32 v5, v10;
	v10 =	vld [tilespmem:s21+$0x170]  }
0x3b: {  	v13 =	vld [tilespmem:s23+$0x2900];
	[tilespmem:s21+$0x100] =	vst v12;
	v11 =	vmax.f32 v11, $0.0e+00;
	v4 =	vadd.f32 v4, v9  }
0x3c: {  	v14 =	vld [tilespmem:s23+$0x2910];
	[tilespmem:s21+$0x110] =	vst v11;
	v9 =	vmax.f32 v5, $0.0e+00;
	v3 =	vadd.f32 v3, v8  }
0x3d: {  	v5 =	vld [tilespmem:s23+$0x2920];
	[tilespmem:s21+$0x120] =	vst v9;
	v8 =	vmax.f32 v4, $0.0e+00;
	v2 =	vadd.f32 v2, v7  }
0x3e: {  	v4 =	vld [tilespmem:s23+$0x2930];
	[tilespmem:s21+$0x130] =	vst v8;
	v7 =	vmax.f32 v3, $0.0e+00;
	v1 =	vadd.f32 v1, v6  }
0x3f: {  	v3 =	vld [tilespmem:s23+$0x2940];
	[tilespmem:s21+$0x140] =	vst v7;
	v6 =	vmax.f32 v2, $0.0e+00;
	v0 =	vadd.f32 v0, v10  }
0x40: {  	v2 =	vld [tilespmem:s23+$0x2950];
	[tilespmem:s21+$0x150] =	vst v6;
	v6 =	vmax.f32 v1, $0.0e+00  }
0x41: {  	v1 =	vld [tilespmem:s23+$0x2960];
	[tilespmem:s21+$0x160] =	vst v6;
	v6 =	vmax.f32 v0, $0.0e+00  }
0x42: {  	v0 =	vld [tilespmem:s23+$0x2970];
	[tilespmem:s21+$0x170] =	vst v6;
	s21 =	smov.u32 s23  }
0x43: {  	v6 =	vld [tilespmem:s21+$0x100]  }
0x44: {  	v11 =	vld [tilespmem:s21+$0x110]  }
.Ltmp0:
0x45: {  	v10 =	vld [tilespmem:s21+$0x120];
	(pc) =	sbr.rel @p0 .LBB2_3-.Ltmp0, $4  }
0x46: {  	v9 =	vld [tilespmem:s21+$0x130]  }
0x47: {  	v8 =	vld [tilespmem:s21+$0x140]  }
0x48: {  	v12 =	vadd.f32 v13, v6;
	v7 =	vld [tilespmem:s21+$0x150]  }
0x49: {  	s22 =	sadd.s32 $0x200, s22;
	v11 =	vadd.f32 v14, v11;
	v6 =	vld [tilespmem:s21+$0x160]  }
0x4a: {  	v12 =	vmax.f32 v12, $0.0e+00;
	v5 =	vadd.f32 v5, v10;
	v63 =	vld [tilespmem:s21+$0x170]  }
0x4b: {  	[tilespmem:s21+$0x100] =	vst v12;
	v11 =	vmax.f32 v11, $0.0e+00;
	v4 =	vadd.f32 v4, v9  }
0x4c: {  	[tilespmem:s21+$0x110] =	vst v11;
	v5 =	vmax.f32 v5, $0.0e+00;
	v3 =	vadd.f32 v3, v8  }
0x4d: {  	[tilespmem:s21+$0x120] =	vst v5;
	v4 =	vmax.f32 v4, $0.0e+00;
	v2 =	vadd.f32 v2, v7  }
0x4e: {  	[tilespmem:s21+$0x130] =	vst v4;
	v3 =	vmax.f32 v3, $0.0e+00;
	v1 =	vadd.f32 v1, v6  }
0x4f: {  	[tilespmem:s21+$0x140] =	vst v3;
	v2 =	vmax.f32 v2, $0.0e+00;
	v0 =	vadd.f32 v0, v63  }
0x50: {  	s20 =	sadd.s32 $0x1, s20;
	[tilespmem:s21+$0x150] =	vst v2;
	v1 =	vmax.f32 v1, $0.0e+00  }
0x51: {  	p0 =	sne.s32 s20, $0x7D;
	[tilespmem:s21+$0x160] =	vst v1;
	v0 =	vmax.f32 v0, $0.0e+00  }
.Ltmp1:
0x52: {  	[tilespmem:s21+$0x170] =	vst v0;
	(pc) =	sbr.rel @p0 .LBB2_2-.Ltmp1, $4  }
0x53: {  	[spmem:s3] =	stream.indirect.scatter.add.f32 [tilespmem:s17], [sflag:$0x2], $0x80, s15, s16, $0xb8;
	[tilespmem:$0x19100] =	vst v63  }
0x54: {  	_ =	swait.ge [sflag:s14], $0x2800  }
0x55: {  	[sflag:s14] =	ssyncset.done $0x0  }
0x56: {  	[sflag:s14] =	ssyncadd.s32 $0xFFFFD800  }
0x57: {  	s4 =	sadd.s32 $0x1, s4  }
0x58: {  	p0 =	sne.s32 s4, s12  }
.Ltmp2:
0x59: {  	[bflag:$0x0] =	sbarrier.arrive $0xFFFF;
	(pc) =	sbr.rel @p0 .LBB2_1-.Ltmp2, $4  }
0x5a: {  	[hbm:s11], [sflag:s9] =	dma.local [spmem:s13], $0x2800  }
0x5b: {  	_ =	swait.ge [sflag:s14], $0x2800  }
0x5c: {  	[sflag:s14] =	ssyncset.done $0x0  }
0x5d: {  	[sflag:s14] =	ssyncadd.s32 $0xFFFFD800  }
0x5e: {  	_ =	sfence.sel $0x180000  }
0x5f: {  	[bflag:$0x0] =	sbarrier.arrive $0xFFFF  }
0x60: {  	p0 =	sne.s32 s2, $0x0;
	_ =	strace $0x90000050  }
0x61: {  	s0 =	sadd.s32 @!p0 $0x100000, s0;
	[bflag:$0x2] =	sbarrier.arrive $0xFFFF  }
0x62: {  	[sflag:s0] =	ssyncadd.tile.s32 @!p0 $0x1;
	_ =	shalt  }
.Lfunc_end2:
_tile_overlayer_lowered:
.L_overlay_start_2:
0x63: {  	(tag) =	ssettag $0x2  }
0x64: {  	s0 =	rddreg [dreg:$0x0];
	s2 =	stileid.u32  }
0x65: {  	s1 =	rddreg [dreg:$0x1];
	p0 =	sne.s32 s2, $0x0  }
0x66: {  	s3 =	rddreg [dreg:$0x2];
	[bflag:$0x3] =	sbarrier.arrive $0xFFFF;
	s2 =	simm.s32 @!p0 $0x1C02  }
0x67: {  	[timem:s3], [sflag:s2] =	dma.local @!p0 [hbm:s0], s1  }
0x68: {  	s0 =	simm.s32 @!p0 $0x2  }
0x69: {  	_ =	swait.ge @!p0 [sflag:s0], s1  }
0x6a: {  	s1 =	ssub.s32 @!p0 $0x0, s1;
	[sflag:s0] =	ssyncset.done @!p0 $0x0  }
0x6b: {  	[sflag:s0] =	ssyncadd.s32 @!p0 s1  }
0x6c: {  	[bflag:$0x3] =	sbarrier.arrive $0xFFFF  }
0x6d: {  	_ =	shalt  }

// kernel: kernel.45.cloned.1.call-start
scs
__scs_entry_jumppad:
0x0: {  	(pc) =	sbr.rel $0x88, $3  }
0x1: {  	(tag) =	ssettag $0x0;
	lr =	simm.s32 $0x1  }
0x2: {  	[smem:$0x3F89] =	sst lr;
	_ =	strace $0xD0000000  }
0x3: {  	_ = 	snop  }
0x4: {  	_ = 	snop  }
0x5: {  	_ = 	snop  }
0x6: {  	_ = 	snop  }
0x7: {  	_ = 	snop  }
__scs_overlays_trampoline_lowered:
0x8: {  	[smem:$0x3F98] =	sst s0  }
0x9: {  	[smem:$0x3F99] =	sst s1  }
0xa: {  	[smem:$0x3F9A] =	sst s2  }
0xb: {  	[smem:$0x3F9B] =	sst s3  }
0xc: {  	[smem:$0x3F9C] =	sst s4  }
0xd: {  	[smem:$0x3F9D] =	sst s5  }
0xe: {  	[smem:$0x3F9E] =	sst s6  }
0xf: {  	[smem:$0x3F9F] =	sst s7  }
0x10: {  	[smem:$0x3FA0] =	sst s8  }
0x11: {  	[smem:$0x3FA1] =	sst s9;
	s0 =	simm.s32 @!p0 $0x0  }
0x12: {  	s1 =	sld [smem:$0x3F87];
	s0 =	simm.s32 @p0 $0x1  }
0x13: {  	[smem:$0x3FA2] =	sst s0;
	s0 =	simm.s32 @!p1 $0x0  }
0x14: {  	s2 =	sld [smem:$0x3F86];
	s0 =	simm.s32 @p1 $0x1  }
0x15: {  	[smem:$0x3FA3] =	sst s0;
	s0 =	simm.s32 @!p2 $0x0  }
0x16: {  	s3 =	sld [smem:$0x3FDB];
	s0 =	simm.s32 @p2 $0x1  }
0x17: {  	s4 =	simm.s32 $0x1BF5;
	[smem:$0x3FA5] =	sst s0  }
0x18: {  	s0 =	sld [smem:$0x3F88];
	_ =	swait.ge [sflag:s4], $0x0  }
0x19: {  	s7 =	sld [smem:$0x3F89]  }
0x1a: {  	s8 =	sadd.s32 $0xFFFFE003, lr  }
0x1b: {  	s9 =	sadd.s32 $0xFFFFFEF7, lr;
	s5 =	simm.s32 $0xFFFFFFFF;
	p2 =	slt.u32 s8, $0xFFFFF086  }
0x1c: {  	p1 =	slt.u32 s9, $0xF7A;
	s5 =	simm.s32 @!p2 $0x0  }
0x1d: {  	s5 =	simm.s32 @p1 $0x1;
	p0 =	seq.s32 s7, s2  }
0x1e: {  	s7 =	smul.u32 @!p0 $0xF7A, s2;
	p2 =	seq.s32 @!p0 s5, $0x0  }
0x1f: {  	s9 =	smul.u32 $0xF7A, s1;
	s8 =	simm.s32 @!p0 $0x1BF5;
	p2 =	por !p2, p0  }
0x20: {  	[sflag:s8] =	ssyncset.s32 @!p0 $0xFFFFF086;
	s6 =	sadd.s32 @!p0 s3, s7;
	s7 =	simm.s32 @!p0 $0x108  }
0x21: {  	s3 =	sadd.s32 s3, s9;
	s6 =	sadd.s32 @!p0 $0x88, s6;
	s7 =	simm.s32 @p2 $0x1082  }
0x22: {  	[simem:s7], [sflag:s8] =	dma.local @!p0 [hbm:s6], $0xF7A  }
0x23: {  	s9 =	sor.u32 $0xD0000000, s2;
	s6 =	simm.s32 $0x108;
	_ =	swait.ge @!p0 [sflag:s8], $0x0  }
0x24: {  	s3 =	sadd.s32 $0x88, s3;
	s6 =	simm.s32 @!p1 $0x1082;
	[sflag:s4] =	ssyncset.s32 $0xFFFFF086  }
0x25: {  	[simem:s6], [sflag:s4] =	dma.local [hbm:s3], $0xF7A  }
0x26: {  	[smem:$0x3F89] =	sst s1;
	(tag) =	ssettag s2;
	_ =	strace s9  }
0x27: {  	s1 =	sld [smem:$0x3F99]  }
0x28: {  	s2 =	sld [smem:$0x3F9A]  }
0x29: {  	s4 =	sld [smem:$0x3F9C]  }
0x2a: {  	p0 =	seq.s32 s5, $0x0;
	s5 =	sld [smem:$0x3F9D]  }
0x2b: {  	s6 =	sld [smem:$0x3F9E]  }
0x2c: {  	s7 =	sld [smem:$0x3F9F]  }
0x2d: {  	s3 =	simm.s32 $0x108;
	s8 =	sld [smem:$0x3FA0]  }
0x2e: {  	s3 =	simm.s32 @!p0 $0x1082;
	s9 =	sld [smem:$0x3FA1]  }
0x2f: {  	lr =	sadd.s32 s0, s3;
	s0 =	sld [smem:$0x3F98]  }
0x30: {  	s3 =	sld [smem:$0x3F9B]  }
0x31: {  	[smem:$0x3FA4] =	sst s10  }
0x32: {  	s10 =	sld [smem:$0x3FA2];
	_ =	sdelay $0x3  }
0x33: {  	p0 =	seq.s32 s10, $0x1;
	s10 =	sld [smem:$0x3FA4];
	_ =	sdelay $0x3  }
0x34: {  	[smem:$0x3FA4] =	sst s10  }
0x35: {  	s10 =	sld [smem:$0x3FA3];
	_ =	sdelay $0x3  }
0x36: {  	p1 =	seq.s32 s10, $0x1;
	s10 =	sld [smem:$0x3FA4];
	_ =	sdelay $0x3  }
0x37: {  	[smem:$0x3FA4] =	sst s10  }
0x38: {  	s10 =	sld [smem:$0x3FA5]  }
0x39: {  	_ = 	snop;
	(pc) =	sbr.ind lr, $3  }
0x3a: {  	_ = 	snop  }
0x3b: {  	_ = 	snop  }
0x3c: {  	p2 =	seq.s32 s10, $0x1;
	s10 =	sld [smem:$0x3FA4]  }
0x3d: {  	_ =	shalt  }
0x3e: {  	_ =	shalt  }
0x3f: {  	_ =	shalt  }
0x40: {  	_ =	shalt  }
0x41: {  	_ =	shalt  }
0x42: {  	_ =	shalt  }
0x43: {  	_ =	shalt  }
0x44: {  	_ =	shalt  }
0x45: {  	_ =	shalt  }
0x46: {  	_ =	shalt  }
0x47: {  	_ =	shalt  }
0x48: {  	_ =	shalt  }
0x49: {  	_ =	shalt  }
0x4a: {  	_ =	shalt  }
0x4b: {  	_ =	shalt  }
0x4c: {  	_ =	shalt  }
0x4d: {  	_ =	shalt  }
0x4e: {  	_ =	shalt  }
0x4f: {  	_ =	shalt  }
0x50: {  	_ =	shalt  }
0x51: {  	_ =	shalt  }
0x52: {  	_ =	shalt  }
0x53: {  	_ =	shalt  }
0x54: {  	_ =	shalt  }
0x55: {  	_ =	shalt  }
0x56: {  	_ =	shalt  }
0x57: {  	_ =	shalt  }
0x58: {  	_ =	shalt  }
0x59: {  	_ =	shalt  }
0x5a: {  	_ =	shalt  }
0x5b: {  	_ =	shalt  }
0x5c: {  	_ =	shalt  }
0x5d: {  	_ =	shalt  }
0x5e: {  	_ =	shalt  }
0x5f: {  	_ =	shalt  }
0x60: {  	_ =	shalt  }
0x61: {  	_ =	shalt  }
0x62: {  	_ =	shalt  }
0x63: {  	_ =	shalt  }
0x64: {  	_ =	shalt  }
0x65: {  	_ =	shalt  }
0x66: {  	_ =	shalt  }
0x67: {  	_ =	shalt  }
0x68: {  	_ =	shalt  }
0x69: {  	_ =	shalt  }
0x6a: {  	_ =	shalt  }
0x6b: {  	_ =	shalt  }
0x6c: {  	_ =	shalt  }
0x6d: {  	_ =	shalt  }
0x6e: {  	_ =	shalt  }
0x6f: {  	_ =	shalt  }
0x70: {  	_ =	shalt  }
0x71: {  	_ =	shalt  }
0x72: {  	_ =	shalt  }
0x73: {  	_ =	shalt  }
0x74: {  	_ =	shalt  }
0x75: {  	_ =	shalt  }
0x76: {  	_ =	shalt  }
0x77: {  	_ =	shalt  }
0x78: {  	_ =	shalt  }
0x79: {  	_ =	shalt  }
0x7a: {  	_ =	shalt  }
0x7b: {  	_ =	shalt  }
0x7c: {  	_ =	shalt  }
0x7d: {  	_ =	shalt  }
0x7e: {  	_ =	shalt  }
0x7f: {  	_ =	shalt  }
0x80: {  	_ =	shalt  }
0x81: {  	_ =	shalt  }
0x82: {  	_ =	shalt  }
0x83: {  	_ =	shalt  }
0x84: {  	_ =	shalt  }
0x85: {  	_ =	shalt  }
0x86: {  	_ =	shalt  }
0x87: {  	_ =	shalt  }
.Lfunc_end0:
.L_simem_size_0:
called_computation.4_lowered:
.L_overlay_start_0:
0x88: {  	s2 =	sld [smem:$0x3FD9]  }
0x89: {  	s3 =	sld [smem:$0x3FFE];
	_ =	sdelay $0x1  }
0x8a: {  	s1 =	srdreg.scid  }
0x8b: {  	s0 =	sand.u32 $0x1, s1  }
0x8c: {  	s17 =	sshll.u32 s0, $0xA;
	s2 =	sadd.s32 s3, s2  }
0x8d: {  	s2 =	sadd.s32 s2, s17  }
0x8e: {  	[smem:$0x3FB0] =	sst s2  }
0x8f: {  	_ = 	snop  }
0x90: {  	s2 =	sld [smem:$0x3FD0];
	(tm) =	ssettm $0x1  }
0x91: {  	s18 =	sld [smem:$0x3FFB];
	_ =	sdelay $0x3  }
0x92: {  	_ =	strace s18  }
0x93: {  	s3 =	sld [smem:$0x3FFC];
	_ =	sdelay $0x3  }
0x94: {  	_ =	strace s3  }
0x95: {  	s3 =	sld [smem:$0x3FFD];
	_ =	sdelay $0x3  }
0x96: {  	_ =	strace s3  }
0x97: {  	_ =	strace $0x8FFFFFFF  }
0x98: {  	s19 =	sld [smem:$0x3FDB];
	_ =	sdelay $0x1  }
0x99: {  	s4 =	simm.s32 $_scs_section_size  }
0x9a: {  	s5 =	simm.s32 $_size__tile_overlayer_lowered;
	s6 =	simm.s32 $_tile_overlayer_lowered  }
0x9b: {  	s22 =	simm.s32 $0x1BFF;
	s21 =	sshll.u32 s6, $0x1;
	s3 =	sadd.s32 s4, s19  }
0x9c: {  	s7 =	simm.s32 $0x0;
	s20 =	sshll.u32 s5, $0x1;
	s5 =	sadd.s32 s21, s3  }
0x9d: {  	[timem:s7], [sflag:s22] =	dma.local [hbm:s5], s20  }
0x9e: {  	_ =	swait.ge [sflag:s22], s20  }
0x9f: {  	s4 =	ssub.s32 $0x0, s20;
	[sflag:s22] =	ssyncset.done $0x0  }
0xa0: {  	[sflag:s22] =	ssyncadd.s32 s4;
	_ =	sdelay $0x1  }
0xa1: {  	s23 =	simm.s32 $0x1B8B  }
0xa2: {  	_ =	swait.ge [sflag:s23], $0x1  }
0xa3: {  	[sflag:s23] =	ssyncset.done $0x0  }
0xa4: {  	s25 =	simm.s32 $0x1B8E;
	s24 =	sld [smem:$0x3FFE];
	[sflag:s23] =	ssyncadd.s32 $0xFFFFFFFF  }
0xa5: {  	s26 =	simm.s32 $execute0_lowered;
	[smem:$0x3FD2] =	sst s25  }
0xa6: {  	s5 =	sshll.u32 s26, $0x1;
	_ =	strace $0x80000052;
	[dreg:$0x1] =	wrdreg $0xFFFFFFFF  }
0xa7: {  	s28 =	simm.s32 $_size_execute0_lowered;
	s3 =	sadd.s32 s3, s5;
	[dreg:$0x0] =	wrdreg $0x0  }
0xa8: {  	s5 =	sshll.u32 s28, $0x1;
	[dreg:$0x2] =	wrdreg s3  }
0xa9: {  	[dreg:$0x3] =	wrdreg s5  }
0xaa: {  	[dreg:$0x4] =	wrdreg $0xC0  }
0xab: {  	_ =	task [dreg:s7], $0x5FFFF  }
0xac: {  	[dreg:$0x1] =	wrdreg $0xFFFFFFFF  }
0xad: {  	[dreg:$0x0] =	wrdreg $0x60  }
0xae: {  	[dreg:$0x2] =	wrdreg s2  }
0xaf: {  	[dreg:$0x3] =	wrdreg s24  }
0xb0: {  	[dreg:$0x4] =	wrdreg $0x51000  }
0xb1: {  	[dreg:$0x5] =	wrdreg $0x9  }
0xb2: {  	_ =	task.clear_ibuf [dreg:s7], $0x6FFFF;
	_ =	strace $0x90000052  }
0xb3: {  	s29 =	simm.s32 $0x9;
	_ =	strace $0x80000054  }
0xb4: {  	_ =	swait.ge [sflag:s29], $0x1  }
0xb5: {  	[sflag:s29] =	ssyncadd.s32 $0xFFFFFFFF  }
0xb6: {  	_ =	strace $0x90000054  }
0xb7: {  	_ =	sfence  }
0xb8: {  	s30 =	sld [smem:$0x0];
	_ =	sdelay $0x2  }
0xb9: {  	s31 =	sshll.u32 s1, $0xD;
	s1 =	sshrl.u32 s1, $0x2  }
0xba: {  	s3 =	sand.u32 $0x4000, s31;
	s1 =	sadd.s32 s1, s30  }
0xbb: {  	s0 =	sor.u32 s3, s0;
	s1 =	sshll.u32 s1, $0x11  }
0xbc: {  	s0 =	sor.u32 s1, s0  }
0xbd: {  	s0 =	sadd.s32 $0x8F2B, s0  }
0xbe: {  	[sflag:s0] =	ssyncadd.remote.s32 $0x1  }
0xbf: {  	_ =	sfence.sel $0xFFFF  }
0xc0: {  	[dreg:$0x0] =	wrdreg $0xFFFFFFFF;
	(pc) =	sbr.abs _section_cstart, $3  }
0xc1: {  	[dreg:$0x1] =	wrdreg $0xFFFFFFFF  }
0xc2: {  	_ =	task.clear_ibuf [dreg:s7], $0x2FFFF;
	_ =	strace $0x9FFFFFFF  }
0xc3: {  	(tm) =	ssettm $0x7FFFFFFF  }
tec
execute0_lowered:
.L_overlay_start_1:
0x0: {  	(tag) =	ssettag $0x1  }
0x1: {  	s1 =	rddreg [dreg:$0x0]  }
0x2: {  	s8 =	rddreg [dreg:$0x1]  }
0x3: {  	s3 =	rddreg [dreg:$0x2]  }
0x4: {  	s0 =	rddreg [dreg:$0x3];
	s4 =	simm.s32 $0x0;
	s2 =	stileid.u32  }
0x5: {  	s5 =	srdreg.scid;
	s16 =	simm.s32 $0x50;
	s17 =	simm.s32 $0x100  }
0x6: {  	s18 =	simm.s32 $0x2900;
	s19 =	simm.s32 $0x1;
	[smem:$0x7FF] =	sst s4  }
0x7: {  	s9 =	smul.u32 $0x14000, s2;
	s10 =	sand.u32 $0x1, s5;
	s5 =	sadd.s32 $0xFA9000, s8  }
0x8: {  	s24 =	simm.s32 $0x0;
	s6 =	sadd.s32 $0x501800, s8;
	s7 =	sadd.s32 $0x4F7A00, s8  }
0x9: {  	s13 =	smul.u32 $0x50000, s2;
	s31 =	sshll.u32 s2, $0x6;
	_ =	strace $0x80000053  }
0xa: {  	s11 =	smul.u32 $0x140000, s10;
	s26 =	ssub.s32 $0x2, s10;
	s30 =	sshll.u32 s10, $0x4  }
0xb: {  	s12 =	sshrl.u32 s9, $0x3;
	s28 =	sshrl.u32 s26, $0x1;
	s29 =	sshrl.u32 s13, $0x2  }
0xc: {  	s10 =	sor.u32 s2, s30;
	s9 =	sadd.s32 s9, s11;
	s12 =	sadd.s32 s12, s8  }
0xd: {  	s15 =	ssub.s32 s26, s28;
	s13 =	sadd.s32 s29, s3;
	s9 =	sshrl.u32 s9, $0x3  }
0xe: {  	s10 =	smul.u32 $0x2710, s10;
	s13 =	sshrl.u32 s13, $0x3;
	s14 =	sadd.s32 s9, s8  }
0xf: {  	s8 =	sadd.s32 $0xA3BA00, s12;
	s9 =	sor.u32 $0x1C02, s31;
	s12 =	smax.u32 s15, $0x1  }
0x10: {  	s15 =	simm.s32 $0x80;
	s11 =	sadd.s32 $0x50B600, s14;
	s14 =	simm.s32 $0x2  }
.LBB2_1:
0x11: {  	[spmem:s13], [sflag:s9] =	dma.local [hbm:s8], $0x2800  }
0x12: {  	_ =	swait.ge [sflag:s14], $0x2800  }
0x13: {  	[sflag:s14] =	ssyncset.done $0x0  }
0x14: {  	[sflag:s14] =	ssyncadd.s32 $0xFFFFD800  }
0x15: {  	s20 =	simm.s32 $0x0;
	[bflag:$0x0] =	sbarrier.arrive $0xFFFF  }
.LBB2_2:
0x16: {  	s21 =	smul.u32 $0x50, s20;
	_ =	sdelay $0x1  }
0x17: {  	s21 =	sadd.s32 s10, s21  }
0x18: {  	s22 =	sshrl.u32 s21, $0x3  }
0x19: {  	s23 =	sadd.s32 s6, s22  }
0x1a: {  	[tilespmem:s24], [sflag:$0x2] =	stream.linear.gather [hbm4b:s23+s24], $0x50, $0x38;
	[tilespmem:$0x19100] =	vst v63  }
0x1b: {  	_ =	swait.ge [sflag:s14], $0x50  }
0x1c: {  	[sflag:s14] =	ssyncset.done $0x0  }
0x1d: {  	s22 =	sadd.s32 s7, s22;
	[sflag:s14] =	ssyncadd.s32 $0xFFFFFFB0  }
0x1e: {  	[tilespmem:s15], [sflag:$0x2] =	stream.linear.gather [hbm4b:s22+s24], $0x50, $0x38;
	[tilespmem:$0x19100] =	vst v63  }
0x1f: {  	_ =	swait.ge [sflag:s14], $0x50  }
0x20: {  	[sflag:s14] =	ssyncset.done $0x0  }
0x21: {  	s21 =	sshll.u32 s21, $0x4;
	[sflag:s14] =	ssyncadd.s32 $0xFFFFFFB0  }
0x22: {  	[tilespmem:s17], [sflag:$0x1] =	stream.indirect.gather [hbm4b:s1+s16], $0x80, s24, s16, $0xb8;
	[tilespmem:$0x19100] =	vst v63  }
0x23: {  	s21 =	sadd.s32 s5, s21  }
0x24: {  	[tilespmem:s18], [sflag:$0x2] =	stream.linear.gather [hbm4b:s21+s24], $0x2800, $0x38;
	[tilespmem:$0x19100] =	vst v63  }
0x25: {  	_ =	swait.ge [sflag:s14], $0x2800  }
0x26: {  	[sflag:s14] =	ssyncset.done $0x0  }
0x27: {  	[sflag:s14] =	ssyncadd.s32 $0xFFFFD800  }
0x28: {  	_ =	swait.ge [sflag:s19], $0x2800  }
0x29: {  	[sflag:s19] =	ssyncset.done $0x0  }
0x2a: {  	s21 =	simm.s32 $0x0;
	[sflag:s19] =	ssyncadd.s32 $0xFFFFD800  }
0x2b: {  	v6 =	vld [tilespmem:s21+$0x2900]  }
0x2c: {  	v11 =	vld [tilespmem:s21+$0x2910]  }
0x2d: {  	v5 =	vld [tilespmem:s21+$0x2920]  }
0x2e: {  	v4 =	vld [tilespmem:s21+$0x2930]  }
0x2f: {  	v3 =	vld [tilespmem:s21+$0x2940]  }
0x30: {  	v2 =	vld [tilespmem:s21+$0x2950]  }
0x31: {  	v1 =	vld [tilespmem:s21+$0x2960]  }
0x32: {  	v0 =	vld [tilespmem:s21+$0x2970]  }
0x33: {  	v12 =	vld [tilespmem:s21+$0x100]  }
0x34: {  	v13 =	vld [tilespmem:s21+$0x110]  }
0x35: {  	v10 =	vld [tilespmem:s21+$0x120]  }
0x36: {  	v9 =	vld [tilespmem:s21+$0x130]  }
0x37: {  	v8 =	vld [tilespmem:s21+$0x140]  }
0x38: {  	v7 =	vld [tilespmem:s21+$0x150];
	v12 =	vadd.f32 v6, v12  }
0x39: {  	s22 =	simm.s32 $0x200;
	v11 =	vadd.f32 v11, v13;
	v6 =	vld [tilespmem:s21+$0x160]  }
.LBB2_3:
0x3a: {  	s23 =	sshra.s32 s22, $0x2;
	p0 =	sne.s32 s22, $0x9E00;
	v12 =	vmax.f32 v12, $0.0e+00;
	v5 =	vadd.f32 v5, v10;
	v10 =	vld [tilespmem:s21+$0x170]  }
0x3b: {  	v13 =	vld [tilespmem:s23+$0x2900];
	[tilespmem:s21+$0x100] =	vst v12;
	v11 =	vmax.f32 v11, $0.0e+00;
	v4 =	vadd.f32 v4, v9  }
0x3c: {  	v14 =	vld [tilespmem:s23+$0x2910];
	[tilespmem:s21+$0x110] =	vst v11;
	v9 =	vmax.f32 v5, $0.0e+00;
	v3 =	vadd.f32 v3, v8  }
0x3d: {  	v5 =	vld [tilespmem:s23+$0x2920];
	[tilespmem:s21+$0x120] =	vst v9;
	v8 =	vmax.f32 v4, $0.0e+00;
	v2 =	vadd.f32 v2, v7  }
0x3e: {  	v4 =	vld [tilespmem:s23+$0x2930];
	[tilespmem:s21+$0x130] =	vst v8;
	v7 =	vmax.f32 v3, $0.0e+00;
	v1 =	vadd.f32 v1, v6  }
0x3f: {  	v3 =	vld [tilespmem:s23+$0x2940];
	[tilespmem:s21+$0x140] =	vst v7;
	v6 =	vmax.f32 v2, $0.0e+00;
	v0 =	vadd.f32 v0, v10  }
0x40: {  	v2 =	vld [tilespmem:s23+$0x2950];
	[tilespmem:s21+$0x150] =	vst v6;
	v6 =	vmax.f32 v1, $0.0e+00  }
0x41: {  	v1 =	vld [tilespmem:s23+$0x2960];
	[tilespmem:s21+$0x160] =	vst v6;
	v6 =	vmax.f32 v0, $0.0e+00  }
0x42: {  	v0 =	vld [tilespmem:s23+$0x2970];
	[tilespmem:s21+$0x170] =	vst v6;
	s21 =	smov.u32 s23  }
0x43: {  	v6 =	vld [tilespmem:s21+$0x100]  }
0x44: {  	v11 =	vld [tilespmem:s21+$0x110]  }
.Ltmp0:
0x45: {  	v10 =	vld [tilespmem:s21+$0x120];
	(pc) =	sbr.rel @p0 .LBB2_3-.Ltmp0, $4  }
0x46: {  	v9 =	vld [tilespmem:s21+$0x130]  }
0x47: {  	v8 =	vld [tilespmem:s21+$0x140]  }
0x48: {  	v12 =	vadd.f32 v13, v6;
	v7 =	vld [tilespmem:s21+$0x150]  }
0x49: {  	s22 =	sadd.s32 $0x200, s22;
	v11 =	vadd.f32 v14, v11;
	v6 =	vld [tilespmem:s21+$0x160]  }
0x4a: {  	v12 =	vmax.f32 v12, $0.0e+00;
	v5 =	vadd.f32 v5, v10;
	v63 =	vld [tilespmem:s21+$0x170]  }
0x4b: {  	[tilespmem:s21+$0x100] =	vst v12;
	v11 =	vmax.f32 v11, $0.0e+00;
	v4 =	vadd.f32 v4, v9  }
0x4c: {  	[tilespmem:s21+$0x110] =	vst v11;
	v5 =	vmax.f32 v5, $0.0e+00;
	v3 =	vadd.f32 v3, v8  }
0x4d: {  	[tilespmem:s21+$0x120] =	vst v5;
	v4 =	vmax.f32 v4, $0.0e+00;
	v2 =	vadd.f32 v2, v7  }
0x4e: {  	[tilespmem:s21+$0x130] =	vst v4;
	v3 =	vmax.f32 v3, $0.0e+00;
	v1 =	vadd.f32 v1, v6  }
0x4f: {  	[tilespmem:s21+$0x140] =	vst v3;
	v2 =	vmax.f32 v2, $0.0e+00;
	v0 =	vadd.f32 v0, v63  }
0x50: {  	s20 =	sadd.s32 $0x1, s20;
	[tilespmem:s21+$0x150] =	vst v2;
	v1 =	vmax.f32 v1, $0.0e+00  }
0x51: {  	p0 =	sne.s32 s20, $0x7D;
	[tilespmem:s21+$0x160] =	vst v1;
	v0 =	vmax.f32 v0, $0.0e+00  }
.Ltmp1:
0x52: {  	[tilespmem:s21+$0x170] =	vst v0;
	(pc) =	sbr.rel @p0 .LBB2_2-.Ltmp1, $4  }
0x53: {  	[spmem:s3] =	stream.indirect.scatter.add.f32 [tilespmem:s17], [sflag:$0x2], $0x80, s15, s16, $0xb8;
	[tilespmem:$0x19100] =	vst v63  }
0x54: {  	_ =	swait.ge [sflag:s14], $0x2800  }
0x55: {  	[sflag:s14] =	ssyncset.done $0x0  }
0x56: {  	[sflag:s14] =	ssyncadd.s32 $0xFFFFD800  }
0x57: {  	s4 =	sadd.s32 $0x1, s4  }
0x58: {  	p0 =	sne.s32 s4, s12  }
.Ltmp2:
0x59: {  	[bflag:$0x0] =	sbarrier.arrive $0xFFFF;
	(pc) =	sbr.rel @p0 .LBB2_1-.Ltmp2, $4  }
0x5a: {  	[hbm:s11], [sflag:s9] =	dma.local [spmem:s13], $0x2800  }
0x5b: {  	_ =	swait.ge [sflag:s14], $0x2800  }
0x5c: {  	[sflag:s14] =	ssyncset.done $0x0  }
0x5d: {  	[sflag:s14] =	ssyncadd.s32 $0xFFFFD800  }
0x5e: {  	_ =	sfence.sel $0x180000  }
0x5f: {  	[bflag:$0x0] =	sbarrier.arrive $0xFFFF  }
0x60: {  	p0 =	sne.s32 s2, $0x0;
	_ =	strace $0x90000053  }
0x61: {  	s0 =	sadd.s32 @!p0 $0x100000, s0;
	[bflag:$0x2] =	sbarrier.arrive $0xFFFF  }
0x62: {  	[sflag:s0] =	ssyncadd.tile.s32 @!p0 $0x1;
	_ =	shalt  }
.Lfunc_end2:
_tile_overlayer_lowered:
.L_overlay_start_2:
0x63: {  	(tag) =	ssettag $0x2  }
0x64: {  	s0 =	rddreg [dreg:$0x0];
	s2 =	stileid.u32  }
0x65: {  	s1 =	rddreg [dreg:$0x1];
	p0 =	sne.s32 s2, $0x0  }
0x66: {  	s3 =	rddreg [dreg:$0x2];
	[bflag:$0x3] =	sbarrier.arrive $0xFFFF;
	s2 =	simm.s32 @!p0 $0x1C02  }
0x67: {  	[timem:s3], [sflag:s2] =	dma.local @!p0 [hbm:s0], s1  }
0x68: {  	s0 =	simm.s32 @!p0 $0x2  }
0x69: {  	_ =	swait.ge @!p0 [sflag:s0], s1  }
0x6a: {  	s1 =	ssub.s32 @!p0 $0x0, s1;
	[sflag:s0] =	ssyncset.done @!p0 $0x0  }
0x6b: {  	[sflag:s0] =	ssyncadd.s32 @!p0 s1  }
0x6c: {  	[bflag:$0x3] =	sbarrier.arrive $0xFFFF  }
0x6d: {  	_ =	shalt  }

</sc_bundles>
